<compile_context>
chip_gen: v7x
topology: tpu7x:2x2x1
jax: 0.10.2.dev20260603
libtpu: 0.0.44.dev20260713+nightly
codegen_flags: <defaults>
</compile_context>

<pallas_src>
import jax
import jax.numpy as jnp
from jax import lax
from jax.experimental import pallas as pl
from jax.experimental.pallas import tpu as pltpu
from jax.experimental.pallas import tpu_sc as plsc

NUM_WORKERS = 32
LANES = 16
BATCH = 16384
EMBED_DIM = 64
NUM_ENT = 1000000
NUM_REL = 1000
CHW = 256
N_FULL = NUM_ENT // CHW
N_CHUNKS = N_FULL + 1
TAIL_START = N_FULL * CHW
TAIL_W = NUM_ENT - TAIL_START
BASE_CH = N_CHUNKS // NUM_WORKERS
EXTRA = N_CHUNKS - BASE_CH * NUM_WORKERS
WIN = 2048
CAP = 1024
PARK = 2 * CHW


def _sread(ref, i):
    return ref[pl.ds(i, LANES)][0]


def _transe_body(head_hbm, rel_hbm, entT_hbm, relT_hbm, tailT_hbm, out_hbm,
                 hwin, rwin, clist, rlist, spk, srl, cc, offs, offs2,
                 cbuf, relv, rows_v, posb, csem, osem):
    wid = lax.axis_index("s") * 2 + lax.axis_index("c")
    n_ch = BASE_CH + jnp.where(wid < EXTRA, 1, 0)
    cstart = wid * BASE_CH + jnp.minimum(wid, EXTRA)
    lo = cstart * CHW
    hi = (cstart + n_ch) * CHW
    lane = lax.iota(jnp.int32, LANES)
    lane0 = lane == 0

    def _swrite(ref, i, val):
        plsc.store_scatter(ref, [jnp.full((LANES,), i, jnp.int32)],
                           jnp.full((LANES,), val, jnp.int32), mask=lane0)

    pltpu.sync_copy(relT_hbm, relv)
    pltpu.sync_copy(tailT_hbm, cbuf.at[:, pl.ds(PARK, 128)])

    count = jnp.int32(0)
    for win in range(BATCH // WIN):
        pltpu.sync_copy(head_hbm.at[pl.ds(win * WIN, WIN)], hwin)
        pltpu.sync_copy(rel_hbm.at[pl.ds(win * WIN, WIN)], rwin)

        def scan_group(g, cnt, _win=win):
            sl = pl.ds(g * LANES, LANES)
            hv = hwin[sl]
            rv = rwin[sl]
            pos = jnp.int32(_win * WIN) + g * LANES + lane
            m = jnp.logical_and(hv >= lo, hv < hi)
            pk = lax.shift_left(hv - lo, 14) + pos
            plsc.store_compressed(clist.at[pl.ds(cnt, LANES)], pk, mask=m)
            plsc.store_compressed(rlist.at[pl.ds(cnt, LANES)], rv, mask=m)
            return cnt + jnp.sum(m.astype(jnp.int32))

        count = lax.fori_loop(0, WIN // LANES, scan_group, count)

    zeros = jnp.zeros((LANES,), jnp.int32)
    for g in range(8):
        cc[pl.ds(g * LANES, LANES)] = zeros

    def count_group(j, carry):
        sl = pl.ds(j * LANES, LANES)
        pkv = clist[sl]
        valid = (j * LANES + lane) < count
        plsc.addupdate_scatter(
            cc, [lax.shift_right_logical(pkv, 22)],
            jnp.ones((LANES,), jnp.int32), mask=valid)
        return carry

    lax.fori_loop(0, CAP // LANES, count_group, 0)

    tot = jnp.int32(0)
    for g in range(8):
        sl = pl.ds(g * LANES, LANES)
        v = cc[sl]
        ex = plsc.cumsum(v) - v + tot
        offs[sl] = ex
        offs2[sl] = ex
        tot = tot + jnp.sum(v)

    def redist(j, carry):
        pk = _sread(clist, j)
        rl = _sread(rlist, j)
        ch = lax.shift_right_logical(pk, 22)
        slot = _sread(offs2, ch)
        _swrite(offs2, ch, slot + 1)
        _swrite(spk, slot, pk)
        _swrite(srl, slot, rl)
        return carry

    lax.fori_loop(0, count, redist, 0)

    n_full_local = n_ch - jnp.where(wid == NUM_WORKERS - 1, 1, 0)

    def nonempty(i):
        return _sread(offs, i + 1) > _sread(offs, i)

    def fire(i):
        @pl.when(jnp.logical_and(i < n_full_local, nonempty(i)))
        def _():
            off = lax.bitwise_and(i, jnp.int32(1)) * CHW
            pltpu.async_copy(
                entT_hbm.at[:, pl.ds((cstart + i) * CHW, CHW)],
                cbuf.at[:, pl.ds(off, CHW)], csem)

    def drain(i):
        @pl.when(nonempty(i))
        def _():
            pltpu.make_async_copy(
                entT_hbm.at[:, pl.ds(0, CHW)],
                cbuf.at[:, pl.ds(0, CHW)], csem).wait()

    def extract(s0, s1, colbase, mf):

        def entry(s, mf):
            m, f, _ = mf
            pk = _sread(spk, s)
            rl = _sread(srl, s)
            col = colbase + lax.shift_right_logical(pk, 14)
            p = lax.bitwise_and(pk, jnp.int32(16383))
            slot = lax.bitwise_and(m, jnp.int32(15))
            bank = lax.bitwise_and(f, jnp.int32(1))
            row = bank * LANES + slot
            colv = jnp.full((LANES,), col, jnp.int32)
            rlv = jnp.full((LANES,), rl, jnp.int32)
            rowv = jnp.full((LANES,), row, jnp.int32)
            for g in range(EMBED_DIM // LANES):
                dvec = jnp.arange(g * LANES, (g + 1) * LANES, dtype=jnp.int32)
                ev = plsc.load_gather(cbuf, [dvec, colv])
                rvv = plsc.load_gather(relv, [dvec, rlv])
                plsc.store_scatter(rows_v, [rowv, g * LANES + lane], ev + rvv)
            plsc.store_scatter(posb, [jnp.full((LANES,), bank, jnp.int32),
                                      jnp.full((LANES,), slot, jnp.int32)],
                               jnp.full((LANES,), p, jnp.int32), mask=lane0)

            @pl.when(slot == 15)
            def _():
                @pl.when(f > 0)
                def _():
                    pltpu.make_async_copy(
                        rows_v.at[pl.ds(0, LANES)],
                        out_hbm.at[pl.ds(0, LANES)], osem).wait()

                pltpu.async_copy(rows_v.at[pl.ds(bank * LANES, LANES)],
                                 out_hbm.at[posb.at[bank]], osem)

            return (m + 1,
                    f + jnp.where(slot == 15, 1, 0).astype(jnp.int32), p)

        return lax.fori_loop(s0, s1, entry, mf)

    def chunk_body(i, mf):
        fire(i + 1)
        drain(i)
        off = lax.bitwise_and(i, jnp.int32(1)) * CHW
        s0 = _sread(offs, i)
        s1 = _sread(offs, i + 1)
        return extract(s0, s1, off - i * CHW, mf)

    def _finish(mf):
        m, f, lastp = mf
        rem = lax.bitwise_and(m, jnp.int32(15))
        bank = lax.bitwise_and(f, jnp.int32(1))

        @pl.when(f > 0)
        def _():
            pltpu.make_async_copy(rows_v.at[pl.ds(0, LANES)],
                                  out_hbm.at[pl.ds(0, LANES)], osem).wait()

        @pl.when(rem != 0)
        def _():
            def pad(g, carry):
                plsc.store_scatter(
                    posb, [jnp.full((LANES,), bank, jnp.int32),
                           jnp.full((LANES,), g, jnp.int32)],
                    jnp.full((LANES,), lastp, jnp.int32), mask=lane0)
                rowg = bank * LANES + g
                for q in range(EMBED_DIM // LANES):
                    src = plsc.load_gather(
                        rows_v, [jnp.full((LANES,), bank * LANES + rem - 1,
                                          jnp.int32), q * LANES + lane])
                    plsc.store_scatter(
                        rows_v, [jnp.full((LANES,), rowg, jnp.int32),
                                 q * LANES + lane], src)
                return carry

            lax.fori_loop(rem, 16, pad, 0)
            pltpu.sync_copy(rows_v.at[pl.ds(bank * LANES, LANES)],
                            out_hbm.at[posb.at[bank]])

    fire(jnp.int32(0))
    mf = lax.fori_loop(0, n_full_local, chunk_body,
                       (jnp.int32(0), jnp.int32(0), jnp.int32(0)))

    @pl.when(wid == NUM_WORKERS - 1)
    def _():
        s0 = _sread(offs, n_full_local)
        _finish(extract(s0, count, PARK - n_full_local * CHW, mf))

    @pl.when(wid != NUM_WORKERS - 1)
    def _():
        _finish(mf)


@jax.jit
def _transe(head, relation, entity_embeddings, relation_embeddings):
    mesh = plsc.VectorSubcoreMesh(core_axis_name="c", subcore_axis_name="s")
    out_wide = pl.kernel(
        _transe_body,
        out_type=jax.ShapeDtypeStruct((BATCH, 2 * EMBED_DIM), jnp.float32),
        mesh=mesh,
        scratch_types=[
            pltpu.VMEM((WIN,), jnp.int32),
            pltpu.VMEM((WIN,), jnp.int32),
            pltpu.VMEM((CAP + LANES,), jnp.int32),
            pltpu.VMEM((CAP + LANES,), jnp.int32),
            pltpu.VMEM((CAP + LANES,), jnp.int32),
            pltpu.VMEM((CAP + LANES,), jnp.int32),
            pltpu.VMEM((128,), jnp.int32),
            pltpu.VMEM((128 + LANES,), jnp.int32),
            pltpu.VMEM((128 + LANES,), jnp.int32),
            pltpu.VMEM((EMBED_DIM, PARK + 128), jnp.float32),
            pltpu.VMEM((EMBED_DIM, 1024), jnp.float32),
            pltpu.VMEM((2 * LANES, 2 * EMBED_DIM), jnp.float32),
            pltpu.VMEM((2, LANES), jnp.int32),
            pltpu.SemaphoreType.DMA,
            pltpu.SemaphoreType.DMA,
        ],
        compiler_params=pltpu.CompilerParams(needs_layout_passes=False),
    )(head, relation, entity_embeddings.T,
      jnp.pad(relation_embeddings.T, ((0, 0), (0, 1024 - NUM_REL))),
      jnp.pad(entity_embeddings.T[:, TAIL_START:], ((0, 0), (0, TAIL_W))))
    return out_wide[:, :EMBED_DIM]


def kernel(head, relation, entity_embeddings, relation_embeddings):
    return _transe(head, relation, entity_embeddings, relation_embeddings)

# --- scband reference (transcript-rebuilt; emitter-appended) ---
"""Pipeline reference for scband-trans-e-57131654971827 (READ-ONLY COPY).

The authoritative reference and input builder live on the scoring server;
editing this copy changes nothing except your own understanding.
"""

import jax, jax.numpy as jnp
import numpy as np

NUM_ENTITIES = 1000000
NUM_RELATIONS = 1000
EMBED_DIM = 64
BATCH = 16384


def _xavier_uniform(key, shape):
    fan_in, fan_out = shape[0], shape[1]
    limit = float(np.sqrt(6.0 / (fan_in + fan_out)))
    return jax.random.uniform(key, shape, dtype=jnp.float32, minval=-limit, maxval=limit)


def setup_inputs(seed: int = 0) -> dict:
    key = jax.random.key(seed)
    k_head, k_rel, k_ent_w, k_rel_w = jax.random.split(key, 4)
    head = jax.random.randint(k_head, (BATCH,), 0, NUM_ENTITIES, dtype=jnp.int64 if jax.config.jax_enable_x64 else jnp.int32).astype(jnp.int32)
    relation = jax.random.randint(k_rel, (BATCH,), 0, NUM_RELATIONS, dtype=jnp.int64 if jax.config.jax_enable_x64 else jnp.int32).astype(jnp.int32)
    entity_embeddings = _xavier_uniform(k_ent_w, (NUM_ENTITIES, EMBED_DIM))
    relation_embeddings = _xavier_uniform(k_rel_w, (NUM_RELATIONS, EMBED_DIM))
    return {
        "head": head,
        "relation": relation,
        "entity_embeddings": entity_embeddings,
        "relation_embeddings": relation_embeddings,
    }


def reference(head, relation, entity_embeddings, relation_embeddings):
    # TransE.forward: head_emb + relation_emb
    head_emb = jnp.take(entity_embeddings, head, axis=0)
    relation_emb = jnp.take(relation_embeddings, relation, axis=0)
    return head_emb + relation_emb

if __name__ == "__main__":
    import jax
    _d = setup_inputs()
    print(jax.jit(kernel)(*tuple(_d.values())))

</pallas_src>

<mosaic_0001>
#map = affine_map<(d0, d1) -> (0)>
#map1 = affine_map<(d0, d1) -> (0, 0)>
module attributes {stable_mosaic.version = 14 : i64} {
  func.func @_transe_body(%arg0: i32, %arg1: i32, %arg2: memref<16384xi32, #tpu.memory_space<hbm>>, %arg3: memref<16384xi32, #tpu.memory_space<hbm>>, %arg4: memref<64x1000000xf32, #tpu.memory_space<hbm>>, %arg5: memref<64x1024xf32, #tpu.memory_space<hbm>>, %arg6: memref<64x128xf32, #tpu.memory_space<hbm>>, %arg7: memref<16384x128xf32, #tpu.memory_space<hbm>>, %arg8: memref<2048xi32, #tpu.memory_space<vmem>>, %arg9: memref<2048xi32, #tpu.memory_space<vmem>>, %arg10: memref<1040xi32, #tpu.memory_space<vmem>>, %arg11: memref<1040xi32, #tpu.memory_space<vmem>>, %arg12: memref<1040xi32, #tpu.memory_space<vmem>>, %arg13: memref<1040xi32, #tpu.memory_space<vmem>>, %arg14: memref<128xi32, #tpu.memory_space<vmem>>, %arg15: memref<144xi32, #tpu.memory_space<vmem>>, %arg16: memref<144xi32, #tpu.memory_space<vmem>>, %arg17: memref<64x640xf32, #tpu.memory_space<vmem>>, %arg18: memref<64x1024xf32, #tpu.memory_space<vmem>>, %arg19: memref<32x128xf32, #tpu.memory_space<vmem>>, %arg20: memref<2x16xi32, #tpu.memory_space<vmem>>, %arg21: memref<!tpu.dma_semaphore, #tpu.memory_space<semaphore_mem>>, %arg22: memref<!tpu.dma_semaphore, #tpu.memory_space<semaphore_mem>>) attributes {dimension_semantics = [#tpu.dimension_semantics<core_parallel>, #tpu.dimension_semantics<subcore_parallel>], iteration_bounds = array<i64: 2, 16>, scalar_prefetch = 0 : i64, scratch_operands = 15 : i64, tpu.core_type = #tpu.core_type<sc_vector_subcore>, window_params = [{transform_indices = #map}, {transform_indices = #map}, {transform_indices = #map1}, {transform_indices = #map1}, {transform_indices = #map1}, {transform_indices = #map1}]} {
    %mul3A = arith.constant 2 : i32
    %mul3A_0 = arith.muli %arg1, %mul3A : i32
    %add3A = arith.addi %mul3A_0, %arg0 : i32
    %lt3A = arith.constant 3 : i32
    %lt3A_1 = arith.cmpi slt, %add3A, %lt3A : i32
    %jit3A = arith.constant 1 : i32
    %jit3A_2 = arith.constant 0 : i32
    %select_n3A = arith.select %lt3A_1, %jit3A, %jit3A_2 : i32
    %add3A_3 = arith.constant 122 : i32
    %add3A_4 = arith.addi %add3A_3, %select_n3A : i32
    %mul3A_5 = arith.constant 122 : i32
    %mul3A_6 = arith.muli %add3A, %mul3A_5 : i32
    %min3A = arith.constant 3 : i32
    %min3A_7 = arith.minsi %add3A, %min3A : i32
    %add3A_8 = arith.addi %mul3A_6, %min3A_7 : i32
    %mul3A_9 = arith.constant 256 : i32
    %mul3A_10 = arith.muli %add3A_8, %mul3A_9 : i32
    %add3A_11 = arith.addi %add3A_8, %add3A_4 : i32
    %mul3A_12 = arith.constant 256 : i32
    %mul3A_13 = arith.muli %add3A_11, %mul3A_12 : i32
    %iota3A = tpu.iota {dimensions = array<i32: 0>} : vector<16xi32>
    %eq3A = arith.constant 0 : i32
    %eq3A_14 = vector.broadcast %eq3A : i32 to vector<16xi32>
    %eq3A_15 = arith.cmpi eq, %iota3A, %eq3A_14 : vector<16xi32>
    "tpu.region"() ({
      %run_scoped3A = tpu.sem_alloc : memref<!tpu.dma_semaphore, #tpu.memory_space<semaphore_mem>>
      tpu.enqueue_dma source(%arg5 : memref<64x1024xf32, #tpu.memory_space<hbm>>) target(%arg18 : memref<64x1024xf32, #tpu.memory_space<vmem>>) target_semaphore(%run_scoped3A : memref<!tpu.dma_semaphore, #tpu.memory_space<semaphore_mem>>)
      tpu.wait_dma2 semaphore(%run_scoped3A : memref<!tpu.dma_semaphore, #tpu.memory_space<semaphore_mem>>) src(%arg5 : memref<64x1024xf32, #tpu.memory_space<hbm>>) dst(%arg18 : memref<64x1024xf32, #tpu.memory_space<vmem>>)
      tpu.yield
    }) : () -> ()
    "tpu.region"() ({
      %run_scoped3A = tpu.sem_alloc : memref<!tpu.dma_semaphore, #tpu.memory_space<semaphore_mem>>
      %dma_start3A = arith.constant 0 : i32
      %dma_start3A_272 = arith.constant 512 : i32
      %dma_start3A_273 = tpu.memref_slice %arg17[%dma_start3A, %dma_start3A_272] : memref<64x640xf32, #tpu.memory_space<vmem>> -> memref<64x128xf32, #tpu.memory_space<vmem>>
      %dma_start3A_274 = arith.constant 0 : i32
      %dma_start3A_275 = arith.constant 512 : i32
      %dma_start3A_276 = tpu.memref_slice %arg17[%dma_start3A_274, %dma_start3A_275] : memref<64x640xf32, #tpu.memory_space<vmem>> -> memref<64x128xf32, #tpu.memory_space<vmem>>
      tpu.enqueue_dma source(%arg6 : memref<64x128xf32, #tpu.memory_space<hbm>>) target(%dma_start3A_276 : memref<64x128xf32, #tpu.memory_space<vmem>>) target_semaphore(%run_scoped3A : memref<!tpu.dma_semaphore, #tpu.memory_space<semaphore_mem>>)
      %dma_wait3A = arith.constant 0 : i32
      %dma_wait3A_277 = arith.constant 512 : i32
      %dma_wait3A_278 = tpu.memref_slice %arg17[%dma_wait3A, %dma_wait3A_277] : memref<64x640xf32, #tpu.memory_space<vmem>> -> memref<64x128xf32, #tpu.memory_space<vmem>>
      %dma_wait3A_279 = arith.constant 0 : i32
      %dma_wait3A_280 = arith.constant 512 : i32
      %dma_wait3A_281 = tpu.memref_slice %arg17[%dma_wait3A_279, %dma_wait3A_280] : memref<64x640xf32, #tpu.memory_space<vmem>> -> memref<64x128xf32, #tpu.memory_space<vmem>>
      tpu.wait_dma2 semaphore(%run_scoped3A : memref<!tpu.dma_semaphore, #tpu.memory_space<semaphore_mem>>) src(%arg6 : memref<64x128xf32, #tpu.memory_space<hbm>>) dst(%dma_wait3A_281 : memref<64x128xf32, #tpu.memory_space<vmem>>)
      tpu.yield
    }) : () -> ()
    "tpu.region"() ({
      %run_scoped3A = tpu.sem_alloc : memref<!tpu.dma_semaphore, #tpu.memory_space<semaphore_mem>>
      %dma_start3A = arith.constant 0 : i32
      %dma_start3A_272 = tpu.memref_slice %arg2[%dma_start3A] : memref<16384xi32, #tpu.memory_space<hbm>> -> memref<2048xi32, #tpu.memory_space<hbm>>
      %dma_start3A_273 = arith.constant 0 : i32
      %dma_start3A_274 = tpu.memref_slice %arg2[%dma_start3A_273] : memref<16384xi32, #tpu.memory_space<hbm>> -> memref<2048xi32, #tpu.memory_space<hbm>>
      tpu.enqueue_dma source(%dma_start3A_274 : memref<2048xi32, #tpu.memory_space<hbm>>) target(%arg8 : memref<2048xi32, #tpu.memory_space<vmem>>) target_semaphore(%run_scoped3A : memref<!tpu.dma_semaphore, #tpu.memory_space<semaphore_mem>>)
      %dma_wait3A = arith.constant 0 : i32
      %dma_wait3A_275 = tpu.memref_slice %arg2[%dma_wait3A] : memref<16384xi32, #tpu.memory_space<hbm>> -> memref<2048xi32, #tpu.memory_space<hbm>>
      %dma_wait3A_276 = arith.constant 0 : i32
      %dma_wait3A_277 = tpu.memref_slice %arg2[%dma_wait3A_276] : memref<16384xi32, #tpu.memory_space<hbm>> -> memref<2048xi32, #tpu.memory_space<hbm>>
      tpu.wait_dma2 semaphore(%run_scoped3A : memref<!tpu.dma_semaphore, #tpu.memory_space<semaphore_mem>>) src(%dma_wait3A_277 : memref<2048xi32, #tpu.memory_space<hbm>>) dst(%arg8 : memref<2048xi32, #tpu.memory_space<vmem>>)
      tpu.yield
    }) : () -> ()
    "tpu.region"() ({
      %run_scoped3A = tpu.sem_alloc : memref<!tpu.dma_semaphore, #tpu.memory_space<semaphore_mem>>
      %dma_start3A = arith.constant 0 : i32
      %dma_start3A_272 = tpu.memref_slice %arg3[%dma_start3A] : memref<16384xi32, #tpu.memory_space<hbm>> -> memref<2048xi32, #tpu.memory_space<hbm>>
      %dma_start3A_273 = arith.constant 0 : i32
      %dma_start3A_274 = tpu.memref_slice %arg3[%dma_start3A_273] : memref<16384xi32, #tpu.memory_space<hbm>> -> memref<2048xi32, #tpu.memory_space<hbm>>
      tpu.enqueue_dma source(%dma_start3A_274 : memref<2048xi32, #tpu.memory_space<hbm>>) target(%arg9 : memref<2048xi32, #tpu.memory_space<vmem>>) target_semaphore(%run_scoped3A : memref<!tpu.dma_semaphore, #tpu.memory_space<semaphore_mem>>)
      %dma_wait3A = arith.constant 0 : i32
      %dma_wait3A_275 = tpu.memref_slice %arg3[%dma_wait3A] : memref<16384xi32, #tpu.memory_space<hbm>> -> memref<2048xi32, #tpu.memory_space<hbm>>
      %dma_wait3A_276 = arith.constant 0 : i32
      %dma_wait3A_277 = tpu.memref_slice %arg3[%dma_wait3A_276] : memref<16384xi32, #tpu.memory_space<hbm>> -> memref<2048xi32, #tpu.memory_space<hbm>>
      tpu.wait_dma2 semaphore(%run_scoped3A : memref<!tpu.dma_semaphore, #tpu.memory_space<semaphore_mem>>) src(%dma_wait3A_277 : memref<2048xi32, #tpu.memory_space<hbm>>) dst(%arg9 : memref<2048xi32, #tpu.memory_space<vmem>>)
      tpu.yield
    }) : () -> ()
    %scan3A = arith.constant 0 : i32
    %scan3A_16 = arith.constant 0 : i32
    %scan3A_17 = arith.constant 128 : i32
    %scan3A_18 = arith.addi %scan3A_16, %scan3A_17 : i32
    %scan3A_19 = arith.constant 1 : i32
    %scan3A_20 = scf.for %scan3A_272 = %scan3A_16 to %scan3A_18 step %scan3A_19 iter_args(%scan3A_273 = %scan3A) -> (i32)  : i32 {
      %mul3A_274 = arith.constant 16 : i32
      %mul3A_275 = arith.muli %scan3A_272, %mul3A_274 : i32
      %get3A_276 = arith.index_cast %mul3A_275 : i32 to index
      %get3A_277 = tpu.vector_load %arg8[%get3A_276] {strides = array<i32>} : memref<2048xi32, #tpu.memory_space<vmem>>, vector<16xi32>,
      %get3A_278 = arith.index_cast %mul3A_275 : i32 to index
      %get3A_279 = tpu.vector_load %arg9[%get3A_278] {strides = array<i32>} : memref<2048xi32, #tpu.memory_space<vmem>>, vector<16xi32>,
      %mul3A_280 = arith.constant 16 : i32
      %mul3A_281 = arith.muli %scan3A_272, %mul3A_280 : i32
      %add3A_282 = arith.constant 0 : i32
      %add3A_283 = arith.addi %add3A_282, %mul3A_281 : i32
      %add3A_284 = vector.broadcast %add3A_283 : i32 to vector<16xi32>
      %add3A_285 = arith.addi %add3A_284, %iota3A : vector<16xi32>
      %ge3A = vector.broadcast %mul3A_10 : i32 to vector<16xi32>
      %ge3A_286 = arith.cmpi sge, %get3A_277, %ge3A : vector<16xi32>
      %lt3A_287 = vector.broadcast %mul3A_13 : i32 to vector<16xi32>
      %lt3A_288 = arith.cmpi slt, %get3A_277, %lt3A_287 : vector<16xi32>
      %and3A_289 = arith.andi %ge3A_286, %lt3A_288 : vector<16xi1>
      %sub3A_290 = vector.broadcast %mul3A_10 : i32 to vector<16xi32>
      %sub3A_291 = arith.subi %get3A_277, %sub3A_290 : vector<16xi32>
      %shift_left3A = arith.constant 14 : i32
      %shift_left3A_292 = vector.broadcast %shift_left3A : i32 to vector<16xi32>
      %shift_left3A_293 = arith.shli %sub3A_291, %shift_left3A_292 : vector<16xi32>
      %add3A_294 = arith.addi %shift_left3A_293, %add3A_285 : vector<16xi32>
      %swap3A_295 = arith.index_cast %scan3A_273 : i32 to index
      %swap3A_296 = tpu.vector_load %arg10[%swap3A_295] masked %and3A_289 {strides = array<i32>} : memref<1040xi32, #tpu.memory_space<vmem>>, vector<16xi32>, vector<16xi1>
      tpu.vector_store %arg10[%swap3A_295], %add3A_294 masked %and3A_289 {strides = array<i32>} : memref<1040xi32, #tpu.memory_space<vmem>>, vector<16xi32>, vector<16xi1>
      %swap3A_297 = arith.index_cast %scan3A_273 : i32 to index
      %swap3A_298 = tpu.vector_load %arg11[%swap3A_297] masked %and3A_289 {strides = array<i32>} : memref<1040xi32, #tpu.memory_space<vmem>>, vector<16xi32>, vector<16xi1>
      tpu.vector_store %arg11[%swap3A_297], %get3A_279 masked %and3A_289 {strides = array<i32>} : memref<1040xi32, #tpu.memory_space<vmem>>, vector<16xi32>, vector<16xi1>
      %convert_element_type3A_299 = arith.extui %and3A_289 : vector<16xi1> to vector<16xi32>
      %reduce_sum3A_300 = arith.constant true
      %reduce_sum3A_301 = vector.broadcast %reduce_sum3A_300 : i1 to vector<16xi1>
      %reduce_sum3A_302 = tpu.scan <sum>, %convert_element_type3A_299 masked %reduce_sum3A_301 : vector<16xi32>, vector<16xi1> -> vector<16xi32>
      %reduce_sum3A_303 = vector.extract %reduce_sum3A_302[15] : i32 from vector<16xi32>
      %add3A_304 = arith.addi %scan3A_273, %reduce_sum3A_303 : i32
      scf.yield %add3A_304 : i32
    }
    %scan3A_21 = arith.constant 128 : i32
    "tpu.region"() ({
      %run_scoped3A = tpu.sem_alloc : memref<!tpu.dma_semaphore, #tpu.memory_space<semaphore_mem>>
      %dma_start3A = arith.constant 2048 : i32
      %dma_start3A_272 = tpu.memref_slice %arg2[%dma_start3A] : memref<16384xi32, #tpu.memory_space<hbm>> -> memref<2048xi32, #tpu.memory_space<hbm>>
      %dma_start3A_273 = arith.constant 2048 : i32
      %dma_start3A_274 = tpu.memref_slice %arg2[%dma_start3A_273] : memref<16384xi32, #tpu.memory_space<hbm>> -> memref<2048xi32, #tpu.memory_space<hbm>>
      tpu.enqueue_dma source(%dma_start3A_274 : memref<2048xi32, #tpu.memory_space<hbm>>) target(%arg8 : memref<2048xi32, #tpu.memory_space<vmem>>) target_semaphore(%run_scoped3A : memref<!tpu.dma_semaphore, #tpu.memory_space<semaphore_mem>>)
      %dma_wait3A = arith.constant 2048 : i32
      %dma_wait3A_275 = tpu.memref_slice %arg2[%dma_wait3A] : memref<16384xi32, #tpu.memory_space<hbm>> -> memref<2048xi32, #tpu.memory_space<hbm>>
      %dma_wait3A_276 = arith.constant 2048 : i32
      %dma_wait3A_277 = tpu.memref_slice %arg2[%dma_wait3A_276] : memref<16384xi32, #tpu.memory_space<hbm>> -> memref<2048xi32, #tpu.memory_space<hbm>>
      tpu.wait_dma2 semaphore(%run_scoped3A : memref<!tpu.dma_semaphore, #tpu.memory_space<semaphore_mem>>) src(%dma_wait3A_277 : memref<2048xi32, #tpu.memory_space<hbm>>) dst(%arg8 : memref<2048xi32, #tpu.memory_space<vmem>>)
      tpu.yield
    }) : () -> ()
    "tpu.region"() ({
      %run_scoped3A = tpu.sem_alloc : memref<!tpu.dma_semaphore, #tpu.memory_space<semaphore_mem>>
      %dma_start3A = arith.constant 2048 : i32
      %dma_start3A_272 = tpu.memref_slice %arg3[%dma_start3A] : memref<16384xi32, #tpu.memory_space<hbm>> -> memref<2048xi32, #tpu.memory_space<hbm>>
      %dma_start3A_273 = arith.constant 2048 : i32
      %dma_start3A_274 = tpu.memref_slice %arg3[%dma_start3A_273] : memref<16384xi32, #tpu.memory_space<hbm>> -> memref<2048xi32, #tpu.memory_space<hbm>>
      tpu.enqueue_dma source(%dma_start3A_274 : memref<2048xi32, #tpu.memory_space<hbm>>) target(%arg9 : memref<2048xi32, #tpu.memory_space<vmem>>) target_semaphore(%run_scoped3A : memref<!tpu.dma_semaphore, #tpu.memory_space<semaphore_mem>>)
      %dma_wait3A = arith.constant 2048 : i32
      %dma_wait3A_275 = tpu.memref_slice %arg3[%dma_wait3A] : memref<16384xi32, #tpu.memory_space<hbm>> -> memref<2048xi32, #tpu.memory_space<hbm>>
      %dma_wait3A_276 = arith.constant 2048 : i32
      %dma_wait3A_277 = tpu.memref_slice %arg3[%dma_wait3A_276] : memref<16384xi32, #tpu.memory_space<hbm>> -> memref<2048xi32, #tpu.memory_space<hbm>>
      tpu.wait_dma2 semaphore(%run_scoped3A : memref<!tpu.dma_semaphore, #tpu.memory_space<semaphore_mem>>) src(%dma_wait3A_277 : memref<2048xi32, #tpu.memory_space<hbm>>) dst(%arg9 : memref<2048xi32, #tpu.memory_space<vmem>>)
      tpu.yield
    }) : () -> ()
    %scan3A_22 = arith.constant 0 : i32
    %scan3A_23 = arith.constant 128 : i32
    %scan3A_24 = arith.addi %scan3A_22, %scan3A_23 : i32
    %scan3A_25 = arith.constant 1 : i32
    %scan3A_26 = scf.for %scan3A_272 = %scan3A_22 to %scan3A_24 step %scan3A_25 iter_args(%scan3A_273 = %scan3A_20) -> (i32)  : i32 {
      %mul3A_274 = arith.constant 16 : i32
      %mul3A_275 = arith.muli %scan3A_272, %mul3A_274 : i32
      %get3A_276 = arith.index_cast %mul3A_275 : i32 to index
      %get3A_277 = tpu.vector_load %arg8[%get3A_276] {strides = array<i32>} : memref<2048xi32, #tpu.memory_space<vmem>>, vector<16xi32>,
      %get3A_278 = arith.index_cast %mul3A_275 : i32 to index
      %get3A_279 = tpu.vector_load %arg9[%get3A_278] {strides = array<i32>} : memref<2048xi32, #tpu.memory_space<vmem>>, vector<16xi32>,
      %mul3A_280 = arith.constant 16 : i32
      %mul3A_281 = arith.muli %scan3A_272, %mul3A_280 : i32
      %add3A_282 = arith.constant 2048 : i32
      %add3A_283 = arith.addi %add3A_282, %mul3A_281 : i32
      %add3A_284 = vector.broadcast %add3A_283 : i32 to vector<16xi32>
      %add3A_285 = arith.addi %add3A_284, %iota3A : vector<16xi32>
      %ge3A = vector.broadcast %mul3A_10 : i32 to vector<16xi32>
      %ge3A_286 = arith.cmpi sge, %get3A_277, %ge3A : vector<16xi32>
      %lt3A_287 = vector.broadcast %mul3A_13 : i32 to vector<16xi32>
      %lt3A_288 = arith.cmpi slt, %get3A_277, %lt3A_287 : vector<16xi32>
      %and3A_289 = arith.andi %ge3A_286, %lt3A_288 : vector<16xi1>
      %sub3A_290 = vector.broadcast %mul3A_10 : i32 to vector<16xi32>
      %sub3A_291 = arith.subi %get3A_277, %sub3A_290 : vector<16xi32>
      %shift_left3A = arith.constant 14 : i32
      %shift_left3A_292 = vector.broadcast %shift_left3A : i32 to vector<16xi32>
      %shift_left3A_293 = arith.shli %sub3A_291, %shift_left3A_292 : vector<16xi32>
      %add3A_294 = arith.addi %shift_left3A_293, %add3A_285 : vector<16xi32>
      %swap3A_295 = arith.index_cast %scan3A_273 : i32 to index
      %swap3A_296 = tpu.vector_load %arg10[%swap3A_295] masked %and3A_289 {strides = array<i32>} : memref<1040xi32, #tpu.memory_space<vmem>>, vector<16xi32>, vector<16xi1>
      tpu.vector_store %arg10[%swap3A_295], %add3A_294 masked %and3A_289 {strides = array<i32>} : memref<1040xi32, #tpu.memory_space<vmem>>, vector<16xi32>, vector<16xi1>
      %swap3A_297 = arith.index_cast %scan3A_273 : i32 to index
      %swap3A_298 = tpu.vector_load %arg11[%swap3A_297] masked %and3A_289 {strides = array<i32>} : memref<1040xi32, #tpu.memory_space<vmem>>, vector<16xi32>, vector<16xi1>
      tpu.vector_store %arg11[%swap3A_297], %get3A_279 masked %and3A_289 {strides = array<i32>} : memref<1040xi32, #tpu.memory_space<vmem>>, vector<16xi32>, vector<16xi1>
      %convert_element_type3A_299 = arith.extui %and3A_289 : vector<16xi1> to vector<16xi32>
      %reduce_sum3A_300 = arith.constant true
      %reduce_sum3A_301 = vector.broadcast %reduce_sum3A_300 : i1 to vector<16xi1>
      %reduce_sum3A_302 = tpu.scan <sum>, %convert_element_type3A_299 masked %reduce_sum3A_301 : vector<16xi32>, vector<16xi1> -> vector<16xi32>
      %reduce_sum3A_303 = vector.extract %reduce_sum3A_302[15] : i32 from vector<16xi32>
      %add3A_304 = arith.addi %scan3A_273, %reduce_sum3A_303 : i32
      scf.yield %add3A_304 : i32
    }
    %scan3A_27 = arith.constant 128 : i32
    "tpu.region"() ({
      %run_scoped3A = tpu.sem_alloc : memref<!tpu.dma_semaphore, #tpu.memory_space<semaphore_mem>>
      %dma_start3A = arith.constant 4096 : i32
      %dma_start3A_272 = tpu.memref_slice %arg2[%dma_start3A] : memref<16384xi32, #tpu.memory_space<hbm>> -> memref<2048xi32, #tpu.memory_space<hbm>>
      %dma_start3A_273 = arith.constant 4096 : i32
      %dma_start3A_274 = tpu.memref_slice %arg2[%dma_start3A_273] : memref<16384xi32, #tpu.memory_space<hbm>> -> memref<2048xi32, #tpu.memory_space<hbm>>
      tpu.enqueue_dma source(%dma_start3A_274 : memref<2048xi32, #tpu.memory_space<hbm>>) target(%arg8 : memref<2048xi32, #tpu.memory_space<vmem>>) target_semaphore(%run_scoped3A : memref<!tpu.dma_semaphore, #tpu.memory_space<semaphore_mem>>)
      %dma_wait3A = arith.constant 4096 : i32
      %dma_wait3A_275 = tpu.memref_slice %arg2[%dma_wait3A] : memref<16384xi32, #tpu.memory_space<hbm>> -> memref<2048xi32, #tpu.memory_space<hbm>>
      %dma_wait3A_276 = arith.constant 4096 : i32
      %dma_wait3A_277 = tpu.memref_slice %arg2[%dma_wait3A_276] : memref<16384xi32, #tpu.memory_space<hbm>> -> memref<2048xi32, #tpu.memory_space<hbm>>
      tpu.wait_dma2 semaphore(%run_scoped3A : memref<!tpu.dma_semaphore, #tpu.memory_space<semaphore_mem>>) src(%dma_wait3A_277 : memref<2048xi32, #tpu.memory_space<hbm>>) dst(%arg8 : memref<2048xi32, #tpu.memory_space<vmem>>)
      tpu.yield
    }) : () -> ()
    "tpu.region"() ({
      %run_scoped3A = tpu.sem_alloc : memref<!tpu.dma_semaphore, #tpu.memory_space<semaphore_mem>>
      %dma_start3A = arith.constant 4096 : i32
      %dma_start3A_272 = tpu.memref_slice %arg3[%dma_start3A] : memref<16384xi32, #tpu.memory_space<hbm>> -> memref<2048xi32, #tpu.memory_space<hbm>>
      %dma_start3A_273 = arith.constant 4096 : i32
      %dma_start3A_274 = tpu.memref_slice %arg3[%dma_start3A_273] : memref<16384xi32, #tpu.memory_space<hbm>> -> memref<2048xi32, #tpu.memory_space<hbm>>
      tpu.enqueue_dma source(%dma_start3A_274 : memref<2048xi32, #tpu.memory_space<hbm>>) target(%arg9 : memref<2048xi32, #tpu.memory_space<vmem>>) target_semaphore(%run_scoped3A : memref<!tpu.dma_semaphore, #tpu.memory_space<semaphore_mem>>)
      %dma_wait3A = arith.constant 4096 : i32
      %dma_wait3A_275 = tpu.memref_slice %arg3[%dma_wait3A] : memref<16384xi32, #tpu.memory_space<hbm>> -> memref<2048xi32, #tpu.memory_space<hbm>>
      %dma_wait3A_276 = arith.constant 4096 : i32
      %dma_wait3A_277 = tpu.memref_slice %arg3[%dma_wait3A_276] : memref<16384xi32, #tpu.memory_space<hbm>> -> memref<2048xi32, #tpu.memory_space<hbm>>
      tpu.wait_dma2 semaphore(%run_scoped3A : memref<!tpu.dma_semaphore, #tpu.memory_space<semaphore_mem>>) src(%dma_wait3A_277 : memref<2048xi32, #tpu.memory_space<hbm>>) dst(%arg9 : memref<2048xi32, #tpu.memory_space<vmem>>)
      tpu.yield
    }) : () -> ()
    %scan3A_28 = arith.constant 0 : i32
    %scan3A_29 = arith.constant 128 : i32
    %scan3A_30 = arith.addi %scan3A_28, %scan3A_29 : i32
    %scan3A_31 = arith.constant 1 : i32
    %scan3A_32 = scf.for %scan3A_272 = %scan3A_28 to %scan3A_30 step %scan3A_31 iter_args(%scan3A_273 = %scan3A_26) -> (i32)  : i32 {
      %mul3A_274 = arith.constant 16 : i32
      %mul3A_275 = arith.muli %scan3A_272, %mul3A_274 : i32
      %get3A_276 = arith.index_cast %mul3A_275 : i32 to index
      %get3A_277 = tpu.vector_load %arg8[%get3A_276] {strides = array<i32>} : memref<2048xi32, #tpu.memory_space<vmem>>, vector<16xi32>,
      %get3A_278 = arith.index_cast %mul3A_275 : i32 to index
      %get3A_279 = tpu.vector_load %arg9[%get3A_278] {strides = array<i32>} : memref<2048xi32, #tpu.memory_space<vmem>>, vector<16xi32>,
      %mul3A_280 = arith.constant 16 : i32
      %mul3A_281 = arith.muli %scan3A_272, %mul3A_280 : i32
      %add3A_282 = arith.constant 4096 : i32
      %add3A_283 = arith.addi %add3A_282, %mul3A_281 : i32
      %add3A_284 = vector.broadcast %add3A_283 : i32 to vector<16xi32>
      %add3A_285 = arith.addi %add3A_284, %iota3A : vector<16xi32>
      %ge3A = vector.broadcast %mul3A_10 : i32 to vector<16xi32>
      %ge3A_286 = arith.cmpi sge, %get3A_277, %ge3A : vector<16xi32>
      %lt3A_287 = vector.broadcast %mul3A_13 : i32 to vector<16xi32>
      %lt3A_288 = arith.cmpi slt, %get3A_277, %lt3A_287 : vector<16xi32>
      %and3A_289 = arith.andi %ge3A_286, %lt3A_288 : vector<16xi1>
      %sub3A_290 = vector.broadcast %mul3A_10 : i32 to vector<16xi32>
      %sub3A_291 = arith.subi %get3A_277, %sub3A_290 : vector<16xi32>
      %shift_left3A = arith.constant 14 : i32
      %shift_left3A_292 = vector.broadcast %shift_left3A : i32 to vector<16xi32>
      %shift_left3A_293 = arith.shli %sub3A_291, %shift_left3A_292 : vector<16xi32>
      %add3A_294 = arith.addi %shift_left3A_293, %add3A_285 : vector<16xi32>
      %swap3A_295 = arith.index_cast %scan3A_273 : i32 to index
      %swap3A_296 = tpu.vector_load %arg10[%swap3A_295] masked %and3A_289 {strides = array<i32>} : memref<1040xi32, #tpu.memory_space<vmem>>, vector<16xi32>, vector<16xi1>
      tpu.vector_store %arg10[%swap3A_295], %add3A_294 masked %and3A_289 {strides = array<i32>} : memref<1040xi32, #tpu.memory_space<vmem>>, vector<16xi32>, vector<16xi1>
      %swap3A_297 = arith.index_cast %scan3A_273 : i32 to index
      %swap3A_298 = tpu.vector_load %arg11[%swap3A_297] masked %and3A_289 {strides = array<i32>} : memref<1040xi32, #tpu.memory_space<vmem>>, vector<16xi32>, vector<16xi1>
      tpu.vector_store %arg11[%swap3A_297], %get3A_279 masked %and3A_289 {strides = array<i32>} : memref<1040xi32, #tpu.memory_space<vmem>>, vector<16xi32>, vector<16xi1>
      %convert_element_type3A_299 = arith.extui %and3A_289 : vector<16xi1> to vector<16xi32>
      %reduce_sum3A_300 = arith.constant true
      %reduce_sum3A_301 = vector.broadcast %reduce_sum3A_300 : i1 to vector<16xi1>
      %reduce_sum3A_302 = tpu.scan <sum>, %convert_element_type3A_299 masked %reduce_sum3A_301 : vector<16xi32>, vector<16xi1> -> vector<16xi32>
      %reduce_sum3A_303 = vector.extract %reduce_sum3A_302[15] : i32 from vector<16xi32>
      %add3A_304 = arith.addi %scan3A_273, %reduce_sum3A_303 : i32
      scf.yield %add3A_304 : i32
    }
    %scan3A_33 = arith.constant 128 : i32
    "tpu.region"() ({
      %run_scoped3A = tpu.sem_alloc : memref<!tpu.dma_semaphore, #tpu.memory_space<semaphore_mem>>
      %dma_start3A = arith.constant 6144 : i32
      %dma_start3A_272 = tpu.memref_slice %arg2[%dma_start3A] : memref<16384xi32, #tpu.memory_space<hbm>> -> memref<2048xi32, #tpu.memory_space<hbm>>
      %dma_start3A_273 = arith.constant 6144 : i32
      %dma_start3A_274 = tpu.memref_slice %arg2[%dma_start3A_273] : memref<16384xi32, #tpu.memory_space<hbm>> -> memref<2048xi32, #tpu.memory_space<hbm>>
      tpu.enqueue_dma source(%dma_start3A_274 : memref<2048xi32, #tpu.memory_space<hbm>>) target(%arg8 : memref<2048xi32, #tpu.memory_space<vmem>>) target_semaphore(%run_scoped3A : memref<!tpu.dma_semaphore, #tpu.memory_space<semaphore_mem>>)
      %dma_wait3A = arith.constant 6144 : i32
      %dma_wait3A_275 = tpu.memref_slice %arg2[%dma_wait3A] : memref<16384xi32, #tpu.memory_space<hbm>> -> memref<2048xi32, #tpu.memory_space<hbm>>
      %dma_wait3A_276 = arith.constant 6144 : i32
      %dma_wait3A_277 = tpu.memref_slice %arg2[%dma_wait3A_276] : memref<16384xi32, #tpu.memory_space<hbm>> -> memref<2048xi32, #tpu.memory_space<hbm>>
      tpu.wait_dma2 semaphore(%run_scoped3A : memref<!tpu.dma_semaphore, #tpu.memory_space<semaphore_mem>>) src(%dma_wait3A_277 : memref<2048xi32, #tpu.memory_space<hbm>>) dst(%arg8 : memref<2048xi32, #tpu.memory_space<vmem>>)
      tpu.yield
    }) : () -> ()
    "tpu.region"() ({
      %run_scoped3A = tpu.sem_alloc : memref<!tpu.dma_semaphore, #tpu.memory_space<semaphore_mem>>
      %dma_start3A = arith.constant 6144 : i32
      %dma_start3A_272 = tpu.memref_slice %arg3[%dma_start3A] : memref<16384xi32, #tpu.memory_space<hbm>> -> memref<2048xi32, #tpu.memory_space<hbm>>
      %dma_start3A_273 = arith.constant 6144 : i32
      %dma_start3A_274 = tpu.memref_slice %arg3[%dma_start3A_273] : memref<16384xi32, #tpu.memory_space<hbm>> -> memref<2048xi32, #tpu.memory_space<hbm>>
      tpu.enqueue_dma source(%dma_start3A_274 : memref<2048xi32, #tpu.memory_space<hbm>>) target(%arg9 : memref<2048xi32, #tpu.memory_space<vmem>>) target_semaphore(%run_scoped3A : memref<!tpu.dma_semaphore, #tpu.memory_space<semaphore_mem>>)
      %dma_wait3A = arith.constant 6144 : i32
      %dma_wait3A_275 = tpu.memref_slice %arg3[%dma_wait3A] : memref<16384xi32, #tpu.memory_space<hbm>> -> memref<2048xi32, #tpu.memory_space<hbm>>
      %dma_wait3A_276 = arith.constant 6144 : i32
      %dma_wait3A_277 = tpu.memref_slice %arg3[%dma_wait3A_276] : memref<16384xi32, #tpu.memory_space<hbm>> -> memref<2048xi32, #tpu.memory_space<hbm>>
      tpu.wait_dma2 semaphore(%run_scoped3A : memref<!tpu.dma_semaphore, #tpu.memory_space<semaphore_mem>>) src(%dma_wait3A_277 : memref<2048xi32, #tpu.memory_space<hbm>>) dst(%arg9 : memref<2048xi32, #tpu.memory_space<vmem>>)
      tpu.yield
    }) : () -> ()
    %scan3A_34 = arith.constant 0 : i32
    %scan3A_35 = arith.constant 128 : i32
    %scan3A_36 = arith.addi %scan3A_34, %scan3A_35 : i32
    %scan3A_37 = arith.constant 1 : i32
    %scan3A_38 = scf.for %scan3A_272 = %scan3A_34 to %scan3A_36 step %scan3A_37 iter_args(%scan3A_273 = %scan3A_32) -> (i32)  : i32 {
      %mul3A_274 = arith.constant 16 : i32
      %mul3A_275 = arith.muli %scan3A_272, %mul3A_274 : i32
      %get3A_276 = arith.index_cast %mul3A_275 : i32 to index
      %get3A_277 = tpu.vector_load %arg8[%get3A_276] {strides = array<i32>} : memref<2048xi32, #tpu.memory_space<vmem>>, vector<16xi32>,
      %get3A_278 = arith.index_cast %mul3A_275 : i32 to index
      %get3A_279 = tpu.vector_load %arg9[%get3A_278] {strides = array<i32>} : memref<2048xi32, #tpu.memory_space<vmem>>, vector<16xi32>,
      %mul3A_280 = arith.constant 16 : i32
      %mul3A_281 = arith.muli %scan3A_272, %mul3A_280 : i32
      %add3A_282 = arith.constant 6144 : i32
      %add3A_283 = arith.addi %add3A_282, %mul3A_281 : i32
      %add3A_284 = vector.broadcast %add3A_283 : i32 to vector<16xi32>
      %add3A_285 = arith.addi %add3A_284, %iota3A : vector<16xi32>
      %ge3A = vector.broadcast %mul3A_10 : i32 to vector<16xi32>
      %ge3A_286 = arith.cmpi sge, %get3A_277, %ge3A : vector<16xi32>
      %lt3A_287 = vector.broadcast %mul3A_13 : i32 to vector<16xi32>
      %lt3A_288 = arith.cmpi slt, %get3A_277, %lt3A_287 : vector<16xi32>
      %and3A_289 = arith.andi %ge3A_286, %lt3A_288 : vector<16xi1>
      %sub3A_290 = vector.broadcast %mul3A_10 : i32 to vector<16xi32>
      %sub3A_291 = arith.subi %get3A_277, %sub3A_290 : vector<16xi32>
      %shift_left3A = arith.constant 14 : i32
      %shift_left3A_292 = vector.broadcast %shift_left3A : i32 to vector<16xi32>
      %shift_left3A_293 = arith.shli %sub3A_291, %shift_left3A_292 : vector<16xi32>
      %add3A_294 = arith.addi %shift_left3A_293, %add3A_285 : vector<16xi32>
      %swap3A_295 = arith.index_cast %scan3A_273 : i32 to index
      %swap3A_296 = tpu.vector_load %arg10[%swap3A_295] masked %and3A_289 {strides = array<i32>} : memref<1040xi32, #tpu.memory_space<vmem>>, vector<16xi32>, vector<16xi1>
      tpu.vector_store %arg10[%swap3A_295], %add3A_294 masked %and3A_289 {strides = array<i32>} : memref<1040xi32, #tpu.memory_space<vmem>>, vector<16xi32>, vector<16xi1>
      %swap3A_297 = arith.index_cast %scan3A_273 : i32 to index
      %swap3A_298 = tpu.vector_load %arg11[%swap3A_297] masked %and3A_289 {strides = array<i32>} : memref<1040xi32, #tpu.memory_space<vmem>>, vector<16xi32>, vector<16xi1>
      tpu.vector_store %arg11[%swap3A_297], %get3A_279 masked %and3A_289 {strides = array<i32>} : memref<1040xi32, #tpu.memory_space<vmem>>, vector<16xi32>, vector<16xi1>
      %convert_element_type3A_299 = arith.extui %and3A_289 : vector<16xi1> to vector<16xi32>
      %reduce_sum3A_300 = arith.constant true
      %reduce_sum3A_301 = vector.broadcast %reduce_sum3A_300 : i1 to vector<16xi1>
      %reduce_sum3A_302 = tpu.scan <sum>, %convert_element_type3A_299 masked %reduce_sum3A_301 : vector<16xi32>, vector<16xi1> -> vector<16xi32>
      %reduce_sum3A_303 = vector.extract %reduce_sum3A_302[15] : i32 from vector<16xi32>
      %add3A_304 = arith.addi %scan3A_273, %reduce_sum3A_303 : i32
      scf.yield %add3A_304 : i32
    }
    %scan3A_39 = arith.constant 128 : i32
    "tpu.region"() ({
      %run_scoped3A = tpu.sem_alloc : memref<!tpu.dma_semaphore, #tpu.memory_space<semaphore_mem>>
      %dma_start3A = arith.constant 8192 : i32
      %dma_start3A_272 = tpu.memref_slice %arg2[%dma_start3A] : memref<16384xi32, #tpu.memory_space<hbm>> -> memref<2048xi32, #tpu.memory_space<hbm>>
      %dma_start3A_273 = arith.constant 8192 : i32
      %dma_start3A_274 = tpu.memref_slice %arg2[%dma_start3A_273] : memref<16384xi32, #tpu.memory_space<hbm>> -> memref<2048xi32, #tpu.memory_space<hbm>>
      tpu.enqueue_dma source(%dma_start3A_274 : memref<2048xi32, #tpu.memory_space<hbm>>) target(%arg8 : memref<2048xi32, #tpu.memory_space<vmem>>) target_semaphore(%run_scoped3A : memref<!tpu.dma_semaphore, #tpu.memory_space<semaphore_mem>>)
      %dma_wait3A = arith.constant 8192 : i32
      %dma_wait3A_275 = tpu.memref_slice %arg2[%dma_wait3A] : memref<16384xi32, #tpu.memory_space<hbm>> -> memref<2048xi32, #tpu.memory_space<hbm>>
      %dma_wait3A_276 = arith.constant 8192 : i32
      %dma_wait3A_277 = tpu.memref_slice %arg2[%dma_wait3A_276] : memref<16384xi32, #tpu.memory_space<hbm>> -> memref<2048xi32, #tpu.memory_space<hbm>>
      tpu.wait_dma2 semaphore(%run_scoped3A : memref<!tpu.dma_semaphore, #tpu.memory_space<semaphore_mem>>) src(%dma_wait3A_277 : memref<2048xi32, #tpu.memory_space<hbm>>) dst(%arg8 : memref<2048xi32, #tpu.memory_space<vmem>>)
      tpu.yield
    }) : () -> ()
    "tpu.region"() ({
      %run_scoped3A = tpu.sem_alloc : memref<!tpu.dma_semaphore, #tpu.memory_space<semaphore_mem>>
      %dma_start3A = arith.constant 8192 : i32
      %dma_start3A_272 = tpu.memref_slice %arg3[%dma_start3A] : memref<16384xi32, #tpu.memory_space<hbm>> -> memref<2048xi32, #tpu.memory_space<hbm>>
      %dma_start3A_273 = arith.constant 8192 : i32
      %dma_start3A_274 = tpu.memref_slice %arg3[%dma_start3A_273] : memref<16384xi32, #tpu.memory_space<hbm>> -> memref<2048xi32, #tpu.memory_space<hbm>>
      tpu.enqueue_dma source(%dma_start3A_274 : memref<2048xi32, #tpu.memory_space<hbm>>) target(%arg9 : memref<2048xi32, #tpu.memory_space<vmem>>) target_semaphore(%run_scoped3A : memref<!tpu.dma_semaphore, #tpu.memory_space<semaphore_mem>>)
      %dma_wait3A = arith.constant 8192 : i32
      %dma_wait3A_275 = tpu.memref_slice %arg3[%dma_wait3A] : memref<16384xi32, #tpu.memory_space<hbm>> -> memref<2048xi32, #tpu.memory_space<hbm>>
      %dma_wait3A_276 = arith.constant 8192 : i32
      %dma_wait3A_277 = tpu.memref_slice %arg3[%dma_wait3A_276] : memref<16384xi32, #tpu.memory_space<hbm>> -> memref<2048xi32, #tpu.memory_space<hbm>>
      tpu.wait_dma2 semaphore(%run_scoped3A : memref<!tpu.dma_semaphore, #tpu.memory_space<semaphore_mem>>) src(%dma_wait3A_277 : memref<2048xi32, #tpu.memory_space<hbm>>) dst(%arg9 : memref<2048xi32, #tpu.memory_space<vmem>>)
      tpu.yield
    }) : () -> ()
    %scan3A_40 = arith.constant 0 : i32
    %scan3A_41 = arith.constant 128 : i32
    %scan3A_42 = arith.addi %scan3A_40, %scan3A_41 : i32
    %scan3A_43 = arith.constant 1 : i32
    %scan3A_44 = scf.for %scan3A_272 = %scan3A_40 to %scan3A_42 step %scan3A_43 iter_args(%scan3A_273 = %scan3A_38) -> (i32)  : i32 {
      %mul3A_274 = arith.constant 16 : i32
      %mul3A_275 = arith.muli %scan3A_272, %mul3A_274 : i32
      %get3A_276 = arith.index_cast %mul3A_275 : i32 to index
      %get3A_277 = tpu.vector_load %arg8[%get3A_276] {strides = array<i32>} : memref<2048xi32, #tpu.memory_space<vmem>>, vector<16xi32>,
      %get3A_278 = arith.index_cast %mul3A_275 : i32 to index
      %get3A_279 = tpu.vector_load %arg9[%get3A_278] {strides = array<i32>} : memref<2048xi32, #tpu.memory_space<vmem>>, vector<16xi32>,
      %mul3A_280 = arith.constant 16 : i32
      %mul3A_281 = arith.muli %scan3A_272, %mul3A_280 : i32
      %add3A_282 = arith.constant 8192 : i32
      %add3A_283 = arith.addi %add3A_282, %mul3A_281 : i32
      %add3A_284 = vector.broadcast %add3A_283 : i32 to vector<16xi32>
      %add3A_285 = arith.addi %add3A_284, %iota3A : vector<16xi32>
      %ge3A = vector.broadcast %mul3A_10 : i32 to vector<16xi32>
      %ge3A_286 = arith.cmpi sge, %get3A_277, %ge3A : vector<16xi32>
      %lt3A_287 = vector.broadcast %mul3A_13 : i32 to vector<16xi32>
      %lt3A_288 = arith.cmpi slt, %get3A_277, %lt3A_287 : vector<16xi32>
      %and3A_289 = arith.andi %ge3A_286, %lt3A_288 : vector<16xi1>
      %sub3A_290 = vector.broadcast %mul3A_10 : i32 to vector<16xi32>
      %sub3A_291 = arith.subi %get3A_277, %sub3A_290 : vector<16xi32>
      %shift_left3A = arith.constant 14 : i32
      %shift_left3A_292 = vector.broadcast %shift_left3A : i32 to vector<16xi32>
      %shift_left3A_293 = arith.shli %sub3A_291, %shift_left3A_292 : vector<16xi32>
      %add3A_294 = arith.addi %shift_left3A_293, %add3A_285 : vector<16xi32>
      %swap3A_295 = arith.index_cast %scan3A_273 : i32 to index
      %swap3A_296 = tpu.vector_load %arg10[%swap3A_295] masked %and3A_289 {strides = array<i32>} : memref<1040xi32, #tpu.memory_space<vmem>>, vector<16xi32>, vector<16xi1>
      tpu.vector_store %arg10[%swap3A_295], %add3A_294 masked %and3A_289 {strides = array<i32>} : memref<1040xi32, #tpu.memory_space<vmem>>, vector<16xi32>, vector<16xi1>
      %swap3A_297 = arith.index_cast %scan3A_273 : i32 to index
      %swap3A_298 = tpu.vector_load %arg11[%swap3A_297] masked %and3A_289 {strides = array<i32>} : memref<1040xi32, #tpu.memory_space<vmem>>, vector<16xi32>, vector<16xi1>
      tpu.vector_store %arg11[%swap3A_297], %get3A_279 masked %and3A_289 {strides = array<i32>} : memref<1040xi32, #tpu.memory_space<vmem>>, vector<16xi32>, vector<16xi1>
      %convert_element_type3A_299 = arith.extui %and3A_289 : vector<16xi1> to vector<16xi32>
      %reduce_sum3A_300 = arith.constant true
      %reduce_sum3A_301 = vector.broadcast %reduce_sum3A_300 : i1 to vector<16xi1>
      %reduce_sum3A_302 = tpu.scan <sum>, %convert_element_type3A_299 masked %reduce_sum3A_301 : vector<16xi32>, vector<16xi1> -> vector<16xi32>
      %reduce_sum3A_303 = vector.extract %reduce_sum3A_302[15] : i32 from vector<16xi32>
      %add3A_304 = arith.addi %scan3A_273, %reduce_sum3A_303 : i32
      scf.yield %add3A_304 : i32
    }
    %scan3A_45 = arith.constant 128 : i32
    "tpu.region"() ({
      %run_scoped3A = tpu.sem_alloc : memref<!tpu.dma_semaphore, #tpu.memory_space<semaphore_mem>>
      %dma_start3A = arith.constant 10240 : i32
      %dma_start3A_272 = tpu.memref_slice %arg2[%dma_start3A] : memref<16384xi32, #tpu.memory_space<hbm>> -> memref<2048xi32, #tpu.memory_space<hbm>>
      %dma_start3A_273 = arith.constant 10240 : i32
      %dma_start3A_274 = tpu.memref_slice %arg2[%dma_start3A_273] : memref<16384xi32, #tpu.memory_space<hbm>> -> memref<2048xi32, #tpu.memory_space<hbm>>
      tpu.enqueue_dma source(%dma_start3A_274 : memref<2048xi32, #tpu.memory_space<hbm>>) target(%arg8 : memref<2048xi32, #tpu.memory_space<vmem>>) target_semaphore(%run_scoped3A : memref<!tpu.dma_semaphore, #tpu.memory_space<semaphore_mem>>)
      %dma_wait3A = arith.constant 10240 : i32
      %dma_wait3A_275 = tpu.memref_slice %arg2[%dma_wait3A] : memref<16384xi32, #tpu.memory_space<hbm>> -> memref<2048xi32, #tpu.memory_space<hbm>>
      %dma_wait3A_276 = arith.constant 10240 : i32
      %dma_wait3A_277 = tpu.memref_slice %arg2[%dma_wait3A_276] : memref<16384xi32, #tpu.memory_space<hbm>> -> memref<2048xi32, #tpu.memory_space<hbm>>
      tpu.wait_dma2 semaphore(%run_scoped3A : memref<!tpu.dma_semaphore, #tpu.memory_space<semaphore_mem>>) src(%dma_wait3A_277 : memref<2048xi32, #tpu.memory_space<hbm>>) dst(%arg8 : memref<2048xi32, #tpu.memory_space<vmem>>)
      tpu.yield
    }) : () -> ()
    "tpu.region"() ({
      %run_scoped3A = tpu.sem_alloc : memref<!tpu.dma_semaphore, #tpu.memory_space<semaphore_mem>>
      %dma_start3A = arith.constant 10240 : i32
      %dma_start3A_272 = tpu.memref_slice %arg3[%dma_start3A] : memref<16384xi32, #tpu.memory_space<hbm>> -> memref<2048xi32, #tpu.memory_space<hbm>>
      %dma_start3A_273 = arith.constant 10240 : i32
      %dma_start3A_274 = tpu.memref_slice %arg3[%dma_start3A_273] : memref<16384xi32, #tpu.memory_space<hbm>> -> memref<2048xi32, #tpu.memory_space<hbm>>
      tpu.enqueue_dma source(%dma_start3A_274 : memref<2048xi32, #tpu.memory_space<hbm>>) target(%arg9 : memref<2048xi32, #tpu.memory_space<vmem>>) target_semaphore(%run_scoped3A : memref<!tpu.dma_semaphore, #tpu.memory_space<semaphore_mem>>)
      %dma_wait3A = arith.constant 10240 : i32
      %dma_wait3A_275 = tpu.memref_slice %arg3[%dma_wait3A] : memref<16384xi32, #tpu.memory_space<hbm>> -> memref<2048xi32, #tpu.memory_space<hbm>>
      %dma_wait3A_276 = arith.constant 10240 : i32
      %dma_wait3A_277 = tpu.memref_slice %arg3[%dma_wait3A_276] : memref<16384xi32, #tpu.memory_space<hbm>> -> memref<2048xi32, #tpu.memory_space<hbm>>
      tpu.wait_dma2 semaphore(%run_scoped3A : memref<!tpu.dma_semaphore, #tpu.memory_space<semaphore_mem>>) src(%dma_wait3A_277 : memref<2048xi32, #tpu.memory_space<hbm>>) dst(%arg9 : memref<2048xi32, #tpu.memory_space<vmem>>)
      tpu.yield
    }) : () -> ()
    %scan3A_46 = arith.constant 0 : i32
    %scan3A_47 = arith.constant 128 : i32
    %scan3A_48 = arith.addi %scan3A_46, %scan3A_47 : i32
    %scan3A_49 = arith.constant 1 : i32
    %scan3A_50 = scf.for %scan3A_272 = %scan3A_46 to %scan3A_48 step %scan3A_49 iter_args(%scan3A_273 = %scan3A_44) -> (i32)  : i32 {
      %mul3A_274 = arith.constant 16 : i32
      %mul3A_275 = arith.muli %scan3A_272, %mul3A_274 : i32
      %get3A_276 = arith.index_cast %mul3A_275 : i32 to index
      %get3A_277 = tpu.vector_load %arg8[%get3A_276] {strides = array<i32>} : memref<2048xi32, #tpu.memory_space<vmem>>, vector<16xi32>,
      %get3A_278 = arith.index_cast %mul3A_275 : i32 to index
      %get3A_279 = tpu.vector_load %arg9[%get3A_278] {strides = array<i32>} : memref<2048xi32, #tpu.memory_space<vmem>>, vector<16xi32>,
      %mul3A_280 = arith.constant 16 : i32
      %mul3A_281 = arith.muli %scan3A_272, %mul3A_280 : i32
      %add3A_282 = arith.constant 10240 : i32
      %add3A_283 = arith.addi %add3A_282, %mul3A_281 : i32
      %add3A_284 = vector.broadcast %add3A_283 : i32 to vector<16xi32>
      %add3A_285 = arith.addi %add3A_284, %iota3A : vector<16xi32>
      %ge3A = vector.broadcast %mul3A_10 : i32 to vector<16xi32>
      %ge3A_286 = arith.cmpi sge, %get3A_277, %ge3A : vector<16xi32>
      %lt3A_287 = vector.broadcast %mul3A_13 : i32 to vector<16xi32>
      %lt3A_288 = arith.cmpi slt, %get3A_277, %lt3A_287 : vector<16xi32>
      %and3A_289 = arith.andi %ge3A_286, %lt3A_288 : vector<16xi1>
      %sub3A_290 = vector.broadcast %mul3A_10 : i32 to vector<16xi32>
      %sub3A_291 = arith.subi %get3A_277, %sub3A_290 : vector<16xi32>
      %shift_left3A = arith.constant 14 : i32
      %shift_left3A_292 = vector.broadcast %shift_left3A : i32 to vector<16xi32>
      %shift_left3A_293 = arith.shli %sub3A_291, %shift_left3A_292 : vector<16xi32>
      %add3A_294 = arith.addi %shift_left3A_293, %add3A_285 : vector<16xi32>
      %swap3A_295 = arith.index_cast %scan3A_273 : i32 to index
      %swap3A_296 = tpu.vector_load %arg10[%swap3A_295] masked %and3A_289 {strides = array<i32>} : memref<1040xi32, #tpu.memory_space<vmem>>, vector<16xi32>, vector<16xi1>
      tpu.vector_store %arg10[%swap3A_295], %add3A_294 masked %and3A_289 {strides = array<i32>} : memref<1040xi32, #tpu.memory_space<vmem>>, vector<16xi32>, vector<16xi1>
      %swap3A_297 = arith.index_cast %scan3A_273 : i32 to index
      %swap3A_298 = tpu.vector_load %arg11[%swap3A_297] masked %and3A_289 {strides = array<i32>} : memref<1040xi32, #tpu.memory_space<vmem>>, vector<16xi32>, vector<16xi1>
      tpu.vector_store %arg11[%swap3A_297], %get3A_279 masked %and3A_289 {strides = array<i32>} : memref<1040xi32, #tpu.memory_space<vmem>>, vector<16xi32>, vector<16xi1>
      %convert_element_type3A_299 = arith.extui %and3A_289 : vector<16xi1> to vector<16xi32>
      %reduce_sum3A_300 = arith.constant true
      %reduce_sum3A_301 = vector.broadcast %reduce_sum3A_300 : i1 to vector<16xi1>
      %reduce_sum3A_302 = tpu.scan <sum>, %convert_element_type3A_299 masked %reduce_sum3A_301 : vector<16xi32>, vector<16xi1> -> vector<16xi32>
      %reduce_sum3A_303 = vector.extract %reduce_sum3A_302[15] : i32 from vector<16xi32>
      %add3A_304 = arith.addi %scan3A_273, %reduce_sum3A_303 : i32
      scf.yield %add3A_304 : i32
    }
    %scan3A_51 = arith.constant 128 : i32
    "tpu.region"() ({
      %run_scoped3A = tpu.sem_alloc : memref<!tpu.dma_semaphore, #tpu.memory_space<semaphore_mem>>
      %dma_start3A = arith.constant 12288 : i32
      %dma_start3A_272 = tpu.memref_slice %arg2[%dma_start3A] : memref<16384xi32, #tpu.memory_space<hbm>> -> memref<2048xi32, #tpu.memory_space<hbm>>
      %dma_start3A_273 = arith.constant 12288 : i32
      %dma_start3A_274 = tpu.memref_slice %arg2[%dma_start3A_273] : memref<16384xi32, #tpu.memory_space<hbm>> -> memref<2048xi32, #tpu.memory_space<hbm>>
      tpu.enqueue_dma source(%dma_start3A_274 : memref<2048xi32, #tpu.memory_space<hbm>>) target(%arg8 : memref<2048xi32, #tpu.memory_space<vmem>>) target_semaphore(%run_scoped3A : memref<!tpu.dma_semaphore, #tpu.memory_space<semaphore_mem>>)
      %dma_wait3A = arith.constant 12288 : i32
      %dma_wait3A_275 = tpu.memref_slice %arg2[%dma_wait3A] : memref<16384xi32, #tpu.memory_space<hbm>> -> memref<2048xi32, #tpu.memory_space<hbm>>
      %dma_wait3A_276 = arith.constant 12288 : i32
      %dma_wait3A_277 = tpu.memref_slice %arg2[%dma_wait3A_276] : memref<16384xi32, #tpu.memory_space<hbm>> -> memref<2048xi32, #tpu.memory_space<hbm>>
      tpu.wait_dma2 semaphore(%run_scoped3A : memref<!tpu.dma_semaphore, #tpu.memory_space<semaphore_mem>>) src(%dma_wait3A_277 : memref<2048xi32, #tpu.memory_space<hbm>>) dst(%arg8 : memref<2048xi32, #tpu.memory_space<vmem>>)
      tpu.yield
    }) : () -> ()
    "tpu.region"() ({
      %run_scoped3A = tpu.sem_alloc : memref<!tpu.dma_semaphore, #tpu.memory_space<semaphore_mem>>
      %dma_start3A = arith.constant 12288 : i32
      %dma_start3A_272 = tpu.memref_slice %arg3[%dma_start3A] : memref<16384xi32, #tpu.memory_space<hbm>> -> memref<2048xi32, #tpu.memory_space<hbm>>
      %dma_start3A_273 = arith.constant 12288 : i32
      %dma_start3A_274 = tpu.memref_slice %arg3[%dma_start3A_273] : memref<16384xi32, #tpu.memory_space<hbm>> -> memref<2048xi32, #tpu.memory_space<hbm>>
      tpu.enqueue_dma source(%dma_start3A_274 : memref<2048xi32, #tpu.memory_space<hbm>>) target(%arg9 : memref<2048xi32, #tpu.memory_space<vmem>>) target_semaphore(%run_scoped3A : memref<!tpu.dma_semaphore, #tpu.memory_space<semaphore_mem>>)
      %dma_wait3A = arith.constant 12288 : i32
      %dma_wait3A_275 = tpu.memref_slice %arg3[%dma_wait3A] : memref<16384xi32, #tpu.memory_space<hbm>> -> memref<2048xi32, #tpu.memory_space<hbm>>
      %dma_wait3A_276 = arith.constant 12288 : i32
      %dma_wait3A_277 = tpu.memref_slice %arg3[%dma_wait3A_276] : memref<16384xi32, #tpu.memory_space<hbm>> -> memref<2048xi32, #tpu.memory_space<hbm>>
      tpu.wait_dma2 semaphore(%run_scoped3A : memref<!tpu.dma_semaphore, #tpu.memory_space<semaphore_mem>>) src(%dma_wait3A_277 : memref<2048xi32, #tpu.memory_space<hbm>>) dst(%arg9 : memref<2048xi32, #tpu.memory_space<vmem>>)
      tpu.yield
    }) : () -> ()
    %scan3A_52 = arith.constant 0 : i32
    %scan3A_53 = arith.constant 128 : i32
    %scan3A_54 = arith.addi %scan3A_52, %scan3A_53 : i32
    %scan3A_55 = arith.constant 1 : i32
    %scan3A_56 = scf.for %scan3A_272 = %scan3A_52 to %scan3A_54 step %scan3A_55 iter_args(%scan3A_273 = %scan3A_50) -> (i32)  : i32 {
      %mul3A_274 = arith.constant 16 : i32
      %mul3A_275 = arith.muli %scan3A_272, %mul3A_274 : i32
      %get3A_276 = arith.index_cast %mul3A_275 : i32 to index
      %get3A_277 = tpu.vector_load %arg8[%get3A_276] {strides = array<i32>} : memref<2048xi32, #tpu.memory_space<vmem>>, vector<16xi32>,
      %get3A_278 = arith.index_cast %mul3A_275 : i32 to index
      %get3A_279 = tpu.vector_load %arg9[%get3A_278] {strides = array<i32>} : memref<2048xi32, #tpu.memory_space<vmem>>, vector<16xi32>,
      %mul3A_280 = arith.constant 16 : i32
      %mul3A_281 = arith.muli %scan3A_272, %mul3A_280 : i32
      %add3A_282 = arith.constant 12288 : i32
      %add3A_283 = arith.addi %add3A_282, %mul3A_281 : i32
      %add3A_284 = vector.broadcast %add3A_283 : i32 to vector<16xi32>
      %add3A_285 = arith.addi %add3A_284, %iota3A : vector<16xi32>
      %ge3A = vector.broadcast %mul3A_10 : i32 to vector<16xi32>
      %ge3A_286 = arith.cmpi sge, %get3A_277, %ge3A : vector<16xi32>
      %lt3A_287 = vector.broadcast %mul3A_13 : i32 to vector<16xi32>
      %lt3A_288 = arith.cmpi slt, %get3A_277, %lt3A_287 : vector<16xi32>
      %and3A_289 = arith.andi %ge3A_286, %lt3A_288 : vector<16xi1>
      %sub3A_290 = vector.broadcast %mul3A_10 : i32 to vector<16xi32>
      %sub3A_291 = arith.subi %get3A_277, %sub3A_290 : vector<16xi32>
      %shift_left3A = arith.constant 14 : i32
      %shift_left3A_292 = vector.broadcast %shift_left3A : i32 to vector<16xi32>
      %shift_left3A_293 = arith.shli %sub3A_291, %shift_left3A_292 : vector<16xi32>
      %add3A_294 = arith.addi %shift_left3A_293, %add3A_285 : vector<16xi32>
      %swap3A_295 = arith.index_cast %scan3A_273 : i32 to index
      %swap3A_296 = tpu.vector_load %arg10[%swap3A_295] masked %and3A_289 {strides = array<i32>} : memref<1040xi32, #tpu.memory_space<vmem>>, vector<16xi32>, vector<16xi1>
      tpu.vector_store %arg10[%swap3A_295], %add3A_294 masked %and3A_289 {strides = array<i32>} : memref<1040xi32, #tpu.memory_space<vmem>>, vector<16xi32>, vector<16xi1>
      %swap3A_297 = arith.index_cast %scan3A_273 : i32 to index
      %swap3A_298 = tpu.vector_load %arg11[%swap3A_297] masked %and3A_289 {strides = array<i32>} : memref<1040xi32, #tpu.memory_space<vmem>>, vector<16xi32>, vector<16xi1>
      tpu.vector_store %arg11[%swap3A_297], %get3A_279 masked %and3A_289 {strides = array<i32>} : memref<1040xi32, #tpu.memory_space<vmem>>, vector<16xi32>, vector<16xi1>
      %convert_element_type3A_299 = arith.extui %and3A_289 : vector<16xi1> to vector<16xi32>
      %reduce_sum3A_300 = arith.constant true
      %reduce_sum3A_301 = vector.broadcast %reduce_sum3A_300 : i1 to vector<16xi1>
      %reduce_sum3A_302 = tpu.scan <sum>, %convert_element_type3A_299 masked %reduce_sum3A_301 : vector<16xi32>, vector<16xi1> -> vector<16xi32>
      %reduce_sum3A_303 = vector.extract %reduce_sum3A_302[15] : i32 from vector<16xi32>
      %add3A_304 = arith.addi %scan3A_273, %reduce_sum3A_303 : i32
      scf.yield %add3A_304 : i32
    }
    %scan3A_57 = arith.constant 128 : i32
    "tpu.region"() ({
      %run_scoped3A = tpu.sem_alloc : memref<!tpu.dma_semaphore, #tpu.memory_space<semaphore_mem>>
      %dma_start3A = arith.constant 14336 : i32
      %dma_start3A_272 = tpu.memref_slice %arg2[%dma_start3A] : memref<16384xi32, #tpu.memory_space<hbm>> -> memref<2048xi32, #tpu.memory_space<hbm>>
      %dma_start3A_273 = arith.constant 14336 : i32
      %dma_start3A_274 = tpu.memref_slice %arg2[%dma_start3A_273] : memref<16384xi32, #tpu.memory_space<hbm>> -> memref<2048xi32, #tpu.memory_space<hbm>>
      tpu.enqueue_dma source(%dma_start3A_274 : memref<2048xi32, #tpu.memory_space<hbm>>) target(%arg8 : memref<2048xi32, #tpu.memory_space<vmem>>) target_semaphore(%run_scoped3A : memref<!tpu.dma_semaphore, #tpu.memory_space<semaphore_mem>>)
      %dma_wait3A = arith.constant 14336 : i32
      %dma_wait3A_275 = tpu.memref_slice %arg2[%dma_wait3A] : memref<16384xi32, #tpu.memory_space<hbm>> -> memref<2048xi32, #tpu.memory_space<hbm>>
      %dma_wait3A_276 = arith.constant 14336 : i32
      %dma_wait3A_277 = tpu.memref_slice %arg2[%dma_wait3A_276] : memref<16384xi32, #tpu.memory_space<hbm>> -> memref<2048xi32, #tpu.memory_space<hbm>>
      tpu.wait_dma2 semaphore(%run_scoped3A : memref<!tpu.dma_semaphore, #tpu.memory_space<semaphore_mem>>) src(%dma_wait3A_277 : memref<2048xi32, #tpu.memory_space<hbm>>) dst(%arg8 : memref<2048xi32, #tpu.memory_space<vmem>>)
      tpu.yield
    }) : () -> ()
    "tpu.region"() ({
      %run_scoped3A = tpu.sem_alloc : memref<!tpu.dma_semaphore, #tpu.memory_space<semaphore_mem>>
      %dma_start3A = arith.constant 14336 : i32
      %dma_start3A_272 = tpu.memref_slice %arg3[%dma_start3A] : memref<16384xi32, #tpu.memory_space<hbm>> -> memref<2048xi32, #tpu.memory_space<hbm>>
      %dma_start3A_273 = arith.constant 14336 : i32
      %dma_start3A_274 = tpu.memref_slice %arg3[%dma_start3A_273] : memref<16384xi32, #tpu.memory_space<hbm>> -> memref<2048xi32, #tpu.memory_space<hbm>>
      tpu.enqueue_dma source(%dma_start3A_274 : memref<2048xi32, #tpu.memory_space<hbm>>) target(%arg9 : memref<2048xi32, #tpu.memory_space<vmem>>) target_semaphore(%run_scoped3A : memref<!tpu.dma_semaphore, #tpu.memory_space<semaphore_mem>>)
      %dma_wait3A = arith.constant 14336 : i32
      %dma_wait3A_275 = tpu.memref_slice %arg3[%dma_wait3A] : memref<16384xi32, #tpu.memory_space<hbm>> -> memref<2048xi32, #tpu.memory_space<hbm>>
      %dma_wait3A_276 = arith.constant 14336 : i32
      %dma_wait3A_277 = tpu.memref_slice %arg3[%dma_wait3A_276] : memref<16384xi32, #tpu.memory_space<hbm>> -> memref<2048xi32, #tpu.memory_space<hbm>>
      tpu.wait_dma2 semaphore(%run_scoped3A : memref<!tpu.dma_semaphore, #tpu.memory_space<semaphore_mem>>) src(%dma_wait3A_277 : memref<2048xi32, #tpu.memory_space<hbm>>) dst(%arg9 : memref<2048xi32, #tpu.memory_space<vmem>>)
      tpu.yield
    }) : () -> ()
    %scan3A_58 = arith.constant 0 : i32
    %scan3A_59 = arith.constant 128 : i32
    %scan3A_60 = arith.addi %scan3A_58, %scan3A_59 : i32
    %scan3A_61 = arith.constant 1 : i32
    %scan3A_62 = scf.for %scan3A_272 = %scan3A_58 to %scan3A_60 step %scan3A_61 iter_args(%scan3A_273 = %scan3A_56) -> (i32)  : i32 {
      %mul3A_274 = arith.constant 16 : i32
      %mul3A_275 = arith.muli %scan3A_272, %mul3A_274 : i32
      %get3A_276 = arith.index_cast %mul3A_275 : i32 to index
      %get3A_277 = tpu.vector_load %arg8[%get3A_276] {strides = array<i32>} : memref<2048xi32, #tpu.memory_space<vmem>>, vector<16xi32>,
      %get3A_278 = arith.index_cast %mul3A_275 : i32 to index
      %get3A_279 = tpu.vector_load %arg9[%get3A_278] {strides = array<i32>} : memref<2048xi32, #tpu.memory_space<vmem>>, vector<16xi32>,
      %mul3A_280 = arith.constant 16 : i32
      %mul3A_281 = arith.muli %scan3A_272, %mul3A_280 : i32
      %add3A_282 = arith.constant 14336 : i32
      %add3A_283 = arith.addi %add3A_282, %mul3A_281 : i32
      %add3A_284 = vector.broadcast %add3A_283 : i32 to vector<16xi32>
      %add3A_285 = arith.addi %add3A_284, %iota3A : vector<16xi32>
      %ge3A = vector.broadcast %mul3A_10 : i32 to vector<16xi32>
      %ge3A_286 = arith.cmpi sge, %get3A_277, %ge3A : vector<16xi32>
      %lt3A_287 = vector.broadcast %mul3A_13 : i32 to vector<16xi32>
      %lt3A_288 = arith.cmpi slt, %get3A_277, %lt3A_287 : vector<16xi32>
      %and3A_289 = arith.andi %ge3A_286, %lt3A_288 : vector<16xi1>
      %sub3A_290 = vector.broadcast %mul3A_10 : i32 to vector<16xi32>
      %sub3A_291 = arith.subi %get3A_277, %sub3A_290 : vector<16xi32>
      %shift_left3A = arith.constant 14 : i32
      %shift_left3A_292 = vector.broadcast %shift_left3A : i32 to vector<16xi32>
      %shift_left3A_293 = arith.shli %sub3A_291, %shift_left3A_292 : vector<16xi32>
      %add3A_294 = arith.addi %shift_left3A_293, %add3A_285 : vector<16xi32>
      %swap3A_295 = arith.index_cast %scan3A_273 : i32 to index
      %swap3A_296 = tpu.vector_load %arg10[%swap3A_295] masked %and3A_289 {strides = array<i32>} : memref<1040xi32, #tpu.memory_space<vmem>>, vector<16xi32>, vector<16xi1>
      tpu.vector_store %arg10[%swap3A_295], %add3A_294 masked %and3A_289 {strides = array<i32>} : memref<1040xi32, #tpu.memory_space<vmem>>, vector<16xi32>, vector<16xi1>
      %swap3A_297 = arith.index_cast %scan3A_273 : i32 to index
      %swap3A_298 = tpu.vector_load %arg11[%swap3A_297] masked %and3A_289 {strides = array<i32>} : memref<1040xi32, #tpu.memory_space<vmem>>, vector<16xi32>, vector<16xi1>
      tpu.vector_store %arg11[%swap3A_297], %get3A_279 masked %and3A_289 {strides = array<i32>} : memref<1040xi32, #tpu.memory_space<vmem>>, vector<16xi32>, vector<16xi1>
      %convert_element_type3A_299 = arith.extui %and3A_289 : vector<16xi1> to vector<16xi32>
      %reduce_sum3A_300 = arith.constant true
      %reduce_sum3A_301 = vector.broadcast %reduce_sum3A_300 : i1 to vector<16xi1>
      %reduce_sum3A_302 = tpu.scan <sum>, %convert_element_type3A_299 masked %reduce_sum3A_301 : vector<16xi32>, vector<16xi1> -> vector<16xi32>
      %reduce_sum3A_303 = vector.extract %reduce_sum3A_302[15] : i32 from vector<16xi32>
      %add3A_304 = arith.addi %scan3A_273, %reduce_sum3A_303 : i32
      scf.yield %add3A_304 : i32
    }
    %scan3A_63 = arith.constant 128 : i32
    %broadcast_in_dim3A = arith.constant 0 : i32
    %broadcast_in_dim3A_64 = vector.broadcast %broadcast_in_dim3A : i32 to vector<16xi32>
    %swap3A = arith.constant 0 : index
    %swap3A_65 = tpu.vector_load %arg14[%swap3A] {strides = array<i32>} : memref<128xi32, #tpu.memory_space<vmem>>, vector<16xi32>,
    tpu.vector_store %arg14[%swap3A], %broadcast_in_dim3A_64 {strides = array<i32>} : memref<128xi32, #tpu.memory_space<vmem>>, vector<16xi32>,
    %swap3A_66 = arith.constant 16 : index
    %swap3A_67 = tpu.vector_load %arg14[%swap3A_66] {strides = array<i32>} : memref<128xi32, #tpu.memory_space<vmem>>, vector<16xi32>,
    tpu.vector_store %arg14[%swap3A_66], %broadcast_in_dim3A_64 {strides = array<i32>} : memref<128xi32, #tpu.memory_space<vmem>>, vector<16xi32>,
    %swap3A_68 = arith.constant 32 : index
    %swap3A_69 = tpu.vector_load %arg14[%swap3A_68] {strides = array<i32>} : memref<128xi32, #tpu.memory_space<vmem>>, vector<16xi32>,
    tpu.vector_store %arg14[%swap3A_68], %broadcast_in_dim3A_64 {strides = array<i32>} : memref<128xi32, #tpu.memory_space<vmem>>, vector<16xi32>,
    %swap3A_70 = arith.constant 48 : index
    %swap3A_71 = tpu.vector_load %arg14[%swap3A_70] {strides = array<i32>} : memref<128xi32, #tpu.memory_space<vmem>>, vector<16xi32>,
    tpu.vector_store %arg14[%swap3A_70], %broadcast_in_dim3A_64 {strides = array<i32>} : memref<128xi32, #tpu.memory_space<vmem>>, vector<16xi32>,
    %swap3A_72 = arith.constant 64 : index
    %swap3A_73 = tpu.vector_load %arg14[%swap3A_72] {strides = array<i32>} : memref<128xi32, #tpu.memory_space<vmem>>, vector<16xi32>,
    tpu.vector_store %arg14[%swap3A_72], %broadcast_in_dim3A_64 {strides = array<i32>} : memref<128xi32, #tpu.memory_space<vmem>>, vector<16xi32>,
    %swap3A_74 = arith.constant 80 : index
    %swap3A_75 = tpu.vector_load %arg14[%swap3A_74] {strides = array<i32>} : memref<128xi32, #tpu.memory_space<vmem>>, vector<16xi32>,
    tpu.vector_store %arg14[%swap3A_74], %broadcast_in_dim3A_64 {strides = array<i32>} : memref<128xi32, #tpu.memory_space<vmem>>, vector<16xi32>,
    %swap3A_76 = arith.constant 96 : index
    %swap3A_77 = tpu.vector_load %arg14[%swap3A_76] {strides = array<i32>} : memref<128xi32, #tpu.memory_space<vmem>>, vector<16xi32>,
    tpu.vector_store %arg14[%swap3A_76], %broadcast_in_dim3A_64 {strides = array<i32>} : memref<128xi32, #tpu.memory_space<vmem>>, vector<16xi32>,
    %swap3A_78 = arith.constant 112 : index
    %swap3A_79 = tpu.vector_load %arg14[%swap3A_78] {strides = array<i32>} : memref<128xi32, #tpu.memory_space<vmem>>, vector<16xi32>,
    tpu.vector_store %arg14[%swap3A_78], %broadcast_in_dim3A_64 {strides = array<i32>} : memref<128xi32, #tpu.memory_space<vmem>>, vector<16xi32>,
    %scan3A_80 = arith.constant 0 : i32
    %scan3A_81 = arith.constant 0 : i32
    %scan3A_82 = arith.constant 64 : i32
    %scan3A_83 = arith.addi %scan3A_81, %scan3A_82 : i32
    %scan3A_84 = arith.constant 1 : i32
    scf.for %scan3A_272 = %scan3A_81 to %scan3A_83 step %scan3A_84  : i32 {
      %mul3A_273 = arith.constant 16 : i32
      %mul3A_274 = arith.muli %scan3A_272, %mul3A_273 : i32
      %get3A_275 = arith.index_cast %mul3A_274 : i32 to index
      %get3A_276 = tpu.vector_load %arg10[%get3A_275] {strides = array<i32>} : memref<1040xi32, #tpu.memory_space<vmem>>, vector<16xi32>,
      %mul3A_277 = arith.constant 16 : i32
      %mul3A_278 = arith.muli %scan3A_272, %mul3A_277 : i32
      %add3A_279 = vector.broadcast %mul3A_278 : i32 to vector<16xi32>
      %add3A_280 = arith.addi %add3A_279, %iota3A : vector<16xi32>
      %lt3A_281 = vector.broadcast %scan3A_62 : i32 to vector<16xi32>
      %lt3A_282 = arith.cmpi slt, %add3A_280, %lt3A_281 : vector<16xi32>
      %shift_right_logical3A = arith.constant 22 : i32
      %shift_right_logical3A_283 = vector.broadcast %shift_right_logical3A : i32 to vector<16xi32>
      %shift_right_logical3A_284 = arith.shrui %get3A_276, %shift_right_logical3A_283 : vector<16xi32>
      %broadcast_in_dim3A_285 = arith.constant 1 : i32
      %broadcast_in_dim3A_286 = vector.broadcast %broadcast_in_dim3A_285 : i32 to vector<16xi32>
      tpu.vector_store_idx %arg14[%shift_right_logical3A_284], %broadcast_in_dim3A_286 masked %lt3A_282 {add = true} : memref<128xi32, #tpu.memory_space<vmem>>[vector<16xi32>], vector<16xi32>, vector<16xi1>
    }
    %scan3A_85 = arith.constant 64 : i32
    %get3A = arith.constant 0 : index
    %get3A_86 = tpu.vector_load %arg14[%get3A] {strides = array<i32>} : memref<128xi32, #tpu.memory_space<vmem>>, vector<16xi32>,
    %broadcast_in_dim3A_87 = arith.constant true
    %broadcast_in_dim3A_88 = vector.broadcast %broadcast_in_dim3A_87 : i1 to vector<16xi1>
    %masked_cumsum3A = tpu.scan <sum>, %get3A_86 masked %broadcast_in_dim3A_88 : vector<16xi32>, vector<16xi1> -> vector<16xi32>
    %sub3A = arith.subi %masked_cumsum3A, %get3A_86 : vector<16xi32>
    %add3A_89 = arith.constant 0 : i32
    %add3A_90 = vector.broadcast %add3A_89 : i32 to vector<16xi32>
    %add3A_91 = arith.addi %sub3A, %add3A_90 : vector<16xi32>
    %swap3A_92 = arith.constant 0 : index
    %swap3A_93 = tpu.vector_load %arg15[%swap3A_92] {strides = array<i32>} : memref<144xi32, #tpu.memory_space<vmem>>, vector<16xi32>,
    tpu.vector_store %arg15[%swap3A_92], %add3A_91 {strides = array<i32>} : memref<144xi32, #tpu.memory_space<vmem>>, vector<16xi32>,
    %swap3A_94 = arith.constant 0 : index
    %swap3A_95 = tpu.vector_load %arg16[%swap3A_94] {strides = array<i32>} : memref<144xi32, #tpu.memory_space<vmem>>, vector<16xi32>,
    tpu.vector_store %arg16[%swap3A_94], %add3A_91 {strides = array<i32>} : memref<144xi32, #tpu.memory_space<vmem>>, vector<16xi32>,
    %reduce_sum3A = arith.constant true
    %reduce_sum3A_96 = vector.broadcast %reduce_sum3A : i1 to vector<16xi1>
    %reduce_sum3A_97 = tpu.scan <sum>, %get3A_86 masked %reduce_sum3A_96 : vector<16xi32>, vector<16xi1> -> vector<16xi32>
    %reduce_sum3A_98 = vector.extract %reduce_sum3A_97[15] : i32 from vector<16xi32>
    %add3A_99 = arith.constant 0 : i32
    %add3A_100 = arith.addi %add3A_99, %reduce_sum3A_98 : i32
    %get3A_101 = arith.constant 16 : index
    %get3A_102 = tpu.vector_load %arg14[%get3A_101] {strides = array<i32>} : memref<128xi32, #tpu.memory_space<vmem>>, vector<16xi32>,
    %broadcast_in_dim3A_103 = arith.constant true
    %broadcast_in_dim3A_104 = vector.broadcast %broadcast_in_dim3A_103 : i1 to vector<16xi1>
    %masked_cumsum3A_105 = tpu.scan <sum>, %get3A_102 masked %broadcast_in_dim3A_104 : vector<16xi32>, vector<16xi1> -> vector<16xi32>
    %sub3A_106 = arith.subi %masked_cumsum3A_105, %get3A_102 : vector<16xi32>
    %add3A_107 = vector.broadcast %add3A_100 : i32 to vector<16xi32>
    %add3A_108 = arith.addi %sub3A_106, %add3A_107 : vector<16xi32>
    %swap3A_109 = arith.constant 16 : index
    %swap3A_110 = tpu.vector_load %arg15[%swap3A_109] {strides = array<i32>} : memref<144xi32, #tpu.memory_space<vmem>>, vector<16xi32>,
    tpu.vector_store %arg15[%swap3A_109], %add3A_108 {strides = array<i32>} : memref<144xi32, #tpu.memory_space<vmem>>, vector<16xi32>,
    %swap3A_111 = arith.constant 16 : index
    %swap3A_112 = tpu.vector_load %arg16[%swap3A_111] {strides = array<i32>} : memref<144xi32, #tpu.memory_space<vmem>>, vector<16xi32>,
    tpu.vector_store %arg16[%swap3A_111], %add3A_108 {strides = array<i32>} : memref<144xi32, #tpu.memory_space<vmem>>, vector<16xi32>,
    %reduce_sum3A_113 = arith.constant true
    %reduce_sum3A_114 = vector.broadcast %reduce_sum3A_113 : i1 to vector<16xi1>
    %reduce_sum3A_115 = tpu.scan <sum>, %get3A_102 masked %reduce_sum3A_114 : vector<16xi32>, vector<16xi1> -> vector<16xi32>
    %reduce_sum3A_116 = vector.extract %reduce_sum3A_115[15] : i32 from vector<16xi32>
    %add3A_117 = arith.addi %add3A_100, %reduce_sum3A_116 : i32
    %get3A_118 = arith.constant 32 : index
    %get3A_119 = tpu.vector_load %arg14[%get3A_118] {strides = array<i32>} : memref<128xi32, #tpu.memory_space<vmem>>, vector<16xi32>,
    %broadcast_in_dim3A_120 = arith.constant true
    %broadcast_in_dim3A_121 = vector.broadcast %broadcast_in_dim3A_120 : i1 to vector<16xi1>
    %masked_cumsum3A_122 = tpu.scan <sum>, %get3A_119 masked %broadcast_in_dim3A_121 : vector<16xi32>, vector<16xi1> -> vector<16xi32>
    %sub3A_123 = arith.subi %masked_cumsum3A_122, %get3A_119 : vector<16xi32>
    %add3A_124 = vector.broadcast %add3A_117 : i32 to vector<16xi32>
    %add3A_125 = arith.addi %sub3A_123, %add3A_124 : vector<16xi32>
    %swap3A_126 = arith.constant 32 : index
    %swap3A_127 = tpu.vector_load %arg15[%swap3A_126] {strides = array<i32>} : memref<144xi32, #tpu.memory_space<vmem>>, vector<16xi32>,
    tpu.vector_store %arg15[%swap3A_126], %add3A_125 {strides = array<i32>} : memref<144xi32, #tpu.memory_space<vmem>>, vector<16xi32>,
    %swap3A_128 = arith.constant 32 : index
    %swap3A_129 = tpu.vector_load %arg16[%swap3A_128] {strides = array<i32>} : memref<144xi32, #tpu.memory_space<vmem>>, vector<16xi32>,
    tpu.vector_store %arg16[%swap3A_128], %add3A_125 {strides = array<i32>} : memref<144xi32, #tpu.memory_space<vmem>>, vector<16xi32>,
    %reduce_sum3A_130 = arith.constant true
    %reduce_sum3A_131 = vector.broadcast %reduce_sum3A_130 : i1 to vector<16xi1>
    %reduce_sum3A_132 = tpu.scan <sum>, %get3A_119 masked %reduce_sum3A_131 : vector<16xi32>, vector<16xi1> -> vector<16xi32>
    %reduce_sum3A_133 = vector.extract %reduce_sum3A_132[15] : i32 from vector<16xi32>
    %add3A_134 = arith.addi %add3A_117, %reduce_sum3A_133 : i32
    %get3A_135 = arith.constant 48 : index
    %get3A_136 = tpu.vector_load %arg14[%get3A_135] {strides = array<i32>} : memref<128xi32, #tpu.memory_space<vmem>>, vector<16xi32>,
    %broadcast_in_dim3A_137 = arith.constant true
    %broadcast_in_dim3A_138 = vector.broadcast %broadcast_in_dim3A_137 : i1 to vector<16xi1>
    %masked_cumsum3A_139 = tpu.scan <sum>, %get3A_136 masked %broadcast_in_dim3A_138 : vector<16xi32>, vector<16xi1> -> vector<16xi32>
    %sub3A_140 = arith.subi %masked_cumsum3A_139, %get3A_136 : vector<16xi32>
    %add3A_141 = vector.broadcast %add3A_134 : i32 to vector<16xi32>
    %add3A_142 = arith.addi %sub3A_140, %add3A_141 : vector<16xi32>
    %swap3A_143 = arith.constant 48 : index
    %swap3A_144 = tpu.vector_load %arg15[%swap3A_143] {strides = array<i32>} : memref<144xi32, #tpu.memory_space<vmem>>, vector<16xi32>,
    tpu.vector_store %arg15[%swap3A_143], %add3A_142 {strides = array<i32>} : memref<144xi32, #tpu.memory_space<vmem>>, vector<16xi32>,
    %swap3A_145 = arith.constant 48 : index
    %swap3A_146 = tpu.vector_load %arg16[%swap3A_145] {strides = array<i32>} : memref<144xi32, #tpu.memory_space<vmem>>, vector<16xi32>,
    tpu.vector_store %arg16[%swap3A_145], %add3A_142 {strides = array<i32>} : memref<144xi32, #tpu.memory_space<vmem>>, vector<16xi32>,
    %reduce_sum3A_147 = arith.constant true
    %reduce_sum3A_148 = vector.broadcast %reduce_sum3A_147 : i1 to vector<16xi1>
    %reduce_sum3A_149 = tpu.scan <sum>, %get3A_136 masked %reduce_sum3A_148 : vector<16xi32>, vector<16xi1> -> vector<16xi32>
    %reduce_sum3A_150 = vector.extract %reduce_sum3A_149[15] : i32 from vector<16xi32>
    %add3A_151 = arith.addi %add3A_134, %reduce_sum3A_150 : i32
    %get3A_152 = arith.constant 64 : index
    %get3A_153 = tpu.vector_load %arg14[%get3A_152] {strides = array<i32>} : memref<128xi32, #tpu.memory_space<vmem>>, vector<16xi32>,
    %broadcast_in_dim3A_154 = arith.constant true
    %broadcast_in_dim3A_155 = vector.broadcast %broadcast_in_dim3A_154 : i1 to vector<16xi1>
    %masked_cumsum3A_156 = tpu.scan <sum>, %get3A_153 masked %broadcast_in_dim3A_155 : vector<16xi32>, vector<16xi1> -> vector<16xi32>
    %sub3A_157 = arith.subi %masked_cumsum3A_156, %get3A_153 : vector<16xi32>
    %add3A_158 = vector.broadcast %add3A_151 : i32 to vector<16xi32>
    %add3A_159 = arith.addi %sub3A_157, %add3A_158 : vector<16xi32>
    %swap3A_160 = arith.constant 64 : index
    %swap3A_161 = tpu.vector_load %arg15[%swap3A_160] {strides = array<i32>} : memref<144xi32, #tpu.memory_space<vmem>>, vector<16xi32>,
    tpu.vector_store %arg15[%swap3A_160], %add3A_159 {strides = array<i32>} : memref<144xi32, #tpu.memory_space<vmem>>, vector<16xi32>,
    %swap3A_162 = arith.constant 64 : index
    %swap3A_163 = tpu.vector_load %arg16[%swap3A_162] {strides = array<i32>} : memref<144xi32, #tpu.memory_space<vmem>>, vector<16xi32>,
    tpu.vector_store %arg16[%swap3A_162], %add3A_159 {strides = array<i32>} : memref<144xi32, #tpu.memory_space<vmem>>, vector<16xi32>,
    %reduce_sum3A_164 = arith.constant true
    %reduce_sum3A_165 = vector.broadcast %reduce_sum3A_164 : i1 to vector<16xi1>
    %reduce_sum3A_166 = tpu.scan <sum>, %get3A_153 masked %reduce_sum3A_165 : vector<16xi32>, vector<16xi1> -> vector<16xi32>
    %reduce_sum3A_167 = vector.extract %reduce_sum3A_166[15] : i32 from vector<16xi32>
    %add3A_168 = arith.addi %add3A_151, %reduce_sum3A_167 : i32
    %get3A_169 = arith.constant 80 : index
    %get3A_170 = tpu.vector_load %arg14[%get3A_169] {strides = array<i32>} : memref<128xi32, #tpu.memory_space<vmem>>, vector<16xi32>,
    %broadcast_in_dim3A_171 = arith.constant true
    %broadcast_in_dim3A_172 = vector.broadcast %broadcast_in_dim3A_171 : i1 to vector<16xi1>
    %masked_cumsum3A_173 = tpu.scan <sum>, %get3A_170 masked %broadcast_in_dim3A_172 : vector<16xi32>, vector<16xi1> -> vector<16xi32>
    %sub3A_174 = arith.subi %masked_cumsum3A_173, %get3A_170 : vector<16xi32>
    %add3A_175 = vector.broadcast %add3A_168 : i32 to vector<16xi32>
    %add3A_176 = arith.addi %sub3A_174, %add3A_175 : vector<16xi32>
    %swap3A_177 = arith.constant 80 : index
    %swap3A_178 = tpu.vector_load %arg15[%swap3A_177] {strides = array<i32>} : memref<144xi32, #tpu.memory_space<vmem>>, vector<16xi32>,
    tpu.vector_store %arg15[%swap3A_177], %add3A_176 {strides = array<i32>} : memref<144xi32, #tpu.memory_space<vmem>>, vector<16xi32>,
    %swap3A_179 = arith.constant 80 : index
    %swap3A_180 = tpu.vector_load %arg16[%swap3A_179] {strides = array<i32>} : memref<144xi32, #tpu.memory_space<vmem>>, vector<16xi32>,
    tpu.vector_store %arg16[%swap3A_179], %add3A_176 {strides = array<i32>} : memref<144xi32, #tpu.memory_space<vmem>>, vector<16xi32>,
    %reduce_sum3A_181 = arith.constant true
    %reduce_sum3A_182 = vector.broadcast %reduce_sum3A_181 : i1 to vector<16xi1>
    %reduce_sum3A_183 = tpu.scan <sum>, %get3A_170 masked %reduce_sum3A_182 : vector<16xi32>, vector<16xi1> -> vector<16xi32>
    %reduce_sum3A_184 = vector.extract %reduce_sum3A_183[15] : i32 from vector<16xi32>
    %add3A_185 = arith.addi %add3A_168, %reduce_sum3A_184 : i32
    %get3A_186 = arith.constant 96 : index
    %get3A_187 = tpu.vector_load %arg14[%get3A_186] {strides = array<i32>} : memref<128xi32, #tpu.memory_space<vmem>>, vector<16xi32>,
    %broadcast_in_dim3A_188 = arith.constant true
    %broadcast_in_dim3A_189 = vector.broadcast %broadcast_in_dim3A_188 : i1 to vector<16xi1>
    %masked_cumsum3A_190 = tpu.scan <sum>, %get3A_187 masked %broadcast_in_dim3A_189 : vector<16xi32>, vector<16xi1> -> vector<16xi32>
    %sub3A_191 = arith.subi %masked_cumsum3A_190, %get3A_187 : vector<16xi32>
    %add3A_192 = vector.broadcast %add3A_185 : i32 to vector<16xi32>
    %add3A_193 = arith.addi %sub3A_191, %add3A_192 : vector<16xi32>
    %swap3A_194 = arith.constant 96 : index
    %swap3A_195 = tpu.vector_load %arg15[%swap3A_194] {strides = array<i32>} : memref<144xi32, #tpu.memory_space<vmem>>, vector<16xi32>,
    tpu.vector_store %arg15[%swap3A_194], %add3A_193 {strides = array<i32>} : memref<144xi32, #tpu.memory_space<vmem>>, vector<16xi32>,
    %swap3A_196 = arith.constant 96 : index
    %swap3A_197 = tpu.vector_load %arg16[%swap3A_196] {strides = array<i32>} : memref<144xi32, #tpu.memory_space<vmem>>, vector<16xi32>,
    tpu.vector_store %arg16[%swap3A_196], %add3A_193 {strides = array<i32>} : memref<144xi32, #tpu.memory_space<vmem>>, vector<16xi32>,
    %reduce_sum3A_198 = arith.constant true
    %reduce_sum3A_199 = vector.broadcast %reduce_sum3A_198 : i1 to vector<16xi1>
    %reduce_sum3A_200 = tpu.scan <sum>, %get3A_187 masked %reduce_sum3A_199 : vector<16xi32>, vector<16xi1> -> vector<16xi32>
    %reduce_sum3A_201 = vector.extract %reduce_sum3A_200[15] : i32 from vector<16xi32>
    %add3A_202 = arith.addi %add3A_185, %reduce_sum3A_201 : i32
    %get3A_203 = arith.constant 112 : index
    %get3A_204 = tpu.vector_load %arg14[%get3A_203] {strides = array<i32>} : memref<128xi32, #tpu.memory_space<vmem>>, vector<16xi32>,
    %broadcast_in_dim3A_205 = arith.constant true
    %broadcast_in_dim3A_206 = vector.broadcast %broadcast_in_dim3A_205 : i1 to vector<16xi1>
    %masked_cumsum3A_207 = tpu.scan <sum>, %get3A_204 masked %broadcast_in_dim3A_206 : vector<16xi32>, vector<16xi1> -> vector<16xi32>
    %sub3A_208 = arith.subi %masked_cumsum3A_207, %get3A_204 : vector<16xi32>
    %add3A_209 = vector.broadcast %add3A_202 : i32 to vector<16xi32>
    %add3A_210 = arith.addi %sub3A_208, %add3A_209 : vector<16xi32>
    %swap3A_211 = arith.constant 112 : index
    %swap3A_212 = tpu.vector_load %arg15[%swap3A_211] {strides = array<i32>} : memref<144xi32, #tpu.memory_space<vmem>>, vector<16xi32>,
    tpu.vector_store %arg15[%swap3A_211], %add3A_210 {strides = array<i32>} : memref<144xi32, #tpu.memory_space<vmem>>, vector<16xi32>,
    %swap3A_213 = arith.constant 112 : index
    %swap3A_214 = tpu.vector_load %arg16[%swap3A_213] {strides = array<i32>} : memref<144xi32, #tpu.memory_space<vmem>>, vector<16xi32>,
    tpu.vector_store %arg16[%swap3A_213], %add3A_210 {strides = array<i32>} : memref<144xi32, #tpu.memory_space<vmem>>, vector<16xi32>,
    %reduce_sum3A_215 = arith.constant true
    %reduce_sum3A_216 = vector.broadcast %reduce_sum3A_215 : i1 to vector<16xi1>
    %reduce_sum3A_217 = tpu.scan <sum>, %get3A_204 masked %reduce_sum3A_216 : vector<16xi32>, vector<16xi1> -> vector<16xi32>
    %reduce_sum3A_218 = vector.extract %reduce_sum3A_217[15] : i32 from vector<16xi32>
    %add3A_219 = arith.addi %add3A_202, %reduce_sum3A_218 : i32
    %while3A = arith.constant 0 : i32
    %while3A_220 = arith.constant 0 : i32
    %while3A_221 = arith.subi %scan3A_62, %while3A_220 : i32
    %while3A_222 = arith.addi %while3A_220, %while3A_221 : i32
    %while3A_223 = arith.constant 1 : i32
    %while3A_224 = arith.divsi %while3A_221, %while3A_223 : i32
    %while3A_225 = arith.muli %while3A_224, %while3A_223 : i32
    %while3A_226 = arith.addi %while3A_220, %while3A_225 : i32
    %while3A_227 = arith.constant 1 : i32
    scf.for %while3A_272 = %while3A_220 to %while3A_226 step %while3A_227  : i32 {
      %get3A_273 = arith.index_cast %while3A_272 : i32 to index
      %get3A_274 = tpu.vector_load %arg10[%get3A_273] {strides = array<i32>} : memref<1040xi32, #tpu.memory_space<vmem>>, vector<16xi32>,
      %slice3A_275 = vector.extract_strided_slice %get3A_274 {offsets = [0], sizes = [1], strides = [1]} : vector<16xi32> to vector<1xi32>
      %squeeze3A_276 = vector.extract %slice3A_275[0] : i32 from vector<1xi32>
      %get3A_277 = arith.index_cast %while3A_272 : i32 to index
      %get3A_278 = tpu.vector_load %arg11[%get3A_277] {strides = array<i32>} : memref<1040xi32, #tpu.memory_space<vmem>>, vector<16xi32>,
      %slice3A_279 = vector.extract_strided_slice %get3A_278 {offsets = [0], sizes = [1], strides = [1]} : vector<16xi32> to vector<1xi32>
      %squeeze3A_280 = vector.extract %slice3A_279[0] : i32 from vector<1xi32>
      %shift_right_logical3A = arith.constant 22 : i32
      %shift_right_logical3A_281 = arith.shrui %squeeze3A_276, %shift_right_logical3A : i32
      %get3A_282 = arith.index_cast %shift_right_logical3A_281 : i32 to index
      %get3A_283 = tpu.vector_load %arg16[%get3A_282] {strides = array<i32>} : memref<144xi32, #tpu.memory_space<vmem>>, vector<16xi32>,
      %slice3A_284 = vector.extract_strided_slice %get3A_283 {offsets = [0], sizes = [1], strides = [1]} : vector<16xi32> to vector<1xi32>
      %squeeze3A_285 = vector.extract %slice3A_284[0] : i32 from vector<1xi32>
      %add3A_286 = arith.constant 1 : i32
      %add3A_287 = arith.addi %squeeze3A_285, %add3A_286 : i32
      %broadcast_in_dim3A_288 = vector.broadcast %shift_right_logical3A_281 : i32 to vector<16xi32>
      %broadcast_in_dim3A_289 = vector.broadcast %add3A_287 : i32 to vector<16xi32>
      tpu.vector_store_idx %arg16[%broadcast_in_dim3A_288], %broadcast_in_dim3A_289 masked %eq3A_15 : memref<144xi32, #tpu.memory_space<vmem>>[vector<16xi32>], vector<16xi32>, vector<16xi1>
      %broadcast_in_dim3A_290 = vector.broadcast %squeeze3A_285 : i32 to vector<16xi32>
      %broadcast_in_dim3A_291 = vector.broadcast %squeeze3A_276 : i32 to vector<16xi32>
      tpu.vector_store_idx %arg12[%broadcast_in_dim3A_290], %broadcast_in_dim3A_291 masked %eq3A_15 : memref<1040xi32, #tpu.memory_space<vmem>>[vector<16xi32>], vector<16xi32>, vector<16xi1>
      %broadcast_in_dim3A_292 = vector.broadcast %squeeze3A_285 : i32 to vector<16xi32>
      %broadcast_in_dim3A_293 = vector.broadcast %squeeze3A_280 : i32 to vector<16xi32>
      tpu.vector_store_idx %arg13[%broadcast_in_dim3A_292], %broadcast_in_dim3A_293 masked %eq3A_15 : memref<1040xi32, #tpu.memory_space<vmem>>[vector<16xi32>], vector<16xi32>, vector<16xi1>
    }
    %while3A_228 = arith.constant 1 : i32
    scf.for %while3A_272 = %while3A_226 to %while3A_222 step %while3A_228  : i32 {
      %get3A_273 = arith.index_cast %while3A_272 : i32 to index
      %get3A_274 = tpu.vector_load %arg10[%get3A_273] {strides = array<i32>} : memref<1040xi32, #tpu.memory_space<vmem>>, vector<16xi32>,
      %slice3A_275 = vector.extract_strided_slice %get3A_274 {offsets = [0], sizes = [1], strides = [1]} : vector<16xi32> to vector<1xi32>
      %squeeze3A_276 = vector.extract %slice3A_275[0] : i32 from vector<1xi32>
      %get3A_277 = arith.index_cast %while3A_272 : i32 to index
      %get3A_278 = tpu.vector_load %arg11[%get3A_277] {strides = array<i32>} : memref<1040xi32, #tpu.memory_space<vmem>>, vector<16xi32>,
      %slice3A_279 = vector.extract_strided_slice %get3A_278 {offsets = [0], sizes = [1], strides = [1]} : vector<16xi32> to vector<1xi32>
      %squeeze3A_280 = vector.extract %slice3A_279[0] : i32 from vector<1xi32>
      %shift_right_logical3A = arith.constant 22 : i32
      %shift_right_logical3A_281 = arith.shrui %squeeze3A_276, %shift_right_logical3A : i32
      %get3A_282 = arith.index_cast %shift_right_logical3A_281 : i32 to index
      %get3A_283 = tpu.vector_load %arg16[%get3A_282] {strides = array<i32>} : memref<144xi32, #tpu.memory_space<vmem>>, vector<16xi32>,
      %slice3A_284 = vector.extract_strided_slice %get3A_283 {offsets = [0], sizes = [1], strides = [1]} : vector<16xi32> to vector<1xi32>
      %squeeze3A_285 = vector.extract %slice3A_284[0] : i32 from vector<1xi32>
      %add3A_286 = arith.constant 1 : i32
      %add3A_287 = arith.addi %squeeze3A_285, %add3A_286 : i32
      %broadcast_in_dim3A_288 = vector.broadcast %shift_right_logical3A_281 : i32 to vector<16xi32>
      %broadcast_in_dim3A_289 = vector.broadcast %add3A_287 : i32 to vector<16xi32>
      tpu.vector_store_idx %arg16[%broadcast_in_dim3A_288], %broadcast_in_dim3A_289 masked %eq3A_15 : memref<144xi32, #tpu.memory_space<vmem>>[vector<16xi32>], vector<16xi32>, vector<16xi1>
      %broadcast_in_dim3A_290 = vector.broadcast %squeeze3A_285 : i32 to vector<16xi32>
      %broadcast_in_dim3A_291 = vector.broadcast %squeeze3A_276 : i32 to vector<16xi32>
      tpu.vector_store_idx %arg12[%broadcast_in_dim3A_290], %broadcast_in_dim3A_291 masked %eq3A_15 : memref<1040xi32, #tpu.memory_space<vmem>>[vector<16xi32>], vector<16xi32>, vector<16xi1>
      %broadcast_in_dim3A_292 = vector.broadcast %squeeze3A_285 : i32 to vector<16xi32>
      %broadcast_in_dim3A_293 = vector.broadcast %squeeze3A_280 : i32 to vector<16xi32>
      tpu.vector_store_idx %arg13[%broadcast_in_dim3A_292], %broadcast_in_dim3A_293 masked %eq3A_15 : memref<1040xi32, #tpu.memory_space<vmem>>[vector<16xi32>], vector<16xi32>, vector<16xi1>
    }
    %eq3A_229 = arith.constant 31 : i32
    %eq3A_230 = arith.cmpi eq, %add3A, %eq3A_229 : i32
    %jit3A_231 = arith.constant 1 : i32
    %jit3A_232 = arith.constant 0 : i32
    %select_n3A_233 = arith.select %eq3A_230, %jit3A_231, %jit3A_232 : i32
    %sub3A_234 = arith.subi %add3A_4, %select_n3A_233 : i32
    %lt3A_235 = arith.constant 0 : i32
    %lt3A_236 = arith.cmpi slt, %lt3A_235, %sub3A_234 : i32
    %add3A_237 = arith.constant 0 : i32
    %add3A_238 = arith.constant 1 : i32
    %add3A_239 = arith.addi %add3A_237, %add3A_238 : i32
    %get3A_240 = arith.index_cast %add3A_239 : i32 to index
    %get3A_241 = tpu.vector_load %arg15[%get3A_240] {strides = array<i32>} : memref<144xi32, #tpu.memory_space<vmem>>, vector<16xi32>,
    %slice3A = vector.extract_strided_slice %get3A_241 {offsets = [0], sizes = [1], strides = [1]} : vector<16xi32> to vector<1xi32>
    %squeeze3A = vector.extract %slice3A[0] : i32 from vector<1xi32>
    %get3A_242 = arith.constant 0 : i32
    %get3A_243 = arith.index_cast %get3A_242 : i32 to index
    %get3A_244 = tpu.vector_load %arg15[%get3A_243] {strides = array<i32>} : memref<144xi32, #tpu.memory_space<vmem>>, vector<16xi32>,
    %slice3A_245 = vector.extract_strided_slice %get3A_244 {offsets = [0], sizes = [1], strides = [1]} : vector<16xi32> to vector<1xi32>
    %squeeze3A_246 = vector.extract %slice3A_245[0] : i32 from vector<1xi32>
    %gt3A = arith.cmpi sgt, %squeeze3A, %squeeze3A_246 : i32
    %and3A = arith.andi %lt3A_236, %gt3A : i1
    %convert_element_type3A = arith.extui %and3A : i1 to i32
    %cond3A = arith.constant 0 : i32
    %cond3A_247 = arith.constant 0 : i32
    %cond3A_248 = arith.cmpi ne, %convert_element_type3A, %cond3A_247 : i32
    scf.if %cond3A_248 {
      %and3A_272 = arith.constant 1 : i32
      %and3A_273 = arith.andi %cond3A, %and3A_272 : i32
      %mul3A_274 = arith.constant 256 : i32
      %mul3A_275 = arith.muli %and3A_273, %mul3A_274 : i32
      %add3A_276 = arith.addi %add3A_8, %cond3A : i32
      %mul3A_277 = arith.constant 256 : i32
      %mul3A_278 = arith.muli %add3A_276, %mul3A_277 : i32
      %dma_start3A = arith.constant 0 : i32
      %dma_start3A_279 = tpu.memref_slice %arg17[%dma_start3A, %mul3A_275] : memref<64x640xf32, #tpu.memory_space<vmem>> -> memref<64x256xf32, #tpu.memory_space<vmem>>
      %dma_start3A_280 = arith.constant 0 : i32
      %dma_start3A_281 = tpu.memref_slice %arg4[%dma_start3A_280, %mul3A_278] : memref<64x1000000xf32, #tpu.memory_space<hbm>> -> memref<64x256xf32, #tpu.memory_space<hbm>>
      %dma_start3A_282 = arith.constant 0 : i32
      %dma_start3A_283 = tpu.memref_slice %arg17[%dma_start3A_282, %mul3A_275] : memref<64x640xf32, #tpu.memory_space<vmem>> -> memref<64x256xf32, #tpu.memory_space<vmem>>
      %dma_start3A_284 = arith.constant 0 : i32
      %dma_start3A_285 = tpu.memref_slice %arg4[%dma_start3A_284, %mul3A_278] : memref<64x1000000xf32, #tpu.memory_space<hbm>> -> memref<64x256xf32, #tpu.memory_space<hbm>>
      tpu.enqueue_dma source(%dma_start3A_285 : memref<64x256xf32, #tpu.memory_space<hbm>>) target(%dma_start3A_283 : memref<64x256xf32, #tpu.memory_space<vmem>>) target_semaphore(%arg21 : memref<!tpu.dma_semaphore, #tpu.memory_space<semaphore_mem>>)
    } else {
    }
    %while3A_249 = arith.constant 0 : i32
    %while3A_250 = arith.constant 0 : i32
    %while3A_251 = arith.constant 0 : i32
    %while3A_252 = arith.constant 0 : i32
    %while3A_253 = arith.subi %sub3A_234, %while3A_249 : i32
    %while3A_254 = arith.addi %while3A_249, %while3A_253 : i32
    %while3A_255 = arith.constant 1 : i32
    %while3A_256 = arith.divsi %while3A_253, %while3A_255 : i32
    %while3A_257 = arith.muli %while3A_256, %while3A_255 : i32
    %while3A_258 = arith.addi %while3A_249, %while3A_257 : i32
    %while3A_259 = arith.constant 1 : i32
    %while3A_260:3 = scf.for %while3A_272 = %while3A_249 to %while3A_258 step %while3A_259 iter_args(%while3A_273 = %while3A_250, %while3A_274 = %while3A_251, %while3A_275 = %while3A_252) -> (i32, i32, i32)  : i32 {
      %add3A_276 = arith.constant 1 : i32
      %add3A_277 = arith.addi %while3A_272, %add3A_276 : i32
      %lt3A_278 = arith.cmpi slt, %add3A_277, %sub3A_234 : i32
      %add3A_279 = arith.constant 1 : i32
      %add3A_280 = arith.addi %add3A_277, %add3A_279 : i32
      %get3A_281 = arith.index_cast %add3A_280 : i32 to index
      %get3A_282 = tpu.vector_load %arg15[%get3A_281] {strides = array<i32>} : memref<144xi32, #tpu.memory_space<vmem>>, vector<16xi32>,
      %slice3A_283 = vector.extract_strided_slice %get3A_282 {offsets = [0], sizes = [1], strides = [1]} : vector<16xi32> to vector<1xi32>
      %squeeze3A_284 = vector.extract %slice3A_283[0] : i32 from vector<1xi32>
      %get3A_285 = arith.index_cast %add3A_277 : i32 to index
      %get3A_286 = tpu.vector_load %arg15[%get3A_285] {strides = array<i32>} : memref<144xi32, #tpu.memory_space<vmem>>, vector<16xi32>,
      %slice3A_287 = vector.extract_strided_slice %get3A_286 {offsets = [0], sizes = [1], strides = [1]} : vector<16xi32> to vector<1xi32>
      %squeeze3A_288 = vector.extract %slice3A_287[0] : i32 from vector<1xi32>
      %gt3A_289 = arith.cmpi sgt, %squeeze3A_284, %squeeze3A_288 : i32
      %and3A_290 = arith.andi %lt3A_278, %gt3A_289 : i1
      %convert_element_type3A_291 = arith.extui %and3A_290 : i1 to i32
      %cond3A_292 = arith.constant 0 : i32
      %cond3A_293 = arith.cmpi ne, %convert_element_type3A_291, %cond3A_292 : i32
      scf.if %cond3A_293 {
        %and3A_335 = arith.constant 1 : i32
        %and3A_336 = arith.andi %add3A_277, %and3A_335 : i32
        %mul3A_337 = arith.constant 256 : i32
        %mul3A_338 = arith.muli %and3A_336, %mul3A_337 : i32
        %add3A_339 = arith.addi %add3A_8, %add3A_277 : i32
        %mul3A_340 = arith.constant 256 : i32
        %mul3A_341 = arith.muli %add3A_339, %mul3A_340 : i32
        %dma_start3A = arith.constant 0 : i32
        %dma_start3A_342 = tpu.memref_slice %arg17[%dma_start3A, %mul3A_338] : memref<64x640xf32, #tpu.memory_space<vmem>> -> memref<64x256xf32, #tpu.memory_space<vmem>>
        %dma_start3A_343 = arith.constant 0 : i32
        %dma_start3A_344 = tpu.memref_slice %arg4[%dma_start3A_343, %mul3A_341] : memref<64x1000000xf32, #tpu.memory_space<hbm>> -> memref<64x256xf32, #tpu.memory_space<hbm>>
        %dma_start3A_345 = arith.constant 0 : i32
        %dma_start3A_346 = tpu.memref_slice %arg17[%dma_start3A_345, %mul3A_338] : memref<64x640xf32, #tpu.memory_space<vmem>> -> memref<64x256xf32, #tpu.memory_space<vmem>>
        %dma_start3A_347 = arith.constant 0 : i32
        %dma_start3A_348 = tpu.memref_slice %arg4[%dma_start3A_347, %mul3A_341] : memref<64x1000000xf32, #tpu.memory_space<hbm>> -> memref<64x256xf32, #tpu.memory_space<hbm>>
        tpu.enqueue_dma source(%dma_start3A_348 : memref<64x256xf32, #tpu.memory_space<hbm>>) target(%dma_start3A_346 : memref<64x256xf32, #tpu.memory_space<vmem>>) target_semaphore(%arg21 : memref<!tpu.dma_semaphore, #tpu.memory_space<semaphore_mem>>)
      } else {
      }
      %add3A_294 = arith.constant 1 : i32
      %add3A_295 = arith.addi %while3A_272, %add3A_294 : i32
      %get3A_296 = arith.index_cast %add3A_295 : i32 to index
      %get3A_297 = tpu.vector_load %arg15[%get3A_296] {strides = array<i32>} : memref<144xi32, #tpu.memory_space<vmem>>, vector<16xi32>,
      %slice3A_298 = vector.extract_strided_slice %get3A_297 {offsets = [0], sizes = [1], strides = [1]} : vector<16xi32> to vector<1xi32>
      %squeeze3A_299 = vector.extract %slice3A_298[0] : i32 from vector<1xi32>
      %get3A_300 = arith.index_cast %while3A_272 : i32 to index
      %get3A_301 = tpu.vector_load %arg15[%get3A_300] {strides = array<i32>} : memref<144xi32, #tpu.memory_space<vmem>>, vector<16xi32>,
      %slice3A_302 = vector.extract_strided_slice %get3A_301 {offsets = [0], sizes = [1], strides = [1]} : vector<16xi32> to vector<1xi32>
      %squeeze3A_303 = vector.extract %slice3A_302[0] : i32 from vector<1xi32>
      %gt3A_304 = arith.cmpi sgt, %squeeze3A_299, %squeeze3A_303 : i32
      %convert_element_type3A_305 = arith.extui %gt3A_304 : i1 to i32
      %cond3A_306 = arith.constant 0 : i32
      %cond3A_307 = arith.cmpi ne, %convert_element_type3A_305, %cond3A_306 : i32
      scf.if %cond3A_307 {
        %dma_wait3A = arith.constant 0 : i32
        %dma_wait3A_335 = arith.constant 0 : i32
        %dma_wait3A_336 = tpu.memref_slice %arg17[%dma_wait3A, %dma_wait3A_335] : memref<64x640xf32, #tpu.memory_space<vmem>> -> memref<64x256xf32, #tpu.memory_space<vmem>>
        %dma_wait3A_337 = arith.constant 0 : i32
        %dma_wait3A_338 = arith.constant 0 : i32
        %dma_wait3A_339 = tpu.memref_slice %arg4[%dma_wait3A_337, %dma_wait3A_338] : memref<64x1000000xf32, #tpu.memory_space<hbm>> -> memref<64x256xf32, #tpu.memory_space<hbm>>
        %dma_wait3A_340 = arith.constant 0 : i32
        %dma_wait3A_341 = arith.constant 0 : i32
        %dma_wait3A_342 = tpu.memref_slice %arg17[%dma_wait3A_340, %dma_wait3A_341] : memref<64x640xf32, #tpu.memory_space<vmem>> -> memref<64x256xf32, #tpu.memory_space<vmem>>
        %dma_wait3A_343 = arith.constant 0 : i32
        %dma_wait3A_344 = arith.constant 0 : i32
        %dma_wait3A_345 = tpu.memref_slice %arg4[%dma_wait3A_343, %dma_wait3A_344] : memref<64x1000000xf32, #tpu.memory_space<hbm>> -> memref<64x256xf32, #tpu.memory_space<hbm>>
        tpu.wait_dma2 semaphore(%arg21 : memref<!tpu.dma_semaphore, #tpu.memory_space<semaphore_mem>>) src(%dma_wait3A_345 : memref<64x256xf32, #tpu.memory_space<hbm>>) dst(%dma_wait3A_342 : memref<64x256xf32, #tpu.memory_space<vmem>>)
      } else {
      }
      %and3A_308 = arith.constant 1 : i32
      %and3A_309 = arith.andi %while3A_272, %and3A_308 : i32
      %mul3A_310 = arith.constant 256 : i32
      %mul3A_311 = arith.muli %and3A_309, %mul3A_310 : i32
      %get3A_312 = arith.index_cast %while3A_272 : i32 to index
      %get3A_313 = tpu.vector_load %arg15[%get3A_312] {strides = array<i32>} : memref<144xi32, #tpu.memory_space<vmem>>, vector<16xi32>,
      %slice3A_314 = vector.extract_strided_slice %get3A_313 {offsets = [0], sizes = [1], strides = [1]} : vector<16xi32> to vector<1xi32>
      %squeeze3A_315 = vector.extract %slice3A_314[0] : i32 from vector<1xi32>
      %add3A_316 = arith.constant 1 : i32
      %add3A_317 = arith.addi %while3A_272, %add3A_316 : i32
      %get3A_318 = arith.index_cast %add3A_317 : i32 to index
      %get3A_319 = tpu.vector_load %arg15[%get3A_318] {strides = array<i32>} : memref<144xi32, #tpu.memory_space<vmem>>, vector<16xi32>,
      %slice3A_320 = vector.extract_strided_slice %get3A_319 {offsets = [0], sizes = [1], strides = [1]} : vector<16xi32> to vector<1xi32>
      %squeeze3A_321 = vector.extract %slice3A_320[0] : i32 from vector<1xi32>
      %mul3A_322 = arith.constant 256 : i32
      %mul3A_323 = arith.muli %while3A_272, %mul3A_322 : i32
      %sub3A_324 = arith.subi %mul3A_311, %mul3A_323 : i32
      %while3A_325 = arith.subi %squeeze3A_321, %squeeze3A_315 : i32
      %while3A_326 = arith.addi %squeeze3A_315, %while3A_325 : i32
      %while3A_327 = arith.constant 1 : i32
      %while3A_328 = arith.divsi %while3A_325, %while3A_327 : i32
      %while3A_329 = arith.muli %while3A_328, %while3A_327 : i32
      %while3A_330 = arith.addi %squeeze3A_315, %while3A_329 : i32
      %while3A_331 = arith.constant 1 : i32
      %while3A_332:3 = scf.for %while3A_335 = %squeeze3A_315 to %while3A_330 step %while3A_331 iter_args(%while3A_336 = %while3A_273, %while3A_337 = %while3A_274, %while3A_338 = %while3A_275) -> (i32, i32, i32)  : i32 {
        %get3A_339 = arith.index_cast %while3A_335 : i32 to index
        %get3A_340 = tpu.vector_load %arg12[%get3A_339] {strides = array<i32>} : memref<1040xi32, #tpu.memory_space<vmem>>, vector<16xi32>,
        %slice3A_341 = vector.extract_strided_slice %get3A_340 {offsets = [0], sizes = [1], strides = [1]} : vector<16xi32> to vector<1xi32>
        %squeeze3A_342 = vector.extract %slice3A_341[0] : i32 from vector<1xi32>
        %get3A_343 = arith.index_cast %while3A_335 : i32 to index
        %get3A_344 = tpu.vector_load %arg13[%get3A_343] {strides = array<i32>} : memref<1040xi32, #tpu.memory_space<vmem>>, vector<16xi32>,
        %slice3A_345 = vector.extract_strided_slice %get3A_344 {offsets = [0], sizes = [1], strides = [1]} : vector<16xi32> to vector<1xi32>
        %squeeze3A_346 = vector.extract %slice3A_345[0] : i32 from vector<1xi32>
        %shift_right_logical3A = arith.constant 14 : i32
        %shift_right_logical3A_347 = arith.shrui %squeeze3A_342, %shift_right_logical3A : i32
        %add3A_348 = arith.addi %sub3A_324, %shift_right_logical3A_347 : i32
        %and3A_349 = arith.constant 16383 : i32
        %and3A_350 = arith.andi %squeeze3A_342, %and3A_349 : i32
        %and3A_351 = arith.constant 15 : i32
        %and3A_352 = arith.andi %while3A_336, %and3A_351 : i32
        %and3A_353 = arith.constant 1 : i32
        %and3A_354 = arith.andi %while3A_337, %and3A_353 : i32
        %mul3A_355 = arith.constant 16 : i32
        %mul3A_356 = arith.muli %and3A_354, %mul3A_355 : i32
        %add3A_357 = arith.addi %mul3A_356, %and3A_352 : i32
        %broadcast_in_dim3A_358 = vector.broadcast %add3A_348 : i32 to vector<16xi32>
        %broadcast_in_dim3A_359 = vector.broadcast %squeeze3A_346 : i32 to vector<16xi32>
        %broadcast_in_dim3A_360 = vector.broadcast %add3A_357 : i32 to vector<16xi32>
        %iota3A_361 = tpu.iota {dimensions = array<i32: 0>} : vector<16xi32>
        %gather3A = tpu.vector_load_idx %arg17[%iota3A_361, %broadcast_in_dim3A_358] : memref<64x640xf32, #tpu.memory_space<vmem>>[vector<16xi32>, vector<16xi32>], vector<16xf32>,
        %gather3A_362 = tpu.vector_load_idx %arg18[%iota3A_361, %broadcast_in_dim3A_359] : memref<64x1024xf32, #tpu.memory_space<vmem>>[vector<16xi32>, vector<16xi32>], vector<16xf32>,
        %add3A_363 = arith.constant 0 : i32
        %add3A_364 = vector.broadcast %add3A_363 : i32 to vector<16xi32>
        %add3A_365 = arith.addi %add3A_364, %iota3A : vector<16xi32>
        %add3A_366 = arith.addf %gather3A, %gather3A_362 : vector<16xf32>
        tpu.vector_store_idx %arg19[%broadcast_in_dim3A_360, %add3A_365], %add3A_366 : memref<32x128xf32, #tpu.memory_space<vmem>>[vector<16xi32>, vector<16xi32>], vector<16xf32>,
        %iota3A_367 = tpu.iota {dimensions = array<i32: 0>} : vector<16xi32>
        %add3A_368 = arith.constant 16 : i32
        %add3A_369 = vector.broadcast %add3A_368 : i32 to vector<16xi32>
        %add3A_370 = arith.addi %add3A_369, %iota3A_367 : vector<16xi32>
        %gather3A_371 = tpu.vector_load_idx %arg17[%add3A_370, %broadcast_in_dim3A_358] : memref<64x640xf32, #tpu.memory_space<vmem>>[vector<16xi32>, vector<16xi32>], vector<16xf32>,
        %gather3A_372 = tpu.vector_load_idx %arg18[%add3A_370, %broadcast_in_dim3A_359] : memref<64x1024xf32, #tpu.memory_space<vmem>>[vector<16xi32>, vector<16xi32>], vector<16xf32>,
        %add3A_373 = arith.constant 16 : i32
        %add3A_374 = vector.broadcast %add3A_373 : i32 to vector<16xi32>
        %add3A_375 = arith.addi %add3A_374, %iota3A : vector<16xi32>
        %add3A_376 = arith.addf %gather3A_371, %gather3A_372 : vector<16xf32>
        tpu.vector_store_idx %arg19[%broadcast_in_dim3A_360, %add3A_375], %add3A_376 : memref<32x128xf32, #tpu.memory_space<vmem>>[vector<16xi32>, vector<16xi32>], vector<16xf32>,
        %iota3A_377 = tpu.iota {dimensions = array<i32: 0>} : vector<16xi32>
        %add3A_378 = arith.constant 32 : i32
        %add3A_379 = vector.broadcast %add3A_378 : i32 to vector<16xi32>
        %add3A_380 = arith.addi %add3A_379, %iota3A_377 : vector<16xi32>
        %gather3A_381 = tpu.vector_load_idx %arg17[%add3A_380, %broadcast_in_dim3A_358] : memref<64x640xf32, #tpu.memory_space<vmem>>[vector<16xi32>, vector<16xi32>], vector<16xf32>,
        %gather3A_382 = tpu.vector_load_idx %arg18[%add3A_380, %broadcast_in_dim3A_359] : memref<64x1024xf32, #tpu.memory_space<vmem>>[vector<16xi32>, vector<16xi32>], vector<16xf32>,
        %add3A_383 = arith.constant 32 : i32
        %add3A_384 = vector.broadcast %add3A_383 : i32 to vector<16xi32>
        %add3A_385 = arith.addi %add3A_384, %iota3A : vector<16xi32>
        %add3A_386 = arith.addf %gather3A_381, %gather3A_382 : vector<16xf32>
        tpu.vector_store_idx %arg19[%broadcast_in_dim3A_360, %add3A_385], %add3A_386 : memref<32x128xf32, #tpu.memory_space<vmem>>[vector<16xi32>, vector<16xi32>], vector<16xf32>,
        %iota3A_387 = tpu.iota {dimensions = array<i32: 0>} : vector<16xi32>
        %add3A_388 = arith.constant 48 : i32
        %add3A_389 = vector.broadcast %add3A_388 : i32 to vector<16xi32>
        %add3A_390 = arith.addi %add3A_389, %iota3A_387 : vector<16xi32>
        %gather3A_391 = tpu.vector_load_idx %arg17[%add3A_390, %broadcast_in_dim3A_358] : memref<64x640xf32, #tpu.memory_space<vmem>>[vector<16xi32>, vector<16xi32>], vector<16xf32>,
        %gather3A_392 = tpu.vector_load_idx %arg18[%add3A_390, %broadcast_in_dim3A_359] : memref<64x1024xf32, #tpu.memory_space<vmem>>[vector<16xi32>, vector<16xi32>], vector<16xf32>,
        %add3A_393 = arith.constant 48 : i32
        %add3A_394 = vector.broadcast %add3A_393 : i32 to vector<16xi32>
        %add3A_395 = arith.addi %add3A_394, %iota3A : vector<16xi32>
        %add3A_396 = arith.addf %gather3A_391, %gather3A_392 : vector<16xf32>
        tpu.vector_store_idx %arg19[%broadcast_in_dim3A_360, %add3A_395], %add3A_396 : memref<32x128xf32, #tpu.memory_space<vmem>>[vector<16xi32>, vector<16xi32>], vector<16xf32>,
        %broadcast_in_dim3A_397 = vector.broadcast %and3A_354 : i32 to vector<16xi32>
        %broadcast_in_dim3A_398 = vector.broadcast %and3A_352 : i32 to vector<16xi32>
        %broadcast_in_dim3A_399 = vector.broadcast %and3A_350 : i32 to vector<16xi32>
        tpu.vector_store_idx %arg20[%broadcast_in_dim3A_397, %broadcast_in_dim3A_398], %broadcast_in_dim3A_399 masked %eq3A_15 : memref<2x16xi32, #tpu.memory_space<vmem>>[vector<16xi32>, vector<16xi32>], vector<16xi32>, vector<16xi1>
        %eq3A_400 = arith.constant 15 : i32
        %eq3A_401 = arith.cmpi eq, %and3A_352, %eq3A_400 : i32
        %convert_element_type3A_402 = arith.extui %eq3A_401 : i1 to i32
        %cond3A_403 = arith.constant 0 : i32
        %cond3A_404 = arith.cmpi ne, %convert_element_type3A_402, %cond3A_403 : i32
        scf.if %cond3A_404 {
          %gt3A_413 = arith.constant 0 : i32
          %gt3A_414 = arith.cmpi sgt, %while3A_337, %gt3A_413 : i32
          %convert_element_type3A_415 = arith.extui %gt3A_414 : i1 to i32
          %cond3A_416 = arith.constant 0 : i32
          %cond3A_417 = arith.cmpi ne, %convert_element_type3A_415, %cond3A_416 : i32
          scf.if %cond3A_417 {
            %dma_wait3A = arith.constant 0 : i32
            %dma_wait3A_427 = arith.constant 0 : i32
            %dma_wait3A_428 = tpu.memref_slice %arg19[%dma_wait3A, %dma_wait3A_427] : memref<32x128xf32, #tpu.memory_space<vmem>> -> memref<16x128xf32, #tpu.memory_space<vmem>>
            %dma_wait3A_429 = arith.constant 0 : i32
            %dma_wait3A_430 = arith.constant 0 : i32
            %dma_wait3A_431 = tpu.memref_slice %arg7[%dma_wait3A_429, %dma_wait3A_430] : memref<16384x128xf32, #tpu.memory_space<hbm>> -> memref<16x128xf32, #tpu.memory_space<hbm>>
            %dma_wait3A_432 = arith.constant 0 : i32
            %dma_wait3A_433 = arith.constant 0 : i32
            %dma_wait3A_434 = tpu.memref_slice %arg7[%dma_wait3A_432, %dma_wait3A_433] : memref<16384x128xf32, #tpu.memory_space<hbm>> -> memref<16x128xf32, #tpu.memory_space<hbm>>
            %dma_wait3A_435 = arith.constant 0 : i32
            %dma_wait3A_436 = arith.constant 0 : i32
            %dma_wait3A_437 = tpu.memref_slice %arg19[%dma_wait3A_435, %dma_wait3A_436] : memref<32x128xf32, #tpu.memory_space<vmem>> -> memref<16x128xf32, #tpu.memory_space<vmem>>
            tpu.wait_dma2 semaphore(%arg22 : memref<!tpu.dma_semaphore, #tpu.memory_space<semaphore_mem>>) src(%dma_wait3A_437 : memref<16x128xf32, #tpu.memory_space<vmem>>) dst(%dma_wait3A_434 : memref<16x128xf32, #tpu.memory_space<hbm>>)
          } else {
          }
          %mul3A_418 = arith.constant 16 : i32
          %mul3A_419 = arith.muli %and3A_354, %mul3A_418 : i32
          %dma_start3A = arith.constant 0 : i32
          %dma_start3A_420 = tpu.memref_slice %arg19[%mul3A_419, %dma_start3A] : memref<32x128xf32, #tpu.memory_space<vmem>> -> memref<16x128xf32, #tpu.memory_space<vmem>>
          %dma_start3A_421 = arith.constant 0 : i32
          %dma_start3A_422 = tpu.memref_slice %arg20[%and3A_354, %dma_start3A_421] : memref<2x16xi32, #tpu.memory_space<vmem>> -> memref<1x16xi32, #tpu.memory_space<vmem>>
          %dma_start3A_423 = tpu.memref_squeeze %dma_start3A_422 : memref<1x16xi32, #tpu.memory_space<vmem>> -> memref<16xi32, #tpu.memory_space<vmem>>
          %dma_start3A_424 = arith.constant 0 : i32
          %dma_start3A_425 = arith.constant 0 : i32
          %dma_start3A_426 = tpu.memref_slice %arg7[%dma_start3A_424, %dma_start3A_425] : memref<16384x128xf32, #tpu.memory_space<hbm>> -> memref<16384x128xf32, #tpu.memory_space<hbm>>
          tpu.enqueue_indirect_dma source(%dma_start3A_420 : memref<16x128xf32, #tpu.memory_space<vmem>>) target(%dma_start3A_426 : memref<16384x128xf32, #tpu.memory_space<hbm>>) offsets(%dma_start3A_423 : memref<16xi32, #tpu.memory_space<vmem>>) semaphore(%arg22 : memref<!tpu.dma_semaphore, #tpu.memory_space<semaphore_mem>>)
        } else {
        }
        %add3A_405 = arith.constant 1 : i32
        %add3A_406 = arith.addi %while3A_336, %add3A_405 : i32
        %eq3A_407 = arith.constant 15 : i32
        %eq3A_408 = arith.cmpi eq, %and3A_352, %eq3A_407 : i32
        %jit3A_409 = arith.constant 1 : i32
        %jit3A_410 = arith.constant 0 : i32
        %select_n3A_411 = arith.select %eq3A_408, %jit3A_409, %jit3A_410 : i32
        %add3A_412 = arith.addi %while3A_337, %select_n3A_411 : i32
        scf.yield %add3A_406, %add3A_412, %and3A_350 : i32, i32, i32
      }
      %while3A_333 = arith.constant 1 : i32
      %while3A_334:3 = scf.for %while3A_335 = %while3A_330 to %while3A_326 step %while3A_333 iter_args(%while3A_336 = %while3A_332#0, %while3A_337 = %while3A_332#1, %while3A_338 = %while3A_332#2) -> (i32, i32, i32)  : i32 {
        %get3A_339 = arith.index_cast %while3A_335 : i32 to index
        %get3A_340 = tpu.vector_load %arg12[%get3A_339] {strides = array<i32>} : memref<1040xi32, #tpu.memory_space<vmem>>, vector<16xi32>,
        %slice3A_341 = vector.extract_strided_slice %get3A_340 {offsets = [0], sizes = [1], strides = [1]} : vector<16xi32> to vector<1xi32>
        %squeeze3A_342 = vector.extract %slice3A_341[0] : i32 from vector<1xi32>
        %get3A_343 = arith.index_cast %while3A_335 : i32 to index
        %get3A_344 = tpu.vector_load %arg13[%get3A_343] {strides = array<i32>} : memref<1040xi32, #tpu.memory_space<vmem>>, vector<16xi32>,
        %slice3A_345 = vector.extract_strided_slice %get3A_344 {offsets = [0], sizes = [1], strides = [1]} : vector<16xi32> to vector<1xi32>
        %squeeze3A_346 = vector.extract %slice3A_345[0] : i32 from vector<1xi32>
        %shift_right_logical3A = arith.constant 14 : i32
        %shift_right_logical3A_347 = arith.shrui %squeeze3A_342, %shift_right_logical3A : i32
        %add3A_348 = arith.addi %sub3A_324, %shift_right_logical3A_347 : i32
        %and3A_349 = arith.constant 16383 : i32
        %and3A_350 = arith.andi %squeeze3A_342, %and3A_349 : i32
        %and3A_351 = arith.constant 15 : i32
        %and3A_352 = arith.andi %while3A_336, %and3A_351 : i32
        %and3A_353 = arith.constant 1 : i32
        %and3A_354 = arith.andi %while3A_337, %and3A_353 : i32
        %mul3A_355 = arith.constant 16 : i32
        %mul3A_356 = arith.muli %and3A_354, %mul3A_355 : i32
        %add3A_357 = arith.addi %mul3A_356, %and3A_352 : i32
        %broadcast_in_dim3A_358 = vector.broadcast %add3A_348 : i32 to vector<16xi32>
        %broadcast_in_dim3A_359 = vector.broadcast %squeeze3A_346 : i32 to vector<16xi32>
        %broadcast_in_dim3A_360 = vector.broadcast %add3A_357 : i32 to vector<16xi32>
        %iota3A_361 = tpu.iota {dimensions = array<i32: 0>} : vector<16xi32>
        %gather3A = tpu.vector_load_idx %arg17[%iota3A_361, %broadcast_in_dim3A_358] : memref<64x640xf32, #tpu.memory_space<vmem>>[vector<16xi32>, vector<16xi32>], vector<16xf32>,
        %gather3A_362 = tpu.vector_load_idx %arg18[%iota3A_361, %broadcast_in_dim3A_359] : memref<64x1024xf32, #tpu.memory_space<vmem>>[vector<16xi32>, vector<16xi32>], vector<16xf32>,
        %add3A_363 = arith.constant 0 : i32
        %add3A_364 = vector.broadcast %add3A_363 : i32 to vector<16xi32>
        %add3A_365 = arith.addi %add3A_364, %iota3A : vector<16xi32>
        %add3A_366 = arith.addf %gather3A, %gather3A_362 : vector<16xf32>
        tpu.vector_store_idx %arg19[%broadcast_in_dim3A_360, %add3A_365], %add3A_366 : memref<32x128xf32, #tpu.memory_space<vmem>>[vector<16xi32>, vector<16xi32>], vector<16xf32>,
        %iota3A_367 = tpu.iota {dimensions = array<i32: 0>} : vector<16xi32>
        %add3A_368 = arith.constant 16 : i32
        %add3A_369 = vector.broadcast %add3A_368 : i32 to vector<16xi32>
        %add3A_370 = arith.addi %add3A_369, %iota3A_367 : vector<16xi32>
        %gather3A_371 = tpu.vector_load_idx %arg17[%add3A_370, %broadcast_in_dim3A_358] : memref<64x640xf32, #tpu.memory_space<vmem>>[vector<16xi32>, vector<16xi32>], vector<16xf32>,
        %gather3A_372 = tpu.vector_load_idx %arg18[%add3A_370, %broadcast_in_dim3A_359] : memref<64x1024xf32, #tpu.memory_space<vmem>>[vector<16xi32>, vector<16xi32>], vector<16xf32>,
        %add3A_373 = arith.constant 16 : i32
        %add3A_374 = vector.broadcast %add3A_373 : i32 to vector<16xi32>
        %add3A_375 = arith.addi %add3A_374, %iota3A : vector<16xi32>
        %add3A_376 = arith.addf %gather3A_371, %gather3A_372 : vector<16xf32>
        tpu.vector_store_idx %arg19[%broadcast_in_dim3A_360, %add3A_375], %add3A_376 : memref<32x128xf32, #tpu.memory_space<vmem>>[vector<16xi32>, vector<16xi32>], vector<16xf32>,
        %iota3A_377 = tpu.iota {dimensions = array<i32: 0>} : vector<16xi32>
        %add3A_378 = arith.constant 32 : i32
        %add3A_379 = vector.broadcast %add3A_378 : i32 to vector<16xi32>
        %add3A_380 = arith.addi %add3A_379, %iota3A_377 : vector<16xi32>
        %gather3A_381 = tpu.vector_load_idx %arg17[%add3A_380, %broadcast_in_dim3A_358] : memref<64x640xf32, #tpu.memory_space<vmem>>[vector<16xi32>, vector<16xi32>], vector<16xf32>,
        %gather3A_382 = tpu.vector_load_idx %arg18[%add3A_380, %broadcast_in_dim3A_359] : memref<64x1024xf32, #tpu.memory_space<vmem>>[vector<16xi32>, vector<16xi32>], vector<16xf32>,
        %add3A_383 = arith.constant 32 : i32
        %add3A_384 = vector.broadcast %add3A_383 : i32 to vector<16xi32>
        %add3A_385 = arith.addi %add3A_384, %iota3A : vector<16xi32>
        %add3A_386 = arith.addf %gather3A_381, %gather3A_382 : vector<16xf32>
        tpu.vector_store_idx %arg19[%broadcast_in_dim3A_360, %add3A_385], %add3A_386 : memref<32x128xf32, #tpu.memory_space<vmem>>[vector<16xi32>, vector<16xi32>], vector<16xf32>,
        %iota3A_387 = tpu.iota {dimensions = array<i32: 0>} : vector<16xi32>
        %add3A_388 = arith.constant 48 : i32
        %add3A_389 = vector.broadcast %add3A_388 : i32 to vector<16xi32>
        %add3A_390 = arith.addi %add3A_389, %iota3A_387 : vector<16xi32>
        %gather3A_391 = tpu.vector_load_idx %arg17[%add3A_390, %broadcast_in_dim3A_358] : memref<64x640xf32, #tpu.memory_space<vmem>>[vector<16xi32>, vector<16xi32>], vector<16xf32>,
        %gather3A_392 = tpu.vector_load_idx %arg18[%add3A_390, %broadcast_in_dim3A_359] : memref<64x1024xf32, #tpu.memory_space<vmem>>[vector<16xi32>, vector<16xi32>], vector<16xf32>,
        %add3A_393 = arith.constant 48 : i32
        %add3A_394 = vector.broadcast %add3A_393 : i32 to vector<16xi32>
        %add3A_395 = arith.addi %add3A_394, %iota3A : vector<16xi32>
        %add3A_396 = arith.addf %gather3A_391, %gather3A_392 : vector<16xf32>
        tpu.vector_store_idx %arg19[%broadcast_in_dim3A_360, %add3A_395], %add3A_396 : memref<32x128xf32, #tpu.memory_space<vmem>>[vector<16xi32>, vector<16xi32>], vector<16xf32>,
        %broadcast_in_dim3A_397 = vector.broadcast %and3A_354 : i32 to vector<16xi32>
        %broadcast_in_dim3A_398 = vector.broadcast %and3A_352 : i32 to vector<16xi32>
        %broadcast_in_dim3A_399 = vector.broadcast %and3A_350 : i32 to vector<16xi32>
        tpu.vector_store_idx %arg20[%broadcast_in_dim3A_397, %broadcast_in_dim3A_398], %broadcast_in_dim3A_399 masked %eq3A_15 : memref<2x16xi32, #tpu.memory_space<vmem>>[vector<16xi32>, vector<16xi32>], vector<16xi32>, vector<16xi1>
        %eq3A_400 = arith.constant 15 : i32
        %eq3A_401 = arith.cmpi eq, %and3A_352, %eq3A_400 : i32
        %convert_element_type3A_402 = arith.extui %eq3A_401 : i1 to i32
        %cond3A_403 = arith.constant 0 : i32
        %cond3A_404 = arith.cmpi ne, %convert_element_type3A_402, %cond3A_403 : i32
        scf.if %cond3A_404 {
          %gt3A_413 = arith.constant 0 : i32
          %gt3A_414 = arith.cmpi sgt, %while3A_337, %gt3A_413 : i32
          %convert_element_type3A_415 = arith.extui %gt3A_414 : i1 to i32
          %cond3A_416 = arith.constant 0 : i32
          %cond3A_417 = arith.cmpi ne, %convert_element_type3A_415, %cond3A_416 : i32
          scf.if %cond3A_417 {
            %dma_wait3A = arith.constant 0 : i32
            %dma_wait3A_427 = arith.constant 0 : i32
            %dma_wait3A_428 = tpu.memref_slice %arg19[%dma_wait3A, %dma_wait3A_427] : memref<32x128xf32, #tpu.memory_space<vmem>> -> memref<16x128xf32, #tpu.memory_space<vmem>>
            %dma_wait3A_429 = arith.constant 0 : i32
            %dma_wait3A_430 = arith.constant 0 : i32
            %dma_wait3A_431 = tpu.memref_slice %arg7[%dma_wait3A_429, %dma_wait3A_430] : memref<16384x128xf32, #tpu.memory_space<hbm>> -> memref<16x128xf32, #tpu.memory_space<hbm>>
            %dma_wait3A_432 = arith.constant 0 : i32
            %dma_wait3A_433 = arith.constant 0 : i32
            %dma_wait3A_434 = tpu.memref_slice %arg7[%dma_wait3A_432, %dma_wait3A_433] : memref<16384x128xf32, #tpu.memory_space<hbm>> -> memref<16x128xf32, #tpu.memory_space<hbm>>
            %dma_wait3A_435 = arith.constant 0 : i32
            %dma_wait3A_436 = arith.constant 0 : i32
            %dma_wait3A_437 = tpu.memref_slice %arg19[%dma_wait3A_435, %dma_wait3A_436] : memref<32x128xf32, #tpu.memory_space<vmem>> -> memref<16x128xf32, #tpu.memory_space<vmem>>
            tpu.wait_dma2 semaphore(%arg22 : memref<!tpu.dma_semaphore, #tpu.memory_space<semaphore_mem>>) src(%dma_wait3A_437 : memref<16x128xf32, #tpu.memory_space<vmem>>) dst(%dma_wait3A_434 : memref<16x128xf32, #tpu.memory_space<hbm>>)
          } else {
          }
          %mul3A_418 = arith.constant 16 : i32
          %mul3A_419 = arith.muli %and3A_354, %mul3A_418 : i32
          %dma_start3A = arith.constant 0 : i32
          %dma_start3A_420 = tpu.memref_slice %arg19[%mul3A_419, %dma_start3A] : memref<32x128xf32, #tpu.memory_space<vmem>> -> memref<16x128xf32, #tpu.memory_space<vmem>>
          %dma_start3A_421 = arith.constant 0 : i32
          %dma_start3A_422 = tpu.memref_slice %arg20[%and3A_354, %dma_start3A_421] : memref<2x16xi32, #tpu.memory_space<vmem>> -> memref<1x16xi32, #tpu.memory_space<vmem>>
          %dma_start3A_423 = tpu.memref_squeeze %dma_start3A_422 : memref<1x16xi32, #tpu.memory_space<vmem>> -> memref<16xi32, #tpu.memory_space<vmem>>
          %dma_start3A_424 = arith.constant 0 : i32
          %dma_start3A_425 = arith.constant 0 : i32
          %dma_start3A_426 = tpu.memref_slice %arg7[%dma_start3A_424, %dma_start3A_425] : memref<16384x128xf32, #tpu.memory_space<hbm>> -> memref<16384x128xf32, #tpu.memory_space<hbm>>
          tpu.enqueue_indirect_dma source(%dma_start3A_420 : memref<16x128xf32, #tpu.memory_space<vmem>>) target(%dma_start3A_426 : memref<16384x128xf32, #tpu.memory_space<hbm>>) offsets(%dma_start3A_423 : memref<16xi32, #tpu.memory_space<vmem>>) semaphore(%arg22 : memref<!tpu.dma_semaphore, #tpu.memory_space<semaphore_mem>>)
        } else {
        }
        %add3A_405 = arith.constant 1 : i32
        %add3A_406 = arith.addi %while3A_336, %add3A_405 : i32
        %eq3A_407 = arith.constant 15 : i32
        %eq3A_408 = arith.cmpi eq, %and3A_352, %eq3A_407 : i32
        %jit3A_409 = arith.constant 1 : i32
        %jit3A_410 = arith.constant 0 : i32
        %select_n3A_411 = arith.select %eq3A_408, %jit3A_409, %jit3A_410 : i32
        %add3A_412 = arith.addi %while3A_337, %select_n3A_411 : i32
        scf.yield %add3A_406, %add3A_412, %and3A_350 : i32, i32, i32
      }
      scf.yield %while3A_334#0, %while3A_334#1, %while3A_334#2 : i32, i32, i32
    }
    %while3A_261 = arith.constant 1 : i32
    %while3A_262:3 = scf.for %while3A_272 = %while3A_258 to %while3A_254 step %while3A_261 iter_args(%while3A_273 = %while3A_260#0, %while3A_274 = %while3A_260#1, %while3A_275 = %while3A_260#2) -> (i32, i32, i32)  : i32 {
      %add3A_276 = arith.constant 1 : i32
      %add3A_277 = arith.addi %while3A_272, %add3A_276 : i32
      %lt3A_278 = arith.cmpi slt, %add3A_277, %sub3A_234 : i32
      %add3A_279 = arith.constant 1 : i32
      %add3A_280 = arith.addi %add3A_277, %add3A_279 : i32
      %get3A_281 = arith.index_cast %add3A_280 : i32 to index
      %get3A_282 = tpu.vector_load %arg15[%get3A_281] {strides = array<i32>} : memref<144xi32, #tpu.memory_space<vmem>>, vector<16xi32>,
      %slice3A_283 = vector.extract_strided_slice %get3A_282 {offsets = [0], sizes = [1], strides = [1]} : vector<16xi32> to vector<1xi32>
      %squeeze3A_284 = vector.extract %slice3A_283[0] : i32 from vector<1xi32>
      %get3A_285 = arith.index_cast %add3A_277 : i32 to index
      %get3A_286 = tpu.vector_load %arg15[%get3A_285] {strides = array<i32>} : memref<144xi32, #tpu.memory_space<vmem>>, vector<16xi32>,
      %slice3A_287 = vector.extract_strided_slice %get3A_286 {offsets = [0], sizes = [1], strides = [1]} : vector<16xi32> to vector<1xi32>
      %squeeze3A_288 = vector.extract %slice3A_287[0] : i32 from vector<1xi32>
      %gt3A_289 = arith.cmpi sgt, %squeeze3A_284, %squeeze3A_288 : i32
      %and3A_290 = arith.andi %lt3A_278, %gt3A_289 : i1
      %convert_element_type3A_291 = arith.extui %and3A_290 : i1 to i32
      %cond3A_292 = arith.constant 0 : i32
      %cond3A_293 = arith.cmpi ne, %convert_element_type3A_291, %cond3A_292 : i32
      scf.if %cond3A_293 {
        %and3A_335 = arith.constant 1 : i32
        %and3A_336 = arith.andi %add3A_277, %and3A_335 : i32
        %mul3A_337 = arith.constant 256 : i32
        %mul3A_338 = arith.muli %and3A_336, %mul3A_337 : i32
        %add3A_339 = arith.addi %add3A_8, %add3A_277 : i32
        %mul3A_340 = arith.constant 256 : i32
        %mul3A_341 = arith.muli %add3A_339, %mul3A_340 : i32
        %dma_start3A = arith.constant 0 : i32
        %dma_start3A_342 = tpu.memref_slice %arg17[%dma_start3A, %mul3A_338] : memref<64x640xf32, #tpu.memory_space<vmem>> -> memref<64x256xf32, #tpu.memory_space<vmem>>
        %dma_start3A_343 = arith.constant 0 : i32
        %dma_start3A_344 = tpu.memref_slice %arg4[%dma_start3A_343, %mul3A_341] : memref<64x1000000xf32, #tpu.memory_space<hbm>> -> memref<64x256xf32, #tpu.memory_space<hbm>>
        %dma_start3A_345 = arith.constant 0 : i32
        %dma_start3A_346 = tpu.memref_slice %arg17[%dma_start3A_345, %mul3A_338] : memref<64x640xf32, #tpu.memory_space<vmem>> -> memref<64x256xf32, #tpu.memory_space<vmem>>
        %dma_start3A_347 = arith.constant 0 : i32
        %dma_start3A_348 = tpu.memref_slice %arg4[%dma_start3A_347, %mul3A_341] : memref<64x1000000xf32, #tpu.memory_space<hbm>> -> memref<64x256xf32, #tpu.memory_space<hbm>>
        tpu.enqueue_dma source(%dma_start3A_348 : memref<64x256xf32, #tpu.memory_space<hbm>>) target(%dma_start3A_346 : memref<64x256xf32, #tpu.memory_space<vmem>>) target_semaphore(%arg21 : memref<!tpu.dma_semaphore, #tpu.memory_space<semaphore_mem>>)
      } else {
      }
      %add3A_294 = arith.constant 1 : i32
      %add3A_295 = arith.addi %while3A_272, %add3A_294 : i32
      %get3A_296 = arith.index_cast %add3A_295 : i32 to index
      %get3A_297 = tpu.vector_load %arg15[%get3A_296] {strides = array<i32>} : memref<144xi32, #tpu.memory_space<vmem>>, vector<16xi32>,
      %slice3A_298 = vector.extract_strided_slice %get3A_297 {offsets = [0], sizes = [1], strides = [1]} : vector<16xi32> to vector<1xi32>
      %squeeze3A_299 = vector.extract %slice3A_298[0] : i32 from vector<1xi32>
      %get3A_300 = arith.index_cast %while3A_272 : i32 to index
      %get3A_301 = tpu.vector_load %arg15[%get3A_300] {strides = array<i32>} : memref<144xi32, #tpu.memory_space<vmem>>, vector<16xi32>,
      %slice3A_302 = vector.extract_strided_slice %get3A_301 {offsets = [0], sizes = [1], strides = [1]} : vector<16xi32> to vector<1xi32>
      %squeeze3A_303 = vector.extract %slice3A_302[0] : i32 from vector<1xi32>
      %gt3A_304 = arith.cmpi sgt, %squeeze3A_299, %squeeze3A_303 : i32
      %convert_element_type3A_305 = arith.extui %gt3A_304 : i1 to i32
      %cond3A_306 = arith.constant 0 : i32
      %cond3A_307 = arith.cmpi ne, %convert_element_type3A_305, %cond3A_306 : i32
      scf.if %cond3A_307 {
        %dma_wait3A = arith.constant 0 : i32
        %dma_wait3A_335 = arith.constant 0 : i32
        %dma_wait3A_336 = tpu.memref_slice %arg17[%dma_wait3A, %dma_wait3A_335] : memref<64x640xf32, #tpu.memory_space<vmem>> -> memref<64x256xf32, #tpu.memory_space<vmem>>
        %dma_wait3A_337 = arith.constant 0 : i32
        %dma_wait3A_338 = arith.constant 0 : i32
        %dma_wait3A_339 = tpu.memref_slice %arg4[%dma_wait3A_337, %dma_wait3A_338] : memref<64x1000000xf32, #tpu.memory_space<hbm>> -> memref<64x256xf32, #tpu.memory_space<hbm>>
        %dma_wait3A_340 = arith.constant 0 : i32
        %dma_wait3A_341 = arith.constant 0 : i32
        %dma_wait3A_342 = tpu.memref_slice %arg17[%dma_wait3A_340, %dma_wait3A_341] : memref<64x640xf32, #tpu.memory_space<vmem>> -> memref<64x256xf32, #tpu.memory_space<vmem>>
        %dma_wait3A_343 = arith.constant 0 : i32
        %dma_wait3A_344 = arith.constant 0 : i32
        %dma_wait3A_345 = tpu.memref_slice %arg4[%dma_wait3A_343, %dma_wait3A_344] : memref<64x1000000xf32, #tpu.memory_space<hbm>> -> memref<64x256xf32, #tpu.memory_space<hbm>>
        tpu.wait_dma2 semaphore(%arg21 : memref<!tpu.dma_semaphore, #tpu.memory_space<semaphore_mem>>) src(%dma_wait3A_345 : memref<64x256xf32, #tpu.memory_space<hbm>>) dst(%dma_wait3A_342 : memref<64x256xf32, #tpu.memory_space<vmem>>)
      } else {
      }
      %and3A_308 = arith.constant 1 : i32
      %and3A_309 = arith.andi %while3A_272, %and3A_308 : i32
      %mul3A_310 = arith.constant 256 : i32
      %mul3A_311 = arith.muli %and3A_309, %mul3A_310 : i32
      %get3A_312 = arith.index_cast %while3A_272 : i32 to index
      %get3A_313 = tpu.vector_load %arg15[%get3A_312] {strides = array<i32>} : memref<144xi32, #tpu.memory_space<vmem>>, vector<16xi32>,
      %slice3A_314 = vector.extract_strided_slice %get3A_313 {offsets = [0], sizes = [1], strides = [1]} : vector<16xi32> to vector<1xi32>
      %squeeze3A_315 = vector.extract %slice3A_314[0] : i32 from vector<1xi32>
      %add3A_316 = arith.constant 1 : i32
      %add3A_317 = arith.addi %while3A_272, %add3A_316 : i32
      %get3A_318 = arith.index_cast %add3A_317 : i32 to index
      %get3A_319 = tpu.vector_load %arg15[%get3A_318] {strides = array<i32>} : memref<144xi32, #tpu.memory_space<vmem>>, vector<16xi32>,
      %slice3A_320 = vector.extract_strided_slice %get3A_319 {offsets = [0], sizes = [1], strides = [1]} : vector<16xi32> to vector<1xi32>
      %squeeze3A_321 = vector.extract %slice3A_320[0] : i32 from vector<1xi32>
      %mul3A_322 = arith.constant 256 : i32
      %mul3A_323 = arith.muli %while3A_272, %mul3A_322 : i32
      %sub3A_324 = arith.subi %mul3A_311, %mul3A_323 : i32
      %while3A_325 = arith.subi %squeeze3A_321, %squeeze3A_315 : i32
      %while3A_326 = arith.addi %squeeze3A_315, %while3A_325 : i32
      %while3A_327 = arith.constant 1 : i32
      %while3A_328 = arith.divsi %while3A_325, %while3A_327 : i32
      %while3A_329 = arith.muli %while3A_328, %while3A_327 : i32
      %while3A_330 = arith.addi %squeeze3A_315, %while3A_329 : i32
      %while3A_331 = arith.constant 1 : i32
      %while3A_332:3 = scf.for %while3A_335 = %squeeze3A_315 to %while3A_330 step %while3A_331 iter_args(%while3A_336 = %while3A_273, %while3A_337 = %while3A_274, %while3A_338 = %while3A_275) -> (i32, i32, i32)  : i32 {
        %get3A_339 = arith.index_cast %while3A_335 : i32 to index
        %get3A_340 = tpu.vector_load %arg12[%get3A_339] {strides = array<i32>} : memref<1040xi32, #tpu.memory_space<vmem>>, vector<16xi32>,
        %slice3A_341 = vector.extract_strided_slice %get3A_340 {offsets = [0], sizes = [1], strides = [1]} : vector<16xi32> to vector<1xi32>
        %squeeze3A_342 = vector.extract %slice3A_341[0] : i32 from vector<1xi32>
        %get3A_343 = arith.index_cast %while3A_335 : i32 to index
        %get3A_344 = tpu.vector_load %arg13[%get3A_343] {strides = array<i32>} : memref<1040xi32, #tpu.memory_space<vmem>>, vector<16xi32>,
        %slice3A_345 = vector.extract_strided_slice %get3A_344 {offsets = [0], sizes = [1], strides = [1]} : vector<16xi32> to vector<1xi32>
        %squeeze3A_346 = vector.extract %slice3A_345[0] : i32 from vector<1xi32>
        %shift_right_logical3A = arith.constant 14 : i32
        %shift_right_logical3A_347 = arith.shrui %squeeze3A_342, %shift_right_logical3A : i32
        %add3A_348 = arith.addi %sub3A_324, %shift_right_logical3A_347 : i32
        %and3A_349 = arith.constant 16383 : i32
        %and3A_350 = arith.andi %squeeze3A_342, %and3A_349 : i32
        %and3A_351 = arith.constant 15 : i32
        %and3A_352 = arith.andi %while3A_336, %and3A_351 : i32
        %and3A_353 = arith.constant 1 : i32
        %and3A_354 = arith.andi %while3A_337, %and3A_353 : i32
        %mul3A_355 = arith.constant 16 : i32
        %mul3A_356 = arith.muli %and3A_354, %mul3A_355 : i32
        %add3A_357 = arith.addi %mul3A_356, %and3A_352 : i32
        %broadcast_in_dim3A_358 = vector.broadcast %add3A_348 : i32 to vector<16xi32>
        %broadcast_in_dim3A_359 = vector.broadcast %squeeze3A_346 : i32 to vector<16xi32>
        %broadcast_in_dim3A_360 = vector.broadcast %add3A_357 : i32 to vector<16xi32>
        %iota3A_361 = tpu.iota {dimensions = array<i32: 0>} : vector<16xi32>
        %gather3A = tpu.vector_load_idx %arg17[%iota3A_361, %broadcast_in_dim3A_358] : memref<64x640xf32, #tpu.memory_space<vmem>>[vector<16xi32>, vector<16xi32>], vector<16xf32>,
        %gather3A_362 = tpu.vector_load_idx %arg18[%iota3A_361, %broadcast_in_dim3A_359] : memref<64x1024xf32, #tpu.memory_space<vmem>>[vector<16xi32>, vector<16xi32>], vector<16xf32>,
        %add3A_363 = arith.constant 0 : i32
        %add3A_364 = vector.broadcast %add3A_363 : i32 to vector<16xi32>
        %add3A_365 = arith.addi %add3A_364, %iota3A : vector<16xi32>
        %add3A_366 = arith.addf %gather3A, %gather3A_362 : vector<16xf32>
        tpu.vector_store_idx %arg19[%broadcast_in_dim3A_360, %add3A_365], %add3A_366 : memref<32x128xf32, #tpu.memory_space<vmem>>[vector<16xi32>, vector<16xi32>], vector<16xf32>,
        %iota3A_367 = tpu.iota {dimensions = array<i32: 0>} : vector<16xi32>
        %add3A_368 = arith.constant 16 : i32
        %add3A_369 = vector.broadcast %add3A_368 : i32 to vector<16xi32>
        %add3A_370 = arith.addi %add3A_369, %iota3A_367 : vector<16xi32>
        %gather3A_371 = tpu.vector_load_idx %arg17[%add3A_370, %broadcast_in_dim3A_358] : memref<64x640xf32, #tpu.memory_space<vmem>>[vector<16xi32>, vector<16xi32>], vector<16xf32>,
        %gather3A_372 = tpu.vector_load_idx %arg18[%add3A_370, %broadcast_in_dim3A_359] : memref<64x1024xf32, #tpu.memory_space<vmem>>[vector<16xi32>, vector<16xi32>], vector<16xf32>,
        %add3A_373 = arith.constant 16 : i32
        %add3A_374 = vector.broadcast %add3A_373 : i32 to vector<16xi32>
        %add3A_375 = arith.addi %add3A_374, %iota3A : vector<16xi32>
        %add3A_376 = arith.addf %gather3A_371, %gather3A_372 : vector<16xf32>
        tpu.vector_store_idx %arg19[%broadcast_in_dim3A_360, %add3A_375], %add3A_376 : memref<32x128xf32, #tpu.memory_space<vmem>>[vector<16xi32>, vector<16xi32>], vector<16xf32>,
        %iota3A_377 = tpu.iota {dimensions = array<i32: 0>} : vector<16xi32>
        %add3A_378 = arith.constant 32 : i32
        %add3A_379 = vector.broadcast %add3A_378 : i32 to vector<16xi32>
        %add3A_380 = arith.addi %add3A_379, %iota3A_377 : vector<16xi32>
        %gather3A_381 = tpu.vector_load_idx %arg17[%add3A_380, %broadcast_in_dim3A_358] : memref<64x640xf32, #tpu.memory_space<vmem>>[vector<16xi32>, vector<16xi32>], vector<16xf32>,
        %gather3A_382 = tpu.vector_load_idx %arg18[%add3A_380, %broadcast_in_dim3A_359] : memref<64x1024xf32, #tpu.memory_space<vmem>>[vector<16xi32>, vector<16xi32>], vector<16xf32>,
        %add3A_383 = arith.constant 32 : i32
        %add3A_384 = vector.broadcast %add3A_383 : i32 to vector<16xi32>
        %add3A_385 = arith.addi %add3A_384, %iota3A : vector<16xi32>
        %add3A_386 = arith.addf %gather3A_381, %gather3A_382 : vector<16xf32>
        tpu.vector_store_idx %arg19[%broadcast_in_dim3A_360, %add3A_385], %add3A_386 : memref<32x128xf32, #tpu.memory_space<vmem>>[vector<16xi32>, vector<16xi32>], vector<16xf32>,
        %iota3A_387 = tpu.iota {dimensions = array<i32: 0>} : vector<16xi32>
        %add3A_388 = arith.constant 48 : i32
        %add3A_389 = vector.broadcast %add3A_388 : i32 to vector<16xi32>
        %add3A_390 = arith.addi %add3A_389, %iota3A_387 : vector<16xi32>
        %gather3A_391 = tpu.vector_load_idx %arg17[%add3A_390, %broadcast_in_dim3A_358] : memref<64x640xf32, #tpu.memory_space<vmem>>[vector<16xi32>, vector<16xi32>], vector<16xf32>,
        %gather3A_392 = tpu.vector_load_idx %arg18[%add3A_390, %broadcast_in_dim3A_359] : memref<64x1024xf32, #tpu.memory_space<vmem>>[vector<16xi32>, vector<16xi32>], vector<16xf32>,
        %add3A_393 = arith.constant 48 : i32
        %add3A_394 = vector.broadcast %add3A_393 : i32 to vector<16xi32>
        %add3A_395 = arith.addi %add3A_394, %iota3A : vector<16xi32>
        %add3A_396 = arith.addf %gather3A_391, %gather3A_392 : vector<16xf32>
        tpu.vector_store_idx %arg19[%broadcast_in_dim3A_360, %add3A_395], %add3A_396 : memref<32x128xf32, #tpu.memory_space<vmem>>[vector<16xi32>, vector<16xi32>], vector<16xf32>,
        %broadcast_in_dim3A_397 = vector.broadcast %and3A_354 : i32 to vector<16xi32>
        %broadcast_in_dim3A_398 = vector.broadcast %and3A_352 : i32 to vector<16xi32>
        %broadcast_in_dim3A_399 = vector.broadcast %and3A_350 : i32 to vector<16xi32>
        tpu.vector_store_idx %arg20[%broadcast_in_dim3A_397, %broadcast_in_dim3A_398], %broadcast_in_dim3A_399 masked %eq3A_15 : memref<2x16xi32, #tpu.memory_space<vmem>>[vector<16xi32>, vector<16xi32>], vector<16xi32>, vector<16xi1>
        %eq3A_400 = arith.constant 15 : i32
        %eq3A_401 = arith.cmpi eq, %and3A_352, %eq3A_400 : i32
        %convert_element_type3A_402 = arith.extui %eq3A_401 : i1 to i32
        %cond3A_403 = arith.constant 0 : i32
        %cond3A_404 = arith.cmpi ne, %convert_element_type3A_402, %cond3A_403 : i32
        scf.if %cond3A_404 {
          %gt3A_413 = arith.constant 0 : i32
          %gt3A_414 = arith.cmpi sgt, %while3A_337, %gt3A_413 : i32
          %convert_element_type3A_415 = arith.extui %gt3A_414 : i1 to i32
          %cond3A_416 = arith.constant 0 : i32
          %cond3A_417 = arith.cmpi ne, %convert_element_type3A_415, %cond3A_416 : i32
          scf.if %cond3A_417 {
            %dma_wait3A = arith.constant 0 : i32
            %dma_wait3A_427 = arith.constant 0 : i32
            %dma_wait3A_428 = tpu.memref_slice %arg19[%dma_wait3A, %dma_wait3A_427] : memref<32x128xf32, #tpu.memory_space<vmem>> -> memref<16x128xf32, #tpu.memory_space<vmem>>
            %dma_wait3A_429 = arith.constant 0 : i32
            %dma_wait3A_430 = arith.constant 0 : i32
            %dma_wait3A_431 = tpu.memref_slice %arg7[%dma_wait3A_429, %dma_wait3A_430] : memref<16384x128xf32, #tpu.memory_space<hbm>> -> memref<16x128xf32, #tpu.memory_space<hbm>>
            %dma_wait3A_432 = arith.constant 0 : i32
            %dma_wait3A_433 = arith.constant 0 : i32
            %dma_wait3A_434 = tpu.memref_slice %arg7[%dma_wait3A_432, %dma_wait3A_433] : memref<16384x128xf32, #tpu.memory_space<hbm>> -> memref<16x128xf32, #tpu.memory_space<hbm>>
            %dma_wait3A_435 = arith.constant 0 : i32
            %dma_wait3A_436 = arith.constant 0 : i32
            %dma_wait3A_437 = tpu.memref_slice %arg19[%dma_wait3A_435, %dma_wait3A_436] : memref<32x128xf32, #tpu.memory_space<vmem>> -> memref<16x128xf32, #tpu.memory_space<vmem>>
            tpu.wait_dma2 semaphore(%arg22 : memref<!tpu.dma_semaphore, #tpu.memory_space<semaphore_mem>>) src(%dma_wait3A_437 : memref<16x128xf32, #tpu.memory_space<vmem>>) dst(%dma_wait3A_434 : memref<16x128xf32, #tpu.memory_space<hbm>>)
          } else {
          }
          %mul3A_418 = arith.constant 16 : i32
          %mul3A_419 = arith.muli %and3A_354, %mul3A_418 : i32
          %dma_start3A = arith.constant 0 : i32
          %dma_start3A_420 = tpu.memref_slice %arg19[%mul3A_419, %dma_start3A] : memref<32x128xf32, #tpu.memory_space<vmem>> -> memref<16x128xf32, #tpu.memory_space<vmem>>
          %dma_start3A_421 = arith.constant 0 : i32
          %dma_start3A_422 = tpu.memref_slice %arg20[%and3A_354, %dma_start3A_421] : memref<2x16xi32, #tpu.memory_space<vmem>> -> memref<1x16xi32, #tpu.memory_space<vmem>>
          %dma_start3A_423 = tpu.memref_squeeze %dma_start3A_422 : memref<1x16xi32, #tpu.memory_space<vmem>> -> memref<16xi32, #tpu.memory_space<vmem>>
          %dma_start3A_424 = arith.constant 0 : i32
          %dma_start3A_425 = arith.constant 0 : i32
          %dma_start3A_426 = tpu.memref_slice %arg7[%dma_start3A_424, %dma_start3A_425] : memref<16384x128xf32, #tpu.memory_space<hbm>> -> memref<16384x128xf32, #tpu.memory_space<hbm>>
          tpu.enqueue_indirect_dma source(%dma_start3A_420 : memref<16x128xf32, #tpu.memory_space<vmem>>) target(%dma_start3A_426 : memref<16384x128xf32, #tpu.memory_space<hbm>>) offsets(%dma_start3A_423 : memref<16xi32, #tpu.memory_space<vmem>>) semaphore(%arg22 : memref<!tpu.dma_semaphore, #tpu.memory_space<semaphore_mem>>)
        } else {
        }
        %add3A_405 = arith.constant 1 : i32
        %add3A_406 = arith.addi %while3A_336, %add3A_405 : i32
        %eq3A_407 = arith.constant 15 : i32
        %eq3A_408 = arith.cmpi eq, %and3A_352, %eq3A_407 : i32
        %jit3A_409 = arith.constant 1 : i32
        %jit3A_410 = arith.constant 0 : i32
        %select_n3A_411 = arith.select %eq3A_408, %jit3A_409, %jit3A_410 : i32
        %add3A_412 = arith.addi %while3A_337, %select_n3A_411 : i32
        scf.yield %add3A_406, %add3A_412, %and3A_350 : i32, i32, i32
      }
      %while3A_333 = arith.constant 1 : i32
      %while3A_334:3 = scf.for %while3A_335 = %while3A_330 to %while3A_326 step %while3A_333 iter_args(%while3A_336 = %while3A_332#0, %while3A_337 = %while3A_332#1, %while3A_338 = %while3A_332#2) -> (i32, i32, i32)  : i32 {
        %get3A_339 = arith.index_cast %while3A_335 : i32 to index
        %get3A_340 = tpu.vector_load %arg12[%get3A_339] {strides = array<i32>} : memref<1040xi32, #tpu.memory_space<vmem>>, vector<16xi32>,
        %slice3A_341 = vector.extract_strided_slice %get3A_340 {offsets = [0], sizes = [1], strides = [1]} : vector<16xi32> to vector<1xi32>
        %squeeze3A_342 = vector.extract %slice3A_341[0] : i32 from vector<1xi32>
        %get3A_343 = arith.index_cast %while3A_335 : i32 to index
        %get3A_344 = tpu.vector_load %arg13[%get3A_343] {strides = array<i32>} : memref<1040xi32, #tpu.memory_space<vmem>>, vector<16xi32>,
        %slice3A_345 = vector.extract_strided_slice %get3A_344 {offsets = [0], sizes = [1], strides = [1]} : vector<16xi32> to vector<1xi32>
        %squeeze3A_346 = vector.extract %slice3A_345[0] : i32 from vector<1xi32>
        %shift_right_logical3A = arith.constant 14 : i32
        %shift_right_logical3A_347 = arith.shrui %squeeze3A_342, %shift_right_logical3A : i32
        %add3A_348 = arith.addi %sub3A_324, %shift_right_logical3A_347 : i32
        %and3A_349 = arith.constant 16383 : i32
        %and3A_350 = arith.andi %squeeze3A_342, %and3A_349 : i32
        %and3A_351 = arith.constant 15 : i32
        %and3A_352 = arith.andi %while3A_336, %and3A_351 : i32
        %and3A_353 = arith.constant 1 : i32
        %and3A_354 = arith.andi %while3A_337, %and3A_353 : i32
        %mul3A_355 = arith.constant 16 : i32
        %mul3A_356 = arith.muli %and3A_354, %mul3A_355 : i32
        %add3A_357 = arith.addi %mul3A_356, %and3A_352 : i32
        %broadcast_in_dim3A_358 = vector.broadcast %add3A_348 : i32 to vector<16xi32>
        %broadcast_in_dim3A_359 = vector.broadcast %squeeze3A_346 : i32 to vector<16xi32>
        %broadcast_in_dim3A_360 = vector.broadcast %add3A_357 : i32 to vector<16xi32>
        %iota3A_361 = tpu.iota {dimensions = array<i32: 0>} : vector<16xi32>
        %gather3A = tpu.vector_load_idx %arg17[%iota3A_361, %broadcast_in_dim3A_358] : memref<64x640xf32, #tpu.memory_space<vmem>>[vector<16xi32>, vector<16xi32>], vector<16xf32>,
        %gather3A_362 = tpu.vector_load_idx %arg18[%iota3A_361, %broadcast_in_dim3A_359] : memref<64x1024xf32, #tpu.memory_space<vmem>>[vector<16xi32>, vector<16xi32>], vector<16xf32>,
        %add3A_363 = arith.constant 0 : i32
        %add3A_364 = vector.broadcast %add3A_363 : i32 to vector<16xi32>
        %add3A_365 = arith.addi %add3A_364, %iota3A : vector<16xi32>
        %add3A_366 = arith.addf %gather3A, %gather3A_362 : vector<16xf32>
        tpu.vector_store_idx %arg19[%broadcast_in_dim3A_360, %add3A_365], %add3A_366 : memref<32x128xf32, #tpu.memory_space<vmem>>[vector<16xi32>, vector<16xi32>], vector<16xf32>,
        %iota3A_367 = tpu.iota {dimensions = array<i32: 0>} : vector<16xi32>
        %add3A_368 = arith.constant 16 : i32
        %add3A_369 = vector.broadcast %add3A_368 : i32 to vector<16xi32>
        %add3A_370 = arith.addi %add3A_369, %iota3A_367 : vector<16xi32>
        %gather3A_371 = tpu.vector_load_idx %arg17[%add3A_370, %broadcast_in_dim3A_358] : memref<64x640xf32, #tpu.memory_space<vmem>>[vector<16xi32>, vector<16xi32>], vector<16xf32>,
        %gather3A_372 = tpu.vector_load_idx %arg18[%add3A_370, %broadcast_in_dim3A_359] : memref<64x1024xf32, #tpu.memory_space<vmem>>[vector<16xi32>, vector<16xi32>], vector<16xf32>,
        %add3A_373 = arith.constant 16 : i32
        %add3A_374 = vector.broadcast %add3A_373 : i32 to vector<16xi32>
        %add3A_375 = arith.addi %add3A_374, %iota3A : vector<16xi32>
        %add3A_376 = arith.addf %gather3A_371, %gather3A_372 : vector<16xf32>
        tpu.vector_store_idx %arg19[%broadcast_in_dim3A_360, %add3A_375], %add3A_376 : memref<32x128xf32, #tpu.memory_space<vmem>>[vector<16xi32>, vector<16xi32>], vector<16xf32>,
        %iota3A_377 = tpu.iota {dimensions = array<i32: 0>} : vector<16xi32>
        %add3A_378 = arith.constant 32 : i32
        %add3A_379 = vector.broadcast %add3A_378 : i32 to vector<16xi32>
        %add3A_380 = arith.addi %add3A_379, %iota3A_377 : vector<16xi32>
        %gather3A_381 = tpu.vector_load_idx %arg17[%add3A_380, %broadcast_in_dim3A_358] : memref<64x640xf32, #tpu.memory_space<vmem>>[vector<16xi32>, vector<16xi32>], vector<16xf32>,
        %gather3A_382 = tpu.vector_load_idx %arg18[%add3A_380, %broadcast_in_dim3A_359] : memref<64x1024xf32, #tpu.memory_space<vmem>>[vector<16xi32>, vector<16xi32>], vector<16xf32>,
        %add3A_383 = arith.constant 32 : i32
        %add3A_384 = vector.broadcast %add3A_383 : i32 to vector<16xi32>
        %add3A_385 = arith.addi %add3A_384, %iota3A : vector<16xi32>
        %add3A_386 = arith.addf %gather3A_381, %gather3A_382 : vector<16xf32>
        tpu.vector_store_idx %arg19[%broadcast_in_dim3A_360, %add3A_385], %add3A_386 : memref<32x128xf32, #tpu.memory_space<vmem>>[vector<16xi32>, vector<16xi32>], vector<16xf32>,
        %iota3A_387 = tpu.iota {dimensions = array<i32: 0>} : vector<16xi32>
        %add3A_388 = arith.constant 48 : i32
        %add3A_389 = vector.broadcast %add3A_388 : i32 to vector<16xi32>
        %add3A_390 = arith.addi %add3A_389, %iota3A_387 : vector<16xi32>
        %gather3A_391 = tpu.vector_load_idx %arg17[%add3A_390, %broadcast_in_dim3A_358] : memref<64x640xf32, #tpu.memory_space<vmem>>[vector<16xi32>, vector<16xi32>], vector<16xf32>,
        %gather3A_392 = tpu.vector_load_idx %arg18[%add3A_390, %broadcast_in_dim3A_359] : memref<64x1024xf32, #tpu.memory_space<vmem>>[vector<16xi32>, vector<16xi32>], vector<16xf32>,
        %add3A_393 = arith.constant 48 : i32
        %add3A_394 = vector.broadcast %add3A_393 : i32 to vector<16xi32>
        %add3A_395 = arith.addi %add3A_394, %iota3A : vector<16xi32>
        %add3A_396 = arith.addf %gather3A_391, %gather3A_392 : vector<16xf32>
        tpu.vector_store_idx %arg19[%broadcast_in_dim3A_360, %add3A_395], %add3A_396 : memref<32x128xf32, #tpu.memory_space<vmem>>[vector<16xi32>, vector<16xi32>], vector<16xf32>,
        %broadcast_in_dim3A_397 = vector.broadcast %and3A_354 : i32 to vector<16xi32>
        %broadcast_in_dim3A_398 = vector.broadcast %and3A_352 : i32 to vector<16xi32>
        %broadcast_in_dim3A_399 = vector.broadcast %and3A_350 : i32 to vector<16xi32>
        tpu.vector_store_idx %arg20[%broadcast_in_dim3A_397, %broadcast_in_dim3A_398], %broadcast_in_dim3A_399 masked %eq3A_15 : memref<2x16xi32, #tpu.memory_space<vmem>>[vector<16xi32>, vector<16xi32>], vector<16xi32>, vector<16xi1>
        %eq3A_400 = arith.constant 15 : i32
        %eq3A_401 = arith.cmpi eq, %and3A_352, %eq3A_400 : i32
        %convert_element_type3A_402 = arith.extui %eq3A_401 : i1 to i32
        %cond3A_403 = arith.constant 0 : i32
        %cond3A_404 = arith.cmpi ne, %convert_element_type3A_402, %cond3A_403 : i32
        scf.if %cond3A_404 {
          %gt3A_413 = arith.constant 0 : i32
          %gt3A_414 = arith.cmpi sgt, %while3A_337, %gt3A_413 : i32
          %convert_element_type3A_415 = arith.extui %gt3A_414 : i1 to i32
          %cond3A_416 = arith.constant 0 : i32
          %cond3A_417 = arith.cmpi ne, %convert_element_type3A_415, %cond3A_416 : i32
          scf.if %cond3A_417 {
            %dma_wait3A = arith.constant 0 : i32
            %dma_wait3A_427 = arith.constant 0 : i32
            %dma_wait3A_428 = tpu.memref_slice %arg19[%dma_wait3A, %dma_wait3A_427] : memref<32x128xf32, #tpu.memory_space<vmem>> -> memref<16x128xf32, #tpu.memory_space<vmem>>
            %dma_wait3A_429 = arith.constant 0 : i32
            %dma_wait3A_430 = arith.constant 0 : i32
            %dma_wait3A_431 = tpu.memref_slice %arg7[%dma_wait3A_429, %dma_wait3A_430] : memref<16384x128xf32, #tpu.memory_space<hbm>> -> memref<16x128xf32, #tpu.memory_space<hbm>>
            %dma_wait3A_432 = arith.constant 0 : i32
            %dma_wait3A_433 = arith.constant 0 : i32
            %dma_wait3A_434 = tpu.memref_slice %arg7[%dma_wait3A_432, %dma_wait3A_433] : memref<16384x128xf32, #tpu.memory_space<hbm>> -> memref<16x128xf32, #tpu.memory_space<hbm>>
            %dma_wait3A_435 = arith.constant 0 : i32
            %dma_wait3A_436 = arith.constant 0 : i32
            %dma_wait3A_437 = tpu.memref_slice %arg19[%dma_wait3A_435, %dma_wait3A_436] : memref<32x128xf32, #tpu.memory_space<vmem>> -> memref<16x128xf32, #tpu.memory_space<vmem>>
            tpu.wait_dma2 semaphore(%arg22 : memref<!tpu.dma_semaphore, #tpu.memory_space<semaphore_mem>>) src(%dma_wait3A_437 : memref<16x128xf32, #tpu.memory_space<vmem>>) dst(%dma_wait3A_434 : memref<16x128xf32, #tpu.memory_space<hbm>>)
          } else {
          }
          %mul3A_418 = arith.constant 16 : i32
          %mul3A_419 = arith.muli %and3A_354, %mul3A_418 : i32
          %dma_start3A = arith.constant 0 : i32
          %dma_start3A_420 = tpu.memref_slice %arg19[%mul3A_419, %dma_start3A] : memref<32x128xf32, #tpu.memory_space<vmem>> -> memref<16x128xf32, #tpu.memory_space<vmem>>
          %dma_start3A_421 = arith.constant 0 : i32
          %dma_start3A_422 = tpu.memref_slice %arg20[%and3A_354, %dma_start3A_421] : memref<2x16xi32, #tpu.memory_space<vmem>> -> memref<1x16xi32, #tpu.memory_space<vmem>>
          %dma_start3A_423 = tpu.memref_squeeze %dma_start3A_422 : memref<1x16xi32, #tpu.memory_space<vmem>> -> memref<16xi32, #tpu.memory_space<vmem>>
          %dma_start3A_424 = arith.constant 0 : i32
          %dma_start3A_425 = arith.constant 0 : i32
          %dma_start3A_426 = tpu.memref_slice %arg7[%dma_start3A_424, %dma_start3A_425] : memref<16384x128xf32, #tpu.memory_space<hbm>> -> memref<16384x128xf32, #tpu.memory_space<hbm>>
          tpu.enqueue_indirect_dma source(%dma_start3A_420 : memref<16x128xf32, #tpu.memory_space<vmem>>) target(%dma_start3A_426 : memref<16384x128xf32, #tpu.memory_space<hbm>>) offsets(%dma_start3A_423 : memref<16xi32, #tpu.memory_space<vmem>>) semaphore(%arg22 : memref<!tpu.dma_semaphore, #tpu.memory_space<semaphore_mem>>)
        } else {
        }
        %add3A_405 = arith.constant 1 : i32
        %add3A_406 = arith.addi %while3A_336, %add3A_405 : i32
        %eq3A_407 = arith.constant 15 : i32
        %eq3A_408 = arith.cmpi eq, %and3A_352, %eq3A_407 : i32
        %jit3A_409 = arith.constant 1 : i32
        %jit3A_410 = arith.constant 0 : i32
        %select_n3A_411 = arith.select %eq3A_408, %jit3A_409, %jit3A_410 : i32
        %add3A_412 = arith.addi %while3A_337, %select_n3A_411 : i32
        scf.yield %add3A_406, %add3A_412, %and3A_350 : i32, i32, i32
      }
      scf.yield %while3A_334#0, %while3A_334#1, %while3A_334#2 : i32, i32, i32
    }
    %eq3A_263 = arith.constant 31 : i32
    %eq3A_264 = arith.cmpi eq, %add3A, %eq3A_263 : i32
    %convert_element_type3A_265 = arith.extui %eq3A_264 : i1 to i32
    %cond3A_266 = arith.constant 0 : i32
    %cond3A_267 = arith.cmpi ne, %convert_element_type3A_265, %cond3A_266 : i32
    scf.if %cond3A_267 {
      %get3A_272 = arith.index_cast %sub3A_234 : i32 to index
      %get3A_273 = tpu.vector_load %arg15[%get3A_272] {strides = array<i32>} : memref<144xi32, #tpu.memory_space<vmem>>, vector<16xi32>,
      %slice3A_274 = vector.extract_strided_slice %get3A_273 {offsets = [0], sizes = [1], strides = [1]} : vector<16xi32> to vector<1xi32>
      %squeeze3A_275 = vector.extract %slice3A_274[0] : i32 from vector<1xi32>
      %mul3A_276 = arith.constant 256 : i32
      %mul3A_277 = arith.muli %sub3A_234, %mul3A_276 : i32
      %sub3A_278 = arith.constant 512 : i32
      %sub3A_279 = arith.subi %sub3A_278, %mul3A_277 : i32
      %while3A_280 = arith.subi %scan3A_62, %squeeze3A_275 : i32
      %while3A_281 = arith.addi %squeeze3A_275, %while3A_280 : i32
      %while3A_282 = arith.constant 1 : i32
      %while3A_283 = arith.divsi %while3A_280, %while3A_282 : i32
      %while3A_284 = arith.muli %while3A_283, %while3A_282 : i32
      %while3A_285 = arith.addi %squeeze3A_275, %while3A_284 : i32
      %while3A_286 = arith.constant 1 : i32
      %while3A_287:3 = scf.for %while3A_304 = %squeeze3A_275 to %while3A_285 step %while3A_286 iter_args(%while3A_305 = %while3A_262#0, %while3A_306 = %while3A_262#1, %while3A_307 = %while3A_262#2) -> (i32, i32, i32)  : i32 {
        %get3A_308 = arith.index_cast %while3A_304 : i32 to index
        %get3A_309 = tpu.vector_load %arg12[%get3A_308] {strides = array<i32>} : memref<1040xi32, #tpu.memory_space<vmem>>, vector<16xi32>,
        %slice3A_310 = vector.extract_strided_slice %get3A_309 {offsets = [0], sizes = [1], strides = [1]} : vector<16xi32> to vector<1xi32>
        %squeeze3A_311 = vector.extract %slice3A_310[0] : i32 from vector<1xi32>
        %get3A_312 = arith.index_cast %while3A_304 : i32 to index
        %get3A_313 = tpu.vector_load %arg13[%get3A_312] {strides = array<i32>} : memref<1040xi32, #tpu.memory_space<vmem>>, vector<16xi32>,
        %slice3A_314 = vector.extract_strided_slice %get3A_313 {offsets = [0], sizes = [1], strides = [1]} : vector<16xi32> to vector<1xi32>
        %squeeze3A_315 = vector.extract %slice3A_314[0] : i32 from vector<1xi32>
        %shift_right_logical3A = arith.constant 14 : i32
        %shift_right_logical3A_316 = arith.shrui %squeeze3A_311, %shift_right_logical3A : i32
        %add3A_317 = arith.addi %sub3A_279, %shift_right_logical3A_316 : i32
        %and3A_318 = arith.constant 16383 : i32
        %and3A_319 = arith.andi %squeeze3A_311, %and3A_318 : i32
        %and3A_320 = arith.constant 15 : i32
        %and3A_321 = arith.andi %while3A_305, %and3A_320 : i32
        %and3A_322 = arith.constant 1 : i32
        %and3A_323 = arith.andi %while3A_306, %and3A_322 : i32
        %mul3A_324 = arith.constant 16 : i32
        %mul3A_325 = arith.muli %and3A_323, %mul3A_324 : i32
        %add3A_326 = arith.addi %mul3A_325, %and3A_321 : i32
        %broadcast_in_dim3A_327 = vector.broadcast %add3A_317 : i32 to vector<16xi32>
        %broadcast_in_dim3A_328 = vector.broadcast %squeeze3A_315 : i32 to vector<16xi32>
        %broadcast_in_dim3A_329 = vector.broadcast %add3A_326 : i32 to vector<16xi32>
        %iota3A_330 = tpu.iota {dimensions = array<i32: 0>} : vector<16xi32>
        %gather3A = tpu.vector_load_idx %arg17[%iota3A_330, %broadcast_in_dim3A_327] : memref<64x640xf32, #tpu.memory_space<vmem>>[vector<16xi32>, vector<16xi32>], vector<16xf32>,
        %gather3A_331 = tpu.vector_load_idx %arg18[%iota3A_330, %broadcast_in_dim3A_328] : memref<64x1024xf32, #tpu.memory_space<vmem>>[vector<16xi32>, vector<16xi32>], vector<16xf32>,
        %add3A_332 = arith.constant 0 : i32
        %add3A_333 = vector.broadcast %add3A_332 : i32 to vector<16xi32>
        %add3A_334 = arith.addi %add3A_333, %iota3A : vector<16xi32>
        %add3A_335 = arith.addf %gather3A, %gather3A_331 : vector<16xf32>
        tpu.vector_store_idx %arg19[%broadcast_in_dim3A_329, %add3A_334], %add3A_335 : memref<32x128xf32, #tpu.memory_space<vmem>>[vector<16xi32>, vector<16xi32>], vector<16xf32>,
        %iota3A_336 = tpu.iota {dimensions = array<i32: 0>} : vector<16xi32>
        %add3A_337 = arith.constant 16 : i32
        %add3A_338 = vector.broadcast %add3A_337 : i32 to vector<16xi32>
        %add3A_339 = arith.addi %add3A_338, %iota3A_336 : vector<16xi32>
        %gather3A_340 = tpu.vector_load_idx %arg17[%add3A_339, %broadcast_in_dim3A_327] : memref<64x640xf32, #tpu.memory_space<vmem>>[vector<16xi32>, vector<16xi32>], vector<16xf32>,
        %gather3A_341 = tpu.vector_load_idx %arg18[%add3A_339, %broadcast_in_dim3A_328] : memref<64x1024xf32, #tpu.memory_space<vmem>>[vector<16xi32>, vector<16xi32>], vector<16xf32>,
        %add3A_342 = arith.constant 16 : i32
        %add3A_343 = vector.broadcast %add3A_342 : i32 to vector<16xi32>
        %add3A_344 = arith.addi %add3A_343, %iota3A : vector<16xi32>
        %add3A_345 = arith.addf %gather3A_340, %gather3A_341 : vector<16xf32>
        tpu.vector_store_idx %arg19[%broadcast_in_dim3A_329, %add3A_344], %add3A_345 : memref<32x128xf32, #tpu.memory_space<vmem>>[vector<16xi32>, vector<16xi32>], vector<16xf32>,
        %iota3A_346 = tpu.iota {dimensions = array<i32: 0>} : vector<16xi32>
        %add3A_347 = arith.constant 32 : i32
        %add3A_348 = vector.broadcast %add3A_347 : i32 to vector<16xi32>
        %add3A_349 = arith.addi %add3A_348, %iota3A_346 : vector<16xi32>
        %gather3A_350 = tpu.vector_load_idx %arg17[%add3A_349, %broadcast_in_dim3A_327] : memref<64x640xf32, #tpu.memory_space<vmem>>[vector<16xi32>, vector<16xi32>], vector<16xf32>,
        %gather3A_351 = tpu.vector_load_idx %arg18[%add3A_349, %broadcast_in_dim3A_328] : memref<64x1024xf32, #tpu.memory_space<vmem>>[vector<16xi32>, vector<16xi32>], vector<16xf32>,
        %add3A_352 = arith.constant 32 : i32
        %add3A_353 = vector.broadcast %add3A_352 : i32 to vector<16xi32>
        %add3A_354 = arith.addi %add3A_353, %iota3A : vector<16xi32>
        %add3A_355 = arith.addf %gather3A_350, %gather3A_351 : vector<16xf32>
        tpu.vector_store_idx %arg19[%broadcast_in_dim3A_329, %add3A_354], %add3A_355 : memref<32x128xf32, #tpu.memory_space<vmem>>[vector<16xi32>, vector<16xi32>], vector<16xf32>,
        %iota3A_356 = tpu.iota {dimensions = array<i32: 0>} : vector<16xi32>
        %add3A_357 = arith.constant 48 : i32
        %add3A_358 = vector.broadcast %add3A_357 : i32 to vector<16xi32>
        %add3A_359 = arith.addi %add3A_358, %iota3A_356 : vector<16xi32>
        %gather3A_360 = tpu.vector_load_idx %arg17[%add3A_359, %broadcast_in_dim3A_327] : memref<64x640xf32, #tpu.memory_space<vmem>>[vector<16xi32>, vector<16xi32>], vector<16xf32>,
        %gather3A_361 = tpu.vector_load_idx %arg18[%add3A_359, %broadcast_in_dim3A_328] : memref<64x1024xf32, #tpu.memory_space<vmem>>[vector<16xi32>, vector<16xi32>], vector<16xf32>,
        %add3A_362 = arith.constant 48 : i32
        %add3A_363 = vector.broadcast %add3A_362 : i32 to vector<16xi32>
        %add3A_364 = arith.addi %add3A_363, %iota3A : vector<16xi32>
        %add3A_365 = arith.addf %gather3A_360, %gather3A_361 : vector<16xf32>
        tpu.vector_store_idx %arg19[%broadcast_in_dim3A_329, %add3A_364], %add3A_365 : memref<32x128xf32, #tpu.memory_space<vmem>>[vector<16xi32>, vector<16xi32>], vector<16xf32>,
        %broadcast_in_dim3A_366 = vector.broadcast %and3A_323 : i32 to vector<16xi32>
        %broadcast_in_dim3A_367 = vector.broadcast %and3A_321 : i32 to vector<16xi32>
        %broadcast_in_dim3A_368 = vector.broadcast %and3A_319 : i32 to vector<16xi32>
        tpu.vector_store_idx %arg20[%broadcast_in_dim3A_366, %broadcast_in_dim3A_367], %broadcast_in_dim3A_368 masked %eq3A_15 : memref<2x16xi32, #tpu.memory_space<vmem>>[vector<16xi32>, vector<16xi32>], vector<16xi32>, vector<16xi1>
        %eq3A_369 = arith.constant 15 : i32
        %eq3A_370 = arith.cmpi eq, %and3A_321, %eq3A_369 : i32
        %convert_element_type3A_371 = arith.extui %eq3A_370 : i1 to i32
        %cond3A_372 = arith.constant 0 : i32
        %cond3A_373 = arith.cmpi ne, %convert_element_type3A_371, %cond3A_372 : i32
        scf.if %cond3A_373 {
          %gt3A_382 = arith.constant 0 : i32
          %gt3A_383 = arith.cmpi sgt, %while3A_306, %gt3A_382 : i32
          %convert_element_type3A_384 = arith.extui %gt3A_383 : i1 to i32
          %cond3A_385 = arith.constant 0 : i32
          %cond3A_386 = arith.cmpi ne, %convert_element_type3A_384, %cond3A_385 : i32
          scf.if %cond3A_386 {
            %dma_wait3A = arith.constant 0 : i32
            %dma_wait3A_396 = arith.constant 0 : i32
            %dma_wait3A_397 = tpu.memref_slice %arg19[%dma_wait3A, %dma_wait3A_396] : memref<32x128xf32, #tpu.memory_space<vmem>> -> memref<16x128xf32, #tpu.memory_space<vmem>>
            %dma_wait3A_398 = arith.constant 0 : i32
            %dma_wait3A_399 = arith.constant 0 : i32
            %dma_wait3A_400 = tpu.memref_slice %arg7[%dma_wait3A_398, %dma_wait3A_399] : memref<16384x128xf32, #tpu.memory_space<hbm>> -> memref<16x128xf32, #tpu.memory_space<hbm>>
            %dma_wait3A_401 = arith.constant 0 : i32
            %dma_wait3A_402 = arith.constant 0 : i32
            %dma_wait3A_403 = tpu.memref_slice %arg7[%dma_wait3A_401, %dma_wait3A_402] : memref<16384x128xf32, #tpu.memory_space<hbm>> -> memref<16x128xf32, #tpu.memory_space<hbm>>
            %dma_wait3A_404 = arith.constant 0 : i32
            %dma_wait3A_405 = arith.constant 0 : i32
            %dma_wait3A_406 = tpu.memref_slice %arg19[%dma_wait3A_404, %dma_wait3A_405] : memref<32x128xf32, #tpu.memory_space<vmem>> -> memref<16x128xf32, #tpu.memory_space<vmem>>
            tpu.wait_dma2 semaphore(%arg22 : memref<!tpu.dma_semaphore, #tpu.memory_space<semaphore_mem>>) src(%dma_wait3A_406 : memref<16x128xf32, #tpu.memory_space<vmem>>) dst(%dma_wait3A_403 : memref<16x128xf32, #tpu.memory_space<hbm>>)
          } else {
          }
          %mul3A_387 = arith.constant 16 : i32
          %mul3A_388 = arith.muli %and3A_323, %mul3A_387 : i32
          %dma_start3A = arith.constant 0 : i32
          %dma_start3A_389 = tpu.memref_slice %arg19[%mul3A_388, %dma_start3A] : memref<32x128xf32, #tpu.memory_space<vmem>> -> memref<16x128xf32, #tpu.memory_space<vmem>>
          %dma_start3A_390 = arith.constant 0 : i32
          %dma_start3A_391 = tpu.memref_slice %arg20[%and3A_323, %dma_start3A_390] : memref<2x16xi32, #tpu.memory_space<vmem>> -> memref<1x16xi32, #tpu.memory_space<vmem>>
          %dma_start3A_392 = tpu.memref_squeeze %dma_start3A_391 : memref<1x16xi32, #tpu.memory_space<vmem>> -> memref<16xi32, #tpu.memory_space<vmem>>
          %dma_start3A_393 = arith.constant 0 : i32
          %dma_start3A_394 = arith.constant 0 : i32
          %dma_start3A_395 = tpu.memref_slice %arg7[%dma_start3A_393, %dma_start3A_394] : memref<16384x128xf32, #tpu.memory_space<hbm>> -> memref<16384x128xf32, #tpu.memory_space<hbm>>
          tpu.enqueue_indirect_dma source(%dma_start3A_389 : memref<16x128xf32, #tpu.memory_space<vmem>>) target(%dma_start3A_395 : memref<16384x128xf32, #tpu.memory_space<hbm>>) offsets(%dma_start3A_392 : memref<16xi32, #tpu.memory_space<vmem>>) semaphore(%arg22 : memref<!tpu.dma_semaphore, #tpu.memory_space<semaphore_mem>>)
        } else {
        }
        %add3A_374 = arith.constant 1 : i32
        %add3A_375 = arith.addi %while3A_305, %add3A_374 : i32
        %eq3A_376 = arith.constant 15 : i32
        %eq3A_377 = arith.cmpi eq, %and3A_321, %eq3A_376 : i32
        %jit3A_378 = arith.constant 1 : i32
        %jit3A_379 = arith.constant 0 : i32
        %select_n3A_380 = arith.select %eq3A_377, %jit3A_378, %jit3A_379 : i32
        %add3A_381 = arith.addi %while3A_306, %select_n3A_380 : i32
        scf.yield %add3A_375, %add3A_381, %and3A_319 : i32, i32, i32
      }
      %while3A_288 = arith.constant 1 : i32
      %while3A_289:3 = scf.for %while3A_304 = %while3A_285 to %while3A_281 step %while3A_288 iter_args(%while3A_305 = %while3A_287#0, %while3A_306 = %while3A_287#1, %while3A_307 = %while3A_287#2) -> (i32, i32, i32)  : i32 {
        %get3A_308 = arith.index_cast %while3A_304 : i32 to index
        %get3A_309 = tpu.vector_load %arg12[%get3A_308] {strides = array<i32>} : memref<1040xi32, #tpu.memory_space<vmem>>, vector<16xi32>,
        %slice3A_310 = vector.extract_strided_slice %get3A_309 {offsets = [0], sizes = [1], strides = [1]} : vector<16xi32> to vector<1xi32>
        %squeeze3A_311 = vector.extract %slice3A_310[0] : i32 from vector<1xi32>
        %get3A_312 = arith.index_cast %while3A_304 : i32 to index
        %get3A_313 = tpu.vector_load %arg13[%get3A_312] {strides = array<i32>} : memref<1040xi32, #tpu.memory_space<vmem>>, vector<16xi32>,
        %slice3A_314 = vector.extract_strided_slice %get3A_313 {offsets = [0], sizes = [1], strides = [1]} : vector<16xi32> to vector<1xi32>
        %squeeze3A_315 = vector.extract %slice3A_314[0] : i32 from vector<1xi32>
        %shift_right_logical3A = arith.constant 14 : i32
        %shift_right_logical3A_316 = arith.shrui %squeeze3A_311, %shift_right_logical3A : i32
        %add3A_317 = arith.addi %sub3A_279, %shift_right_logical3A_316 : i32
        %and3A_318 = arith.constant 16383 : i32
        %and3A_319 = arith.andi %squeeze3A_311, %and3A_318 : i32
        %and3A_320 = arith.constant 15 : i32
        %and3A_321 = arith.andi %while3A_305, %and3A_320 : i32
        %and3A_322 = arith.constant 1 : i32
        %and3A_323 = arith.andi %while3A_306, %and3A_322 : i32
        %mul3A_324 = arith.constant 16 : i32
        %mul3A_325 = arith.muli %and3A_323, %mul3A_324 : i32
        %add3A_326 = arith.addi %mul3A_325, %and3A_321 : i32
        %broadcast_in_dim3A_327 = vector.broadcast %add3A_317 : i32 to vector<16xi32>
        %broadcast_in_dim3A_328 = vector.broadcast %squeeze3A_315 : i32 to vector<16xi32>
        %broadcast_in_dim3A_329 = vector.broadcast %add3A_326 : i32 to vector<16xi32>
        %iota3A_330 = tpu.iota {dimensions = array<i32: 0>} : vector<16xi32>
        %gather3A = tpu.vector_load_idx %arg17[%iota3A_330, %broadcast_in_dim3A_327] : memref<64x640xf32, #tpu.memory_space<vmem>>[vector<16xi32>, vector<16xi32>], vector<16xf32>,
        %gather3A_331 = tpu.vector_load_idx %arg18[%iota3A_330, %broadcast_in_dim3A_328] : memref<64x1024xf32, #tpu.memory_space<vmem>>[vector<16xi32>, vector<16xi32>], vector<16xf32>,
        %add3A_332 = arith.constant 0 : i32
        %add3A_333 = vector.broadcast %add3A_332 : i32 to vector<16xi32>
        %add3A_334 = arith.addi %add3A_333, %iota3A : vector<16xi32>
        %add3A_335 = arith.addf %gather3A, %gather3A_331 : vector<16xf32>
        tpu.vector_store_idx %arg19[%broadcast_in_dim3A_329, %add3A_334], %add3A_335 : memref<32x128xf32, #tpu.memory_space<vmem>>[vector<16xi32>, vector<16xi32>], vector<16xf32>,
        %iota3A_336 = tpu.iota {dimensions = array<i32: 0>} : vector<16xi32>
        %add3A_337 = arith.constant 16 : i32
        %add3A_338 = vector.broadcast %add3A_337 : i32 to vector<16xi32>
        %add3A_339 = arith.addi %add3A_338, %iota3A_336 : vector<16xi32>
        %gather3A_340 = tpu.vector_load_idx %arg17[%add3A_339, %broadcast_in_dim3A_327] : memref<64x640xf32, #tpu.memory_space<vmem>>[vector<16xi32>, vector<16xi32>], vector<16xf32>,
        %gather3A_341 = tpu.vector_load_idx %arg18[%add3A_339, %broadcast_in_dim3A_328] : memref<64x1024xf32, #tpu.memory_space<vmem>>[vector<16xi32>, vector<16xi32>], vector<16xf32>,
        %add3A_342 = arith.constant 16 : i32
        %add3A_343 = vector.broadcast %add3A_342 : i32 to vector<16xi32>
        %add3A_344 = arith.addi %add3A_343, %iota3A : vector<16xi32>
        %add3A_345 = arith.addf %gather3A_340, %gather3A_341 : vector<16xf32>
        tpu.vector_store_idx %arg19[%broadcast_in_dim3A_329, %add3A_344], %add3A_345 : memref<32x128xf32, #tpu.memory_space<vmem>>[vector<16xi32>, vector<16xi32>], vector<16xf32>,
        %iota3A_346 = tpu.iota {dimensions = array<i32: 0>} : vector<16xi32>
        %add3A_347 = arith.constant 32 : i32
        %add3A_348 = vector.broadcast %add3A_347 : i32 to vector<16xi32>
        %add3A_349 = arith.addi %add3A_348, %iota3A_346 : vector<16xi32>
        %gather3A_350 = tpu.vector_load_idx %arg17[%add3A_349, %broadcast_in_dim3A_327] : memref<64x640xf32, #tpu.memory_space<vmem>>[vector<16xi32>, vector<16xi32>], vector<16xf32>,
        %gather3A_351 = tpu.vector_load_idx %arg18[%add3A_349, %broadcast_in_dim3A_328] : memref<64x1024xf32, #tpu.memory_space<vmem>>[vector<16xi32>, vector<16xi32>], vector<16xf32>,
        %add3A_352 = arith.constant 32 : i32
        %add3A_353 = vector.broadcast %add3A_352 : i32 to vector<16xi32>
        %add3A_354 = arith.addi %add3A_353, %iota3A : vector<16xi32>
        %add3A_355 = arith.addf %gather3A_350, %gather3A_351 : vector<16xf32>
        tpu.vector_store_idx %arg19[%broadcast_in_dim3A_329, %add3A_354], %add3A_355 : memref<32x128xf32, #tpu.memory_space<vmem>>[vector<16xi32>, vector<16xi32>], vector<16xf32>,
        %iota3A_356 = tpu.iota {dimensions = array<i32: 0>} : vector<16xi32>
        %add3A_357 = arith.constant 48 : i32
        %add3A_358 = vector.broadcast %add3A_357 : i32 to vector<16xi32>
        %add3A_359 = arith.addi %add3A_358, %iota3A_356 : vector<16xi32>
        %gather3A_360 = tpu.vector_load_idx %arg17[%add3A_359, %broadcast_in_dim3A_327] : memref<64x640xf32, #tpu.memory_space<vmem>>[vector<16xi32>, vector<16xi32>], vector<16xf32>,
        %gather3A_361 = tpu.vector_load_idx %arg18[%add3A_359, %broadcast_in_dim3A_328] : memref<64x1024xf32, #tpu.memory_space<vmem>>[vector<16xi32>, vector<16xi32>], vector<16xf32>,
        %add3A_362 = arith.constant 48 : i32
        %add3A_363 = vector.broadcast %add3A_362 : i32 to vector<16xi32>
        %add3A_364 = arith.addi %add3A_363, %iota3A : vector<16xi32>
        %add3A_365 = arith.addf %gather3A_360, %gather3A_361 : vector<16xf32>
        tpu.vector_store_idx %arg19[%broadcast_in_dim3A_329, %add3A_364], %add3A_365 : memref<32x128xf32, #tpu.memory_space<vmem>>[vector<16xi32>, vector<16xi32>], vector<16xf32>,
        %broadcast_in_dim3A_366 = vector.broadcast %and3A_323 : i32 to vector<16xi32>
        %broadcast_in_dim3A_367 = vector.broadcast %and3A_321 : i32 to vector<16xi32>
        %broadcast_in_dim3A_368 = vector.broadcast %and3A_319 : i32 to vector<16xi32>
        tpu.vector_store_idx %arg20[%broadcast_in_dim3A_366, %broadcast_in_dim3A_367], %broadcast_in_dim3A_368 masked %eq3A_15 : memref<2x16xi32, #tpu.memory_space<vmem>>[vector<16xi32>, vector<16xi32>], vector<16xi32>, vector<16xi1>
        %eq3A_369 = arith.constant 15 : i32
        %eq3A_370 = arith.cmpi eq, %and3A_321, %eq3A_369 : i32
        %convert_element_type3A_371 = arith.extui %eq3A_370 : i1 to i32
        %cond3A_372 = arith.constant 0 : i32
        %cond3A_373 = arith.cmpi ne, %convert_element_type3A_371, %cond3A_372 : i32
        scf.if %cond3A_373 {
          %gt3A_382 = arith.constant 0 : i32
          %gt3A_383 = arith.cmpi sgt, %while3A_306, %gt3A_382 : i32
          %convert_element_type3A_384 = arith.extui %gt3A_383 : i1 to i32
          %cond3A_385 = arith.constant 0 : i32
          %cond3A_386 = arith.cmpi ne, %convert_element_type3A_384, %cond3A_385 : i32
          scf.if %cond3A_386 {
            %dma_wait3A = arith.constant 0 : i32
            %dma_wait3A_396 = arith.constant 0 : i32
            %dma_wait3A_397 = tpu.memref_slice %arg19[%dma_wait3A, %dma_wait3A_396] : memref<32x128xf32, #tpu.memory_space<vmem>> -> memref<16x128xf32, #tpu.memory_space<vmem>>
            %dma_wait3A_398 = arith.constant 0 : i32
            %dma_wait3A_399 = arith.constant 0 : i32
            %dma_wait3A_400 = tpu.memref_slice %arg7[%dma_wait3A_398, %dma_wait3A_399] : memref<16384x128xf32, #tpu.memory_space<hbm>> -> memref<16x128xf32, #tpu.memory_space<hbm>>
            %dma_wait3A_401 = arith.constant 0 : i32
            %dma_wait3A_402 = arith.constant 0 : i32
            %dma_wait3A_403 = tpu.memref_slice %arg7[%dma_wait3A_401, %dma_wait3A_402] : memref<16384x128xf32, #tpu.memory_space<hbm>> -> memref<16x128xf32, #tpu.memory_space<hbm>>
            %dma_wait3A_404 = arith.constant 0 : i32
            %dma_wait3A_405 = arith.constant 0 : i32
            %dma_wait3A_406 = tpu.memref_slice %arg19[%dma_wait3A_404, %dma_wait3A_405] : memref<32x128xf32, #tpu.memory_space<vmem>> -> memref<16x128xf32, #tpu.memory_space<vmem>>
            tpu.wait_dma2 semaphore(%arg22 : memref<!tpu.dma_semaphore, #tpu.memory_space<semaphore_mem>>) src(%dma_wait3A_406 : memref<16x128xf32, #tpu.memory_space<vmem>>) dst(%dma_wait3A_403 : memref<16x128xf32, #tpu.memory_space<hbm>>)
          } else {
          }
          %mul3A_387 = arith.constant 16 : i32
          %mul3A_388 = arith.muli %and3A_323, %mul3A_387 : i32
          %dma_start3A = arith.constant 0 : i32
          %dma_start3A_389 = tpu.memref_slice %arg19[%mul3A_388, %dma_start3A] : memref<32x128xf32, #tpu.memory_space<vmem>> -> memref<16x128xf32, #tpu.memory_space<vmem>>
          %dma_start3A_390 = arith.constant 0 : i32
          %dma_start3A_391 = tpu.memref_slice %arg20[%and3A_323, %dma_start3A_390] : memref<2x16xi32, #tpu.memory_space<vmem>> -> memref<1x16xi32, #tpu.memory_space<vmem>>
          %dma_start3A_392 = tpu.memref_squeeze %dma_start3A_391 : memref<1x16xi32, #tpu.memory_space<vmem>> -> memref<16xi32, #tpu.memory_space<vmem>>
          %dma_start3A_393 = arith.constant 0 : i32
          %dma_start3A_394 = arith.constant 0 : i32
          %dma_start3A_395 = tpu.memref_slice %arg7[%dma_start3A_393, %dma_start3A_394] : memref<16384x128xf32, #tpu.memory_space<hbm>> -> memref<16384x128xf32, #tpu.memory_space<hbm>>
          tpu.enqueue_indirect_dma source(%dma_start3A_389 : memref<16x128xf32, #tpu.memory_space<vmem>>) target(%dma_start3A_395 : memref<16384x128xf32, #tpu.memory_space<hbm>>) offsets(%dma_start3A_392 : memref<16xi32, #tpu.memory_space<vmem>>) semaphore(%arg22 : memref<!tpu.dma_semaphore, #tpu.memory_space<semaphore_mem>>)
        } else {
        }
        %add3A_374 = arith.constant 1 : i32
        %add3A_375 = arith.addi %while3A_305, %add3A_374 : i32
        %eq3A_376 = arith.constant 15 : i32
        %eq3A_377 = arith.cmpi eq, %and3A_321, %eq3A_376 : i32
        %jit3A_378 = arith.constant 1 : i32
        %jit3A_379 = arith.constant 0 : i32
        %select_n3A_380 = arith.select %eq3A_377, %jit3A_378, %jit3A_379 : i32
        %add3A_381 = arith.addi %while3A_306, %select_n3A_380 : i32
        scf.yield %add3A_375, %add3A_381, %and3A_319 : i32, i32, i32
      }
      %and3A_290 = arith.constant 15 : i32
      %and3A_291 = arith.andi %while3A_289#0, %and3A_290 : i32
      %and3A_292 = arith.constant 1 : i32
      %and3A_293 = arith.andi %while3A_289#1, %and3A_292 : i32
      %gt3A_294 = arith.constant 0 : i32
      %gt3A_295 = arith.cmpi sgt, %while3A_289#1, %gt3A_294 : i32
      %convert_element_type3A_296 = arith.extui %gt3A_295 : i1 to i32
      %cond3A_297 = arith.constant 0 : i32
      %cond3A_298 = arith.cmpi ne, %convert_element_type3A_296, %cond3A_297 : i32
      scf.if %cond3A_298 {
        %dma_wait3A = arith.constant 0 : i32
        %dma_wait3A_304 = arith.constant 0 : i32
        %dma_wait3A_305 = tpu.memref_slice %arg19[%dma_wait3A, %dma_wait3A_304] : memref<32x128xf32, #tpu.memory_space<vmem>> -> memref<16x128xf32, #tpu.memory_space<vmem>>
        %dma_wait3A_306 = arith.constant 0 : i32
        %dma_wait3A_307 = arith.constant 0 : i32
        %dma_wait3A_308 = tpu.memref_slice %arg7[%dma_wait3A_306, %dma_wait3A_307] : memref<16384x128xf32, #tpu.memory_space<hbm>> -> memref<16x128xf32, #tpu.memory_space<hbm>>
        %dma_wait3A_309 = arith.constant 0 : i32
        %dma_wait3A_310 = arith.constant 0 : i32
        %dma_wait3A_311 = tpu.memref_slice %arg7[%dma_wait3A_309, %dma_wait3A_310] : memref<16384x128xf32, #tpu.memory_space<hbm>> -> memref<16x128xf32, #tpu.memory_space<hbm>>
        %dma_wait3A_312 = arith.constant 0 : i32
        %dma_wait3A_313 = arith.constant 0 : i32
        %dma_wait3A_314 = tpu.memref_slice %arg19[%dma_wait3A_312, %dma_wait3A_313] : memref<32x128xf32, #tpu.memory_space<vmem>> -> memref<16x128xf32, #tpu.memory_space<vmem>>
        tpu.wait_dma2 semaphore(%arg22 : memref<!tpu.dma_semaphore, #tpu.memory_space<semaphore_mem>>) src(%dma_wait3A_314 : memref<16x128xf32, #tpu.memory_space<vmem>>) dst(%dma_wait3A_311 : memref<16x128xf32, #tpu.memory_space<hbm>>)
      } else {
      }
      %ne3A_299 = arith.constant 0 : i32
      %ne3A_300 = arith.cmpi ne, %and3A_291, %ne3A_299 : i32
      %convert_element_type3A_301 = arith.extui %ne3A_300 : i1 to i32
      %cond3A_302 = arith.constant 0 : i32
      %cond3A_303 = arith.cmpi ne, %convert_element_type3A_301, %cond3A_302 : i32
      scf.if %cond3A_303 {
        %while3A_304 = arith.constant 0 : i32
        %while3A_305 = arith.constant 16 : i32
        %while3A_306 = arith.subi %while3A_305, %and3A_291 : i32
        %while3A_307 = arith.addi %and3A_291, %while3A_306 : i32
        %while3A_308 = arith.constant 1 : i32
        %while3A_309 = arith.divsi %while3A_306, %while3A_308 : i32
        %while3A_310 = arith.muli %while3A_309, %while3A_308 : i32
        %while3A_311 = arith.addi %and3A_291, %while3A_310 : i32
        %while3A_312 = arith.constant 1 : i32
        scf.for %while3A_316 = %and3A_291 to %while3A_311 step %while3A_312  : i32 {
          %broadcast_in_dim3A_317 = vector.broadcast %and3A_293 : i32 to vector<16xi32>
          %broadcast_in_dim3A_318 = vector.broadcast %while3A_316 : i32 to vector<16xi32>
          %broadcast_in_dim3A_319 = vector.broadcast %while3A_289#2 : i32 to vector<16xi32>
          tpu.vector_store_idx %arg20[%broadcast_in_dim3A_317, %broadcast_in_dim3A_318], %broadcast_in_dim3A_319 masked %eq3A_15 : memref<2x16xi32, #tpu.memory_space<vmem>>[vector<16xi32>, vector<16xi32>], vector<16xi32>, vector<16xi1>
          %mul3A_320 = arith.constant 16 : i32
          %mul3A_321 = arith.muli %and3A_293, %mul3A_320 : i32
          %add3A_322 = arith.addi %mul3A_321, %while3A_316 : i32
          %mul3A_323 = arith.constant 16 : i32
          %mul3A_324 = arith.muli %and3A_293, %mul3A_323 : i32
          %add3A_325 = arith.addi %mul3A_324, %and3A_291 : i32
          %sub3A_326 = arith.constant 1 : i32
          %sub3A_327 = arith.subi %add3A_325, %sub3A_326 : i32
          %broadcast_in_dim3A_328 = vector.broadcast %sub3A_327 : i32 to vector<16xi32>
          %add3A_329 = arith.constant 0 : i32
          %add3A_330 = vector.broadcast %add3A_329 : i32 to vector<16xi32>
          %add3A_331 = arith.addi %add3A_330, %iota3A : vector<16xi32>
          %gather3A = tpu.vector_load_idx %arg19[%broadcast_in_dim3A_328, %add3A_331] : memref<32x128xf32, #tpu.memory_space<vmem>>[vector<16xi32>, vector<16xi32>], vector<16xf32>,
          %broadcast_in_dim3A_332 = vector.broadcast %add3A_322 : i32 to vector<16xi32>
          %add3A_333 = arith.constant 0 : i32
          %add3A_334 = vector.broadcast %add3A_333 : i32 to vector<16xi32>
          %add3A_335 = arith.addi %add3A_334, %iota3A : vector<16xi32>
          tpu.vector_store_idx %arg19[%broadcast_in_dim3A_332, %add3A_335], %gather3A : memref<32x128xf32, #tpu.memory_space<vmem>>[vector<16xi32>, vector<16xi32>], vector<16xf32>,
          %mul3A_336 = arith.constant 16 : i32
          %mul3A_337 = arith.muli %and3A_293, %mul3A_336 : i32
          %add3A_338 = arith.addi %mul3A_337, %and3A_291 : i32
          %sub3A_339 = arith.constant 1 : i32
          %sub3A_340 = arith.subi %add3A_338, %sub3A_339 : i32
          %broadcast_in_dim3A_341 = vector.broadcast %sub3A_340 : i32 to vector<16xi32>
          %add3A_342 = arith.constant 16 : i32
          %add3A_343 = vector.broadcast %add3A_342 : i32 to vector<16xi32>
          %add3A_344 = arith.addi %add3A_343, %iota3A : vector<16xi32>
          %gather3A_345 = tpu.vector_load_idx %arg19[%broadcast_in_dim3A_341, %add3A_344] : memref<32x128xf32, #tpu.memory_space<vmem>>[vector<16xi32>, vector<16xi32>], vector<16xf32>,
          %broadcast_in_dim3A_346 = vector.broadcast %add3A_322 : i32 to vector<16xi32>
          %add3A_347 = arith.constant 16 : i32
          %add3A_348 = vector.broadcast %add3A_347 : i32 to vector<16xi32>
          %add3A_349 = arith.addi %add3A_348, %iota3A : vector<16xi32>
          tpu.vector_store_idx %arg19[%broadcast_in_dim3A_346, %add3A_349], %gather3A_345 : memref<32x128xf32, #tpu.memory_space<vmem>>[vector<16xi32>, vector<16xi32>], vector<16xf32>,
          %mul3A_350 = arith.constant 16 : i32
          %mul3A_351 = arith.muli %and3A_293, %mul3A_350 : i32
          %add3A_352 = arith.addi %mul3A_351, %and3A_291 : i32
          %sub3A_353 = arith.constant 1 : i32
          %sub3A_354 = arith.subi %add3A_352, %sub3A_353 : i32
          %broadcast_in_dim3A_355 = vector.broadcast %sub3A_354 : i32 to vector<16xi32>
          %add3A_356 = arith.constant 32 : i32
          %add3A_357 = vector.broadcast %add3A_356 : i32 to vector<16xi32>
          %add3A_358 = arith.addi %add3A_357, %iota3A : vector<16xi32>
          %gather3A_359 = tpu.vector_load_idx %arg19[%broadcast_in_dim3A_355, %add3A_358] : memref<32x128xf32, #tpu.memory_space<vmem>>[vector<16xi32>, vector<16xi32>], vector<16xf32>,
          %broadcast_in_dim3A_360 = vector.broadcast %add3A_322 : i32 to vector<16xi32>
          %add3A_361 = arith.constant 32 : i32
          %add3A_362 = vector.broadcast %add3A_361 : i32 to vector<16xi32>
          %add3A_363 = arith.addi %add3A_362, %iota3A : vector<16xi32>
          tpu.vector_store_idx %arg19[%broadcast_in_dim3A_360, %add3A_363], %gather3A_359 : memref<32x128xf32, #tpu.memory_space<vmem>>[vector<16xi32>, vector<16xi32>], vector<16xf32>,
          %mul3A_364 = arith.constant 16 : i32
          %mul3A_365 = arith.muli %and3A_293, %mul3A_364 : i32
          %add3A_366 = arith.addi %mul3A_365, %and3A_291 : i32
          %sub3A_367 = arith.constant 1 : i32
          %sub3A_368 = arith.subi %add3A_366, %sub3A_367 : i32
          %broadcast_in_dim3A_369 = vector.broadcast %sub3A_368 : i32 to vector<16xi32>
          %add3A_370 = arith.constant 48 : i32
          %add3A_371 = vector.broadcast %add3A_370 : i32 to vector<16xi32>
          %add3A_372 = arith.addi %add3A_371, %iota3A : vector<16xi32>
          %gather3A_373 = tpu.vector_load_idx %arg19[%broadcast_in_dim3A_369, %add3A_372] : memref<32x128xf32, #tpu.memory_space<vmem>>[vector<16xi32>, vector<16xi32>], vector<16xf32>,
          %broadcast_in_dim3A_374 = vector.broadcast %add3A_322 : i32 to vector<16xi32>
          %add3A_375 = arith.constant 48 : i32
          %add3A_376 = vector.broadcast %add3A_375 : i32 to vector<16xi32>
          %add3A_377 = arith.addi %add3A_376, %iota3A : vector<16xi32>
          tpu.vector_store_idx %arg19[%broadcast_in_dim3A_374, %add3A_377], %gather3A_373 : memref<32x128xf32, #tpu.memory_space<vmem>>[vector<16xi32>, vector<16xi32>], vector<16xf32>,
        }
        %while3A_313 = arith.constant 1 : i32
        scf.for %while3A_316 = %while3A_311 to %while3A_307 step %while3A_313  : i32 {
          %broadcast_in_dim3A_317 = vector.broadcast %and3A_293 : i32 to vector<16xi32>
          %broadcast_in_dim3A_318 = vector.broadcast %while3A_316 : i32 to vector<16xi32>
          %broadcast_in_dim3A_319 = vector.broadcast %while3A_289#2 : i32 to vector<16xi32>
          tpu.vector_store_idx %arg20[%broadcast_in_dim3A_317, %broadcast_in_dim3A_318], %broadcast_in_dim3A_319 masked %eq3A_15 : memref<2x16xi32, #tpu.memory_space<vmem>>[vector<16xi32>, vector<16xi32>], vector<16xi32>, vector<16xi1>
          %mul3A_320 = arith.constant 16 : i32
          %mul3A_321 = arith.muli %and3A_293, %mul3A_320 : i32
          %add3A_322 = arith.addi %mul3A_321, %while3A_316 : i32
          %mul3A_323 = arith.constant 16 : i32
          %mul3A_324 = arith.muli %and3A_293, %mul3A_323 : i32
          %add3A_325 = arith.addi %mul3A_324, %and3A_291 : i32
          %sub3A_326 = arith.constant 1 : i32
          %sub3A_327 = arith.subi %add3A_325, %sub3A_326 : i32
          %broadcast_in_dim3A_328 = vector.broadcast %sub3A_327 : i32 to vector<16xi32>
          %add3A_329 = arith.constant 0 : i32
          %add3A_330 = vector.broadcast %add3A_329 : i32 to vector<16xi32>
          %add3A_331 = arith.addi %add3A_330, %iota3A : vector<16xi32>
          %gather3A = tpu.vector_load_idx %arg19[%broadcast_in_dim3A_328, %add3A_331] : memref<32x128xf32, #tpu.memory_space<vmem>>[vector<16xi32>, vector<16xi32>], vector<16xf32>,
          %broadcast_in_dim3A_332 = vector.broadcast %add3A_322 : i32 to vector<16xi32>
          %add3A_333 = arith.constant 0 : i32
          %add3A_334 = vector.broadcast %add3A_333 : i32 to vector<16xi32>
          %add3A_335 = arith.addi %add3A_334, %iota3A : vector<16xi32>
          tpu.vector_store_idx %arg19[%broadcast_in_dim3A_332, %add3A_335], %gather3A : memref<32x128xf32, #tpu.memory_space<vmem>>[vector<16xi32>, vector<16xi32>], vector<16xf32>,
          %mul3A_336 = arith.constant 16 : i32
          %mul3A_337 = arith.muli %and3A_293, %mul3A_336 : i32
          %add3A_338 = arith.addi %mul3A_337, %and3A_291 : i32
          %sub3A_339 = arith.constant 1 : i32
          %sub3A_340 = arith.subi %add3A_338, %sub3A_339 : i32
          %broadcast_in_dim3A_341 = vector.broadcast %sub3A_340 : i32 to vector<16xi32>
          %add3A_342 = arith.constant 16 : i32
          %add3A_343 = vector.broadcast %add3A_342 : i32 to vector<16xi32>
          %add3A_344 = arith.addi %add3A_343, %iota3A : vector<16xi32>
          %gather3A_345 = tpu.vector_load_idx %arg19[%broadcast_in_dim3A_341, %add3A_344] : memref<32x128xf32, #tpu.memory_space<vmem>>[vector<16xi32>, vector<16xi32>], vector<16xf32>,
          %broadcast_in_dim3A_346 = vector.broadcast %add3A_322 : i32 to vector<16xi32>
          %add3A_347 = arith.constant 16 : i32
          %add3A_348 = vector.broadcast %add3A_347 : i32 to vector<16xi32>
          %add3A_349 = arith.addi %add3A_348, %iota3A : vector<16xi32>
          tpu.vector_store_idx %arg19[%broadcast_in_dim3A_346, %add3A_349], %gather3A_345 : memref<32x128xf32, #tpu.memory_space<vmem>>[vector<16xi32>, vector<16xi32>], vector<16xf32>,
          %mul3A_350 = arith.constant 16 : i32
          %mul3A_351 = arith.muli %and3A_293, %mul3A_350 : i32
          %add3A_352 = arith.addi %mul3A_351, %and3A_291 : i32
          %sub3A_353 = arith.constant 1 : i32
          %sub3A_354 = arith.subi %add3A_352, %sub3A_353 : i32
          %broadcast_in_dim3A_355 = vector.broadcast %sub3A_354 : i32 to vector<16xi32>
          %add3A_356 = arith.constant 32 : i32
          %add3A_357 = vector.broadcast %add3A_356 : i32 to vector<16xi32>
          %add3A_358 = arith.addi %add3A_357, %iota3A : vector<16xi32>
          %gather3A_359 = tpu.vector_load_idx %arg19[%broadcast_in_dim3A_355, %add3A_358] : memref<32x128xf32, #tpu.memory_space<vmem>>[vector<16xi32>, vector<16xi32>], vector<16xf32>,
          %broadcast_in_dim3A_360 = vector.broadcast %add3A_322 : i32 to vector<16xi32>
          %add3A_361 = arith.constant 32 : i32
          %add3A_362 = vector.broadcast %add3A_361 : i32 to vector<16xi32>
          %add3A_363 = arith.addi %add3A_362, %iota3A : vector<16xi32>
          tpu.vector_store_idx %arg19[%broadcast_in_dim3A_360, %add3A_363], %gather3A_359 : memref<32x128xf32, #tpu.memory_space<vmem>>[vector<16xi32>, vector<16xi32>], vector<16xf32>,
          %mul3A_364 = arith.constant 16 : i32
          %mul3A_365 = arith.muli %and3A_293, %mul3A_364 : i32
          %add3A_366 = arith.addi %mul3A_365, %and3A_291 : i32
          %sub3A_367 = arith.constant 1 : i32
          %sub3A_368 = arith.subi %add3A_366, %sub3A_367 : i32
          %broadcast_in_dim3A_369 = vector.broadcast %sub3A_368 : i32 to vector<16xi32>
          %add3A_370 = arith.constant 48 : i32
          %add3A_371 = vector.broadcast %add3A_370 : i32 to vector<16xi32>
          %add3A_372 = arith.addi %add3A_371, %iota3A : vector<16xi32>
          %gather3A_373 = tpu.vector_load_idx %arg19[%broadcast_in_dim3A_369, %add3A_372] : memref<32x128xf32, #tpu.memory_space<vmem>>[vector<16xi32>, vector<16xi32>], vector<16xf32>,
          %broadcast_in_dim3A_374 = vector.broadcast %add3A_322 : i32 to vector<16xi32>
          %add3A_375 = arith.constant 48 : i32
          %add3A_376 = vector.broadcast %add3A_375 : i32 to vector<16xi32>
          %add3A_377 = arith.addi %add3A_376, %iota3A : vector<16xi32>
          tpu.vector_store_idx %arg19[%broadcast_in_dim3A_374, %add3A_377], %gather3A_373 : memref<32x128xf32, #tpu.memory_space<vmem>>[vector<16xi32>, vector<16xi32>], vector<16xf32>,
        }
        %mul3A_314 = arith.constant 16 : i32
        %mul3A_315 = arith.muli %and3A_293, %mul3A_314 : i32
        "tpu.region"() ({
          %run_scoped3A = tpu.sem_alloc : memref<!tpu.dma_semaphore, #tpu.memory_space<semaphore_mem>>
          %dma_start3A = arith.constant 0 : i32
          %dma_start3A_316 = tpu.memref_slice %arg19[%mul3A_315, %dma_start3A] : memref<32x128xf32, #tpu.memory_space<vmem>> -> memref<16x128xf32, #tpu.memory_space<vmem>>
          %dma_start3A_317 = arith.constant 0 : i32
          %dma_start3A_318 = tpu.memref_slice %arg20[%and3A_293, %dma_start3A_317] : memref<2x16xi32, #tpu.memory_space<vmem>> -> memref<1x16xi32, #tpu.memory_space<vmem>>
          %dma_start3A_319 = tpu.memref_squeeze %dma_start3A_318 : memref<1x16xi32, #tpu.memory_space<vmem>> -> memref<16xi32, #tpu.memory_space<vmem>>
          %dma_start3A_320 = arith.constant 0 : i32
          %dma_start3A_321 = arith.constant 0 : i32
          %dma_start3A_322 = tpu.memref_slice %arg7[%dma_start3A_320, %dma_start3A_321] : memref<16384x128xf32, #tpu.memory_space<hbm>> -> memref<16384x128xf32, #tpu.memory_space<hbm>>
          tpu.enqueue_indirect_dma source(%dma_start3A_316 : memref<16x128xf32, #tpu.memory_space<vmem>>) target(%dma_start3A_322 : memref<16384x128xf32, #tpu.memory_space<hbm>>) offsets(%dma_start3A_319 : memref<16xi32, #tpu.memory_space<vmem>>) semaphore(%run_scoped3A : memref<!tpu.dma_semaphore, #tpu.memory_space<semaphore_mem>>)
          %dma_wait3A = arith.constant 0 : i32
          %dma_wait3A_323 = tpu.memref_slice %arg19[%mul3A_315, %dma_wait3A] : memref<32x128xf32, #tpu.memory_space<vmem>> -> memref<16x128xf32, #tpu.memory_space<vmem>>
          %dma_wait3A_324 = arith.constant 0 : i32
          %dma_wait3A_325 = tpu.memref_slice %arg20[%and3A_293, %dma_wait3A_324] : memref<2x16xi32, #tpu.memory_space<vmem>> -> memref<1x16xi32, #tpu.memory_space<vmem>>
          %dma_wait3A_326 = tpu.memref_squeeze %dma_wait3A_325 : memref<1x16xi32, #tpu.memory_space<vmem>> -> memref<16xi32, #tpu.memory_space<vmem>>
          %dma_wait3A_327 = arith.constant 0 : i32
          %dma_wait3A_328 = arith.constant 0 : i32
          %dma_wait3A_329 = tpu.memref_slice %arg7[%dma_wait3A_327, %dma_wait3A_328] : memref<16384x128xf32, #tpu.memory_space<hbm>> -> memref<16384x128xf32, #tpu.memory_space<hbm>>
          tpu.wait_indirect_dma semaphore(%run_scoped3A : memref<!tpu.dma_semaphore, #tpu.memory_space<semaphore_mem>>) src(%dma_wait3A_323 : memref<16x128xf32, #tpu.memory_space<vmem>>) dst(%dma_wait3A_329 : memref<16384x128xf32, #tpu.memory_space<hbm>>)
          tpu.yield
        }) : () -> ()
      } else {
      }
    } else {
    }
    %ne3A = arith.constant 31 : i32
    %ne3A_268 = arith.cmpi ne, %add3A, %ne3A : i32
    %convert_element_type3A_269 = arith.extui %ne3A_268 : i1 to i32
    %cond3A_270 = arith.constant 0 : i32
    %cond3A_271 = arith.cmpi ne, %convert_element_type3A_269, %cond3A_270 : i32
    scf.if %cond3A_271 {
      %and3A_272 = arith.constant 15 : i32
      %and3A_273 = arith.andi %while3A_262#0, %and3A_272 : i32
      %and3A_274 = arith.constant 1 : i32
      %and3A_275 = arith.andi %while3A_262#1, %and3A_274 : i32
      %gt3A_276 = arith.constant 0 : i32
      %gt3A_277 = arith.cmpi sgt, %while3A_262#1, %gt3A_276 : i32
      %convert_element_type3A_278 = arith.extui %gt3A_277 : i1 to i32
      %cond3A_279 = arith.constant 0 : i32
      %cond3A_280 = arith.cmpi ne, %convert_element_type3A_278, %cond3A_279 : i32
      scf.if %cond3A_280 {
        %dma_wait3A = arith.constant 0 : i32
        %dma_wait3A_286 = arith.constant 0 : i32
        %dma_wait3A_287 = tpu.memref_slice %arg19[%dma_wait3A, %dma_wait3A_286] : memref<32x128xf32, #tpu.memory_space<vmem>> -> memref<16x128xf32, #tpu.memory_space<vmem>>
        %dma_wait3A_288 = arith.constant 0 : i32
        %dma_wait3A_289 = arith.constant 0 : i32
        %dma_wait3A_290 = tpu.memref_slice %arg7[%dma_wait3A_288, %dma_wait3A_289] : memref<16384x128xf32, #tpu.memory_space<hbm>> -> memref<16x128xf32, #tpu.memory_space<hbm>>
        %dma_wait3A_291 = arith.constant 0 : i32
        %dma_wait3A_292 = arith.constant 0 : i32
        %dma_wait3A_293 = tpu.memref_slice %arg7[%dma_wait3A_291, %dma_wait3A_292] : memref<16384x128xf32, #tpu.memory_space<hbm>> -> memref<16x128xf32, #tpu.memory_space<hbm>>
        %dma_wait3A_294 = arith.constant 0 : i32
        %dma_wait3A_295 = arith.constant 0 : i32
        %dma_wait3A_296 = tpu.memref_slice %arg19[%dma_wait3A_294, %dma_wait3A_295] : memref<32x128xf32, #tpu.memory_space<vmem>> -> memref<16x128xf32, #tpu.memory_space<vmem>>
        tpu.wait_dma2 semaphore(%arg22 : memref<!tpu.dma_semaphore, #tpu.memory_space<semaphore_mem>>) src(%dma_wait3A_296 : memref<16x128xf32, #tpu.memory_space<vmem>>) dst(%dma_wait3A_293 : memref<16x128xf32, #tpu.memory_space<hbm>>)
      } else {
      }
      %ne3A_281 = arith.constant 0 : i32
      %ne3A_282 = arith.cmpi ne, %and3A_273, %ne3A_281 : i32
      %convert_element_type3A_283 = arith.extui %ne3A_282 : i1 to i32
      %cond3A_284 = arith.constant 0 : i32
      %cond3A_285 = arith.cmpi ne, %convert_element_type3A_283, %cond3A_284 : i32
      scf.if %cond3A_285 {
        %while3A_286 = arith.constant 0 : i32
        %while3A_287 = arith.constant 16 : i32
        %while3A_288 = arith.subi %while3A_287, %and3A_273 : i32
        %while3A_289 = arith.addi %and3A_273, %while3A_288 : i32
        %while3A_290 = arith.constant 1 : i32
        %while3A_291 = arith.divsi %while3A_288, %while3A_290 : i32
        %while3A_292 = arith.muli %while3A_291, %while3A_290 : i32
        %while3A_293 = arith.addi %and3A_273, %while3A_292 : i32
        %while3A_294 = arith.constant 1 : i32
        scf.for %while3A_298 = %and3A_273 to %while3A_293 step %while3A_294  : i32 {
          %broadcast_in_dim3A_299 = vector.broadcast %and3A_275 : i32 to vector<16xi32>
          %broadcast_in_dim3A_300 = vector.broadcast %while3A_298 : i32 to vector<16xi32>
          %broadcast_in_dim3A_301 = vector.broadcast %while3A_262#2 : i32 to vector<16xi32>
          tpu.vector_store_idx %arg20[%broadcast_in_dim3A_299, %broadcast_in_dim3A_300], %broadcast_in_dim3A_301 masked %eq3A_15 : memref<2x16xi32, #tpu.memory_space<vmem>>[vector<16xi32>, vector<16xi32>], vector<16xi32>, vector<16xi1>
          %mul3A_302 = arith.constant 16 : i32
          %mul3A_303 = arith.muli %and3A_275, %mul3A_302 : i32
          %add3A_304 = arith.addi %mul3A_303, %while3A_298 : i32
          %mul3A_305 = arith.constant 16 : i32
          %mul3A_306 = arith.muli %and3A_275, %mul3A_305 : i32
          %add3A_307 = arith.addi %mul3A_306, %and3A_273 : i32
          %sub3A_308 = arith.constant 1 : i32
          %sub3A_309 = arith.subi %add3A_307, %sub3A_308 : i32
          %broadcast_in_dim3A_310 = vector.broadcast %sub3A_309 : i32 to vector<16xi32>
          %add3A_311 = arith.constant 0 : i32
          %add3A_312 = vector.broadcast %add3A_311 : i32 to vector<16xi32>
          %add3A_313 = arith.addi %add3A_312, %iota3A : vector<16xi32>
          %gather3A = tpu.vector_load_idx %arg19[%broadcast_in_dim3A_310, %add3A_313] : memref<32x128xf32, #tpu.memory_space<vmem>>[vector<16xi32>, vector<16xi32>], vector<16xf32>,
          %broadcast_in_dim3A_314 = vector.broadcast %add3A_304 : i32 to vector<16xi32>
          %add3A_315 = arith.constant 0 : i32
          %add3A_316 = vector.broadcast %add3A_315 : i32 to vector<16xi32>
          %add3A_317 = arith.addi %add3A_316, %iota3A : vector<16xi32>
          tpu.vector_store_idx %arg19[%broadcast_in_dim3A_314, %add3A_317], %gather3A : memref<32x128xf32, #tpu.memory_space<vmem>>[vector<16xi32>, vector<16xi32>], vector<16xf32>,
          %mul3A_318 = arith.constant 16 : i32
          %mul3A_319 = arith.muli %and3A_275, %mul3A_318 : i32
          %add3A_320 = arith.addi %mul3A_319, %and3A_273 : i32
          %sub3A_321 = arith.constant 1 : i32
          %sub3A_322 = arith.subi %add3A_320, %sub3A_321 : i32
          %broadcast_in_dim3A_323 = vector.broadcast %sub3A_322 : i32 to vector<16xi32>
          %add3A_324 = arith.constant 16 : i32
          %add3A_325 = vector.broadcast %add3A_324 : i32 to vector<16xi32>
          %add3A_326 = arith.addi %add3A_325, %iota3A : vector<16xi32>
          %gather3A_327 = tpu.vector_load_idx %arg19[%broadcast_in_dim3A_323, %add3A_326] : memref<32x128xf32, #tpu.memory_space<vmem>>[vector<16xi32>, vector<16xi32>], vector<16xf32>,
          %broadcast_in_dim3A_328 = vector.broadcast %add3A_304 : i32 to vector<16xi32>
          %add3A_329 = arith.constant 16 : i32
          %add3A_330 = vector.broadcast %add3A_329 : i32 to vector<16xi32>
          %add3A_331 = arith.addi %add3A_330, %iota3A : vector<16xi32>
          tpu.vector_store_idx %arg19[%broadcast_in_dim3A_328, %add3A_331], %gather3A_327 : memref<32x128xf32, #tpu.memory_space<vmem>>[vector<16xi32>, vector<16xi32>], vector<16xf32>,
          %mul3A_332 = arith.constant 16 : i32
          %mul3A_333 = arith.muli %and3A_275, %mul3A_332 : i32
          %add3A_334 = arith.addi %mul3A_333, %and3A_273 : i32
          %sub3A_335 = arith.constant 1 : i32
          %sub3A_336 = arith.subi %add3A_334, %sub3A_335 : i32
          %broadcast_in_dim3A_337 = vector.broadcast %sub3A_336 : i32 to vector<16xi32>
          %add3A_338 = arith.constant 32 : i32
          %add3A_339 = vector.broadcast %add3A_338 : i32 to vector<16xi32>
          %add3A_340 = arith.addi %add3A_339, %iota3A : vector<16xi32>
          %gather3A_341 = tpu.vector_load_idx %arg19[%broadcast_in_dim3A_337, %add3A_340] : memref<32x128xf32, #tpu.memory_space<vmem>>[vector<16xi32>, vector<16xi32>], vector<16xf32>,
          %broadcast_in_dim3A_342 = vector.broadcast %add3A_304 : i32 to vector<16xi32>
          %add3A_343 = arith.constant 32 : i32
          %add3A_344 = vector.broadcast %add3A_343 : i32 to vector<16xi32>
          %add3A_345 = arith.addi %add3A_344, %iota3A : vector<16xi32>
          tpu.vector_store_idx %arg19[%broadcast_in_dim3A_342, %add3A_345], %gather3A_341 : memref<32x128xf32, #tpu.memory_space<vmem>>[vector<16xi32>, vector<16xi32>], vector<16xf32>,
          %mul3A_346 = arith.constant 16 : i32
          %mul3A_347 = arith.muli %and3A_275, %mul3A_346 : i32
          %add3A_348 = arith.addi %mul3A_347, %and3A_273 : i32
          %sub3A_349 = arith.constant 1 : i32
          %sub3A_350 = arith.subi %add3A_348, %sub3A_349 : i32
          %broadcast_in_dim3A_351 = vector.broadcast %sub3A_350 : i32 to vector<16xi32>
          %add3A_352 = arith.constant 48 : i32
          %add3A_353 = vector.broadcast %add3A_352 : i32 to vector<16xi32>
          %add3A_354 = arith.addi %add3A_353, %iota3A : vector<16xi32>
          %gather3A_355 = tpu.vector_load_idx %arg19[%broadcast_in_dim3A_351, %add3A_354] : memref<32x128xf32, #tpu.memory_space<vmem>>[vector<16xi32>, vector<16xi32>], vector<16xf32>,
          %broadcast_in_dim3A_356 = vector.broadcast %add3A_304 : i32 to vector<16xi32>
          %add3A_357 = arith.constant 48 : i32
          %add3A_358 = vector.broadcast %add3A_357 : i32 to vector<16xi32>
          %add3A_359 = arith.addi %add3A_358, %iota3A : vector<16xi32>
          tpu.vector_store_idx %arg19[%broadcast_in_dim3A_356, %add3A_359], %gather3A_355 : memref<32x128xf32, #tpu.memory_space<vmem>>[vector<16xi32>, vector<16xi32>], vector<16xf32>,
        }
        %while3A_295 = arith.constant 1 : i32
        scf.for %while3A_298 = %while3A_293 to %while3A_289 step %while3A_295  : i32 {
          %broadcast_in_dim3A_299 = vector.broadcast %and3A_275 : i32 to vector<16xi32>
          %broadcast_in_dim3A_300 = vector.broadcast %while3A_298 : i32 to vector<16xi32>
          %broadcast_in_dim3A_301 = vector.broadcast %while3A_262#2 : i32 to vector<16xi32>
          tpu.vector_store_idx %arg20[%broadcast_in_dim3A_299, %broadcast_in_dim3A_300], %broadcast_in_dim3A_301 masked %eq3A_15 : memref<2x16xi32, #tpu.memory_space<vmem>>[vector<16xi32>, vector<16xi32>], vector<16xi32>, vector<16xi1>
          %mul3A_302 = arith.constant 16 : i32
          %mul3A_303 = arith.muli %and3A_275, %mul3A_302 : i32
          %add3A_304 = arith.addi %mul3A_303, %while3A_298 : i32
          %mul3A_305 = arith.constant 16 : i32
          %mul3A_306 = arith.muli %and3A_275, %mul3A_305 : i32
          %add3A_307 = arith.addi %mul3A_306, %and3A_273 : i32
          %sub3A_308 = arith.constant 1 : i32
          %sub3A_309 = arith.subi %add3A_307, %sub3A_308 : i32
          %broadcast_in_dim3A_310 = vector.broadcast %sub3A_309 : i32 to vector<16xi32>
          %add3A_311 = arith.constant 0 : i32
          %add3A_312 = vector.broadcast %add3A_311 : i32 to vector<16xi32>
          %add3A_313 = arith.addi %add3A_312, %iota3A : vector<16xi32>
          %gather3A = tpu.vector_load_idx %arg19[%broadcast_in_dim3A_310, %add3A_313] : memref<32x128xf32, #tpu.memory_space<vmem>>[vector<16xi32>, vector<16xi32>], vector<16xf32>,
          %broadcast_in_dim3A_314 = vector.broadcast %add3A_304 : i32 to vector<16xi32>
          %add3A_315 = arith.constant 0 : i32
          %add3A_316 = vector.broadcast %add3A_315 : i32 to vector<16xi32>
          %add3A_317 = arith.addi %add3A_316, %iota3A : vector<16xi32>
          tpu.vector_store_idx %arg19[%broadcast_in_dim3A_314, %add3A_317], %gather3A : memref<32x128xf32, #tpu.memory_space<vmem>>[vector<16xi32>, vector<16xi32>], vector<16xf32>,
          %mul3A_318 = arith.constant 16 : i32
          %mul3A_319 = arith.muli %and3A_275, %mul3A_318 : i32
          %add3A_320 = arith.addi %mul3A_319, %and3A_273 : i32
          %sub3A_321 = arith.constant 1 : i32
          %sub3A_322 = arith.subi %add3A_320, %sub3A_321 : i32
          %broadcast_in_dim3A_323 = vector.broadcast %sub3A_322 : i32 to vector<16xi32>
          %add3A_324 = arith.constant 16 : i32
          %add3A_325 = vector.broadcast %add3A_324 : i32 to vector<16xi32>
          %add3A_326 = arith.addi %add3A_325, %iota3A : vector<16xi32>
          %gather3A_327 = tpu.vector_load_idx %arg19[%broadcast_in_dim3A_323, %add3A_326] : memref<32x128xf32, #tpu.memory_space<vmem>>[vector<16xi32>, vector<16xi32>], vector<16xf32>,
          %broadcast_in_dim3A_328 = vector.broadcast %add3A_304 : i32 to vector<16xi32>
          %add3A_329 = arith.constant 16 : i32
          %add3A_330 = vector.broadcast %add3A_329 : i32 to vector<16xi32>
          %add3A_331 = arith.addi %add3A_330, %iota3A : vector<16xi32>
          tpu.vector_store_idx %arg19[%broadcast_in_dim3A_328, %add3A_331], %gather3A_327 : memref<32x128xf32, #tpu.memory_space<vmem>>[vector<16xi32>, vector<16xi32>], vector<16xf32>,
          %mul3A_332 = arith.constant 16 : i32
          %mul3A_333 = arith.muli %and3A_275, %mul3A_332 : i32
          %add3A_334 = arith.addi %mul3A_333, %and3A_273 : i32
          %sub3A_335 = arith.constant 1 : i32
          %sub3A_336 = arith.subi %add3A_334, %sub3A_335 : i32
          %broadcast_in_dim3A_337 = vector.broadcast %sub3A_336 : i32 to vector<16xi32>
          %add3A_338 = arith.constant 32 : i32
          %add3A_339 = vector.broadcast %add3A_338 : i32 to vector<16xi32>
          %add3A_340 = arith.addi %add3A_339, %iota3A : vector<16xi32>
          %gather3A_341 = tpu.vector_load_idx %arg19[%broadcast_in_dim3A_337, %add3A_340] : memref<32x128xf32, #tpu.memory_space<vmem>>[vector<16xi32>, vector<16xi32>], vector<16xf32>,
          %broadcast_in_dim3A_342 = vector.broadcast %add3A_304 : i32 to vector<16xi32>
          %add3A_343 = arith.constant 32 : i32
          %add3A_344 = vector.broadcast %add3A_343 : i32 to vector<16xi32>
          %add3A_345 = arith.addi %add3A_344, %iota3A : vector<16xi32>
          tpu.vector_store_idx %arg19[%broadcast_in_dim3A_342, %add3A_345], %gather3A_341 : memref<32x128xf32, #tpu.memory_space<vmem>>[vector<16xi32>, vector<16xi32>], vector<16xf32>,
          %mul3A_346 = arith.constant 16 : i32
          %mul3A_347 = arith.muli %and3A_275, %mul3A_346 : i32
          %add3A_348 = arith.addi %mul3A_347, %and3A_273 : i32
          %sub3A_349 = arith.constant 1 : i32
          %sub3A_350 = arith.subi %add3A_348, %sub3A_349 : i32
          %broadcast_in_dim3A_351 = vector.broadcast %sub3A_350 : i32 to vector<16xi32>
          %add3A_352 = arith.constant 48 : i32
          %add3A_353 = vector.broadcast %add3A_352 : i32 to vector<16xi32>
          %add3A_354 = arith.addi %add3A_353, %iota3A : vector<16xi32>
          %gather3A_355 = tpu.vector_load_idx %arg19[%broadcast_in_dim3A_351, %add3A_354] : memref<32x128xf32, #tpu.memory_space<vmem>>[vector<16xi32>, vector<16xi32>], vector<16xf32>,
          %broadcast_in_dim3A_356 = vector.broadcast %add3A_304 : i32 to vector<16xi32>
          %add3A_357 = arith.constant 48 : i32
          %add3A_358 = vector.broadcast %add3A_357 : i32 to vector<16xi32>
          %add3A_359 = arith.addi %add3A_358, %iota3A : vector<16xi32>
          tpu.vector_store_idx %arg19[%broadcast_in_dim3A_356, %add3A_359], %gather3A_355 : memref<32x128xf32, #tpu.memory_space<vmem>>[vector<16xi32>, vector<16xi32>], vector<16xf32>,
        }
        %mul3A_296 = arith.constant 16 : i32
        %mul3A_297 = arith.muli %and3A_275, %mul3A_296 : i32
        "tpu.region"() ({
          %run_scoped3A = tpu.sem_alloc : memref<!tpu.dma_semaphore, #tpu.memory_space<semaphore_mem>>
          %dma_start3A = arith.constant 0 : i32
          %dma_start3A_298 = tpu.memref_slice %arg19[%mul3A_297, %dma_start3A] : memref<32x128xf32, #tpu.memory_space<vmem>> -> memref<16x128xf32, #tpu.memory_space<vmem>>
          %dma_start3A_299 = arith.constant 0 : i32
          %dma_start3A_300 = tpu.memref_slice %arg20[%and3A_275, %dma_start3A_299] : memref<2x16xi32, #tpu.memory_space<vmem>> -> memref<1x16xi32, #tpu.memory_space<vmem>>
          %dma_start3A_301 = tpu.memref_squeeze %dma_start3A_300 : memref<1x16xi32, #tpu.memory_space<vmem>> -> memref<16xi32, #tpu.memory_space<vmem>>
          %dma_start3A_302 = arith.constant 0 : i32
          %dma_start3A_303 = arith.constant 0 : i32
          %dma_start3A_304 = tpu.memref_slice %arg7[%dma_start3A_302, %dma_start3A_303] : memref<16384x128xf32, #tpu.memory_space<hbm>> -> memref<16384x128xf32, #tpu.memory_space<hbm>>
          tpu.enqueue_indirect_dma source(%dma_start3A_298 : memref<16x128xf32, #tpu.memory_space<vmem>>) target(%dma_start3A_304 : memref<16384x128xf32, #tpu.memory_space<hbm>>) offsets(%dma_start3A_301 : memref<16xi32, #tpu.memory_space<vmem>>) semaphore(%run_scoped3A : memref<!tpu.dma_semaphore, #tpu.memory_space<semaphore_mem>>)
          %dma_wait3A = arith.constant 0 : i32
          %dma_wait3A_305 = tpu.memref_slice %arg19[%mul3A_297, %dma_wait3A] : memref<32x128xf32, #tpu.memory_space<vmem>> -> memref<16x128xf32, #tpu.memory_space<vmem>>
          %dma_wait3A_306 = arith.constant 0 : i32
          %dma_wait3A_307 = tpu.memref_slice %arg20[%and3A_275, %dma_wait3A_306] : memref<2x16xi32, #tpu.memory_space<vmem>> -> memref<1x16xi32, #tpu.memory_space<vmem>>
          %dma_wait3A_308 = tpu.memref_squeeze %dma_wait3A_307 : memref<1x16xi32, #tpu.memory_space<vmem>> -> memref<16xi32, #tpu.memory_space<vmem>>
          %dma_wait3A_309 = arith.constant 0 : i32
          %dma_wait3A_310 = arith.constant 0 : i32
          %dma_wait3A_311 = tpu.memref_slice %arg7[%dma_wait3A_309, %dma_wait3A_310] : memref<16384x128xf32, #tpu.memory_space<hbm>> -> memref<16384x128xf32, #tpu.memory_space<hbm>>
          tpu.wait_indirect_dma semaphore(%run_scoped3A : memref<!tpu.dma_semaphore, #tpu.memory_space<semaphore_mem>>) src(%dma_wait3A_305 : memref<16x128xf32, #tpu.memory_space<vmem>>) dst(%dma_wait3A_311 : memref<16384x128xf32, #tpu.memory_space<hbm>>)
          tpu.yield
        }) : () -> ()
      } else {
      }
    } else {
    }
    return
  }
}

</mosaic_0001>

<sc_bundles>
// kernel: _transe.3.cloned.1.call-start
scs
__scs_entry_jumppad:
0x0: {  	(pc) =	sbr.rel $0x88, $3  }
0x1: {  	(tag) =	ssettag $0x0;
	lr =	simm.s32 $0x1  }
0x2: {  	[smem:$0x3F9D] =	sst lr;
	_ =	strace $0xD0000000  }
0x3: {  	_ = 	snop  }
0x4: {  	_ = 	snop  }
0x5: {  	_ = 	snop  }
0x6: {  	_ = 	snop  }
0x7: {  	_ = 	snop  }
__scs_overlays_trampoline_lowered:
0x8: {  	[smem:$0x3FAC] =	sst s0  }
0x9: {  	[smem:$0x3FAD] =	sst s1  }
0xa: {  	[smem:$0x3FAE] =	sst s2  }
0xb: {  	[smem:$0x3FAF] =	sst s3  }
0xc: {  	[smem:$0x3FB0] =	sst s4  }
0xd: {  	[smem:$0x3FB1] =	sst s5  }
0xe: {  	[smem:$0x3FB2] =	sst s6  }
0xf: {  	[smem:$0x3FB3] =	sst s7  }
0x10: {  	[smem:$0x3FB4] =	sst s8  }
0x11: {  	[smem:$0x3FB5] =	sst s9;
	s0 =	simm.s32 @!p0 $0x0  }
0x12: {  	s1 =	sld [smem:$0x3F9B];
	s0 =	simm.s32 @p0 $0x1  }
0x13: {  	[smem:$0x3FB6] =	sst s0;
	s0 =	simm.s32 @!p1 $0x0  }
0x14: {  	s2 =	sld [smem:$0x3F9A];
	s0 =	simm.s32 @p1 $0x1  }
0x15: {  	[smem:$0x3FB7] =	sst s0;
	s0 =	simm.s32 @!p2 $0x0  }
0x16: {  	s3 =	sld [smem:$0x3FDB];
	s0 =	simm.s32 @p2 $0x1  }
0x17: {  	s4 =	simm.s32 $0x1BF5;
	[smem:$0x3FB9] =	sst s0  }
0x18: {  	s0 =	sld [smem:$0x3F9C];
	_ =	swait.ge [sflag:s4], $0x0  }
0x19: {  	s7 =	sld [smem:$0x3F9D]  }
0x1a: {  	s8 =	sadd.s32 $0xFFFFE003, lr  }
0x1b: {  	s9 =	sadd.s32 $0xFFFFFEF7, lr;
	s5 =	simm.s32 $0xFFFFFFFF;
	p2 =	slt.u32 s8, $0xFFFFF086  }
0x1c: {  	p1 =	slt.u32 s9, $0xF7A;
	s5 =	simm.s32 @!p2 $0x0  }
0x1d: {  	s5 =	simm.s32 @p1 $0x1;
	p0 =	seq.s32 s7, s2  }
0x1e: {  	s7 =	smul.u32 @!p0 $0xF7A, s2;
	p2 =	seq.s32 @!p0 s5, $0x0  }
0x1f: {  	s9 =	smul.u32 $0xF7A, s1;
	s8 =	simm.s32 @!p0 $0x1BF5;
	p2 =	por !p2, p0  }
0x20: {  	[sflag:s8] =	ssyncset.s32 @!p0 $0xFFFFF086;
	s6 =	sadd.s32 @!p0 s3, s7;
	s7 =	simm.s32 @!p0 $0x108  }
0x21: {  	s3 =	sadd.s32 s3, s9;
	s6 =	sadd.s32 @!p0 $0x88, s6;
	s7 =	simm.s32 @p2 $0x1082  }
0x22: {  	[simem:s7], [sflag:s8] =	dma.local @!p0 [hbm:s6], $0xF7A  }
0x23: {  	s9 =	sor.u32 $0xD0000000, s2;
	s6 =	simm.s32 $0x108;
	_ =	swait.ge @!p0 [sflag:s8], $0x0  }
0x24: {  	s3 =	sadd.s32 $0x88, s3;
	s6 =	simm.s32 @!p1 $0x1082;
	[sflag:s4] =	ssyncset.s32 $0xFFFFF086  }
0x25: {  	[simem:s6], [sflag:s4] =	dma.local [hbm:s3], $0xF7A  }
0x26: {  	[smem:$0x3F9D] =	sst s1;
	(tag) =	ssettag s2;
	_ =	strace s9  }
0x27: {  	s1 =	sld [smem:$0x3FAD]  }
0x28: {  	s2 =	sld [smem:$0x3FAE]  }
0x29: {  	s4 =	sld [smem:$0x3FB0]  }
0x2a: {  	p0 =	seq.s32 s5, $0x0;
	s5 =	sld [smem:$0x3FB1]  }
0x2b: {  	s6 =	sld [smem:$0x3FB2]  }
0x2c: {  	s7 =	sld [smem:$0x3FB3]  }
0x2d: {  	s3 =	simm.s32 $0x108;
	s8 =	sld [smem:$0x3FB4]  }
0x2e: {  	s3 =	simm.s32 @!p0 $0x1082;
	s9 =	sld [smem:$0x3FB5]  }
0x2f: {  	lr =	sadd.s32 s0, s3;
	s0 =	sld [smem:$0x3FAC]  }
0x30: {  	s3 =	sld [smem:$0x3FAF]  }
0x31: {  	[smem:$0x3FB8] =	sst s10  }
0x32: {  	s10 =	sld [smem:$0x3FB6];
	_ =	sdelay $0x3  }
0x33: {  	p0 =	seq.s32 s10, $0x1;
	s10 =	sld [smem:$0x3FB8];
	_ =	sdelay $0x3  }
0x34: {  	[smem:$0x3FB8] =	sst s10  }
0x35: {  	s10 =	sld [smem:$0x3FB7];
	_ =	sdelay $0x3  }
0x36: {  	p1 =	seq.s32 s10, $0x1;
	s10 =	sld [smem:$0x3FB8];
	_ =	sdelay $0x3  }
0x37: {  	[smem:$0x3FB8] =	sst s10  }
0x38: {  	s10 =	sld [smem:$0x3FB9]  }
0x39: {  	_ = 	snop;
	(pc) =	sbr.ind lr, $3  }
0x3a: {  	_ = 	snop  }
0x3b: {  	_ = 	snop  }
0x3c: {  	p2 =	seq.s32 s10, $0x1;
	s10 =	sld [smem:$0x3FB8]  }
0x3d: {  	_ =	shalt  }
0x3e: {  	_ =	shalt  }
0x3f: {  	_ =	shalt  }
0x40: {  	_ =	shalt  }
0x41: {  	_ =	shalt  }
0x42: {  	_ =	shalt  }
0x43: {  	_ =	shalt  }
0x44: {  	_ =	shalt  }
0x45: {  	_ =	shalt  }
0x46: {  	_ =	shalt  }
0x47: {  	_ =	shalt  }
0x48: {  	_ =	shalt  }
0x49: {  	_ =	shalt  }
0x4a: {  	_ =	shalt  }
0x4b: {  	_ =	shalt  }
0x4c: {  	_ =	shalt  }
0x4d: {  	_ =	shalt  }
0x4e: {  	_ =	shalt  }
0x4f: {  	_ =	shalt  }
0x50: {  	_ =	shalt  }
0x51: {  	_ =	shalt  }
0x52: {  	_ =	shalt  }
0x53: {  	_ =	shalt  }
0x54: {  	_ =	shalt  }
0x55: {  	_ =	shalt  }
0x56: {  	_ =	shalt  }
0x57: {  	_ =	shalt  }
0x58: {  	_ =	shalt  }
0x59: {  	_ =	shalt  }
0x5a: {  	_ =	shalt  }
0x5b: {  	_ =	shalt  }
0x5c: {  	_ =	shalt  }
0x5d: {  	_ =	shalt  }
0x5e: {  	_ =	shalt  }
0x5f: {  	_ =	shalt  }
0x60: {  	_ =	shalt  }
0x61: {  	_ =	shalt  }
0x62: {  	_ =	shalt  }
0x63: {  	_ =	shalt  }
0x64: {  	_ =	shalt  }
0x65: {  	_ =	shalt  }
0x66: {  	_ =	shalt  }
0x67: {  	_ =	shalt  }
0x68: {  	_ =	shalt  }
0x69: {  	_ =	shalt  }
0x6a: {  	_ =	shalt  }
0x6b: {  	_ =	shalt  }
0x6c: {  	_ =	shalt  }
0x6d: {  	_ =	shalt  }
0x6e: {  	_ =	shalt  }
0x6f: {  	_ =	shalt  }
0x70: {  	_ =	shalt  }
0x71: {  	_ =	shalt  }
0x72: {  	_ =	shalt  }
0x73: {  	_ =	shalt  }
0x74: {  	_ =	shalt  }
0x75: {  	_ =	shalt  }
0x76: {  	_ =	shalt  }
0x77: {  	_ =	shalt  }
0x78: {  	_ =	shalt  }
0x79: {  	_ =	shalt  }
0x7a: {  	_ =	shalt  }
0x7b: {  	_ =	shalt  }
0x7c: {  	_ =	shalt  }
0x7d: {  	_ =	shalt  }
0x7e: {  	_ =	shalt  }
0x7f: {  	_ =	shalt  }
0x80: {  	_ =	shalt  }
0x81: {  	_ =	shalt  }
0x82: {  	_ =	shalt  }
0x83: {  	_ =	shalt  }
0x84: {  	_ =	shalt  }
0x85: {  	_ =	shalt  }
0x86: {  	_ =	shalt  }
0x87: {  	_ =	shalt  }
.Lfunc_end0:
.L_simem_size_0:
called_computation_lowered:
.L_overlay_start_0:
0x88: {  	s2 =	sld [smem:$0x3FD9]  }
0x89: {  	s3 =	sld [smem:$0x3FFE];
	_ =	sdelay $0x1  }
0x8a: {  	s1 =	srdreg.scid  }
0x8b: {  	s0 =	sand.u32 $0x1, s1  }
0x8c: {  	s17 =	sshll.u32 s0, $0xA;
	s2 =	sadd.s32 s3, s2  }
0x8d: {  	s2 =	sadd.s32 s2, s17  }
0x8e: {  	[smem:$0x3FC4] =	sst s2  }
0x8f: {  	_ = 	snop  }
0x90: {  	s2 =	sld [smem:$0x3FC9]  }
0x91: {  	s18 =	sld [smem:$0x3FC8]  }
0x92: {  	s4 =	sld [smem:$0x3FC7]  }
0x93: {  	s5 =	sld [smem:$0x3FD0];
	(tm) =	ssettm $0x1  }
0x94: {  	s6 =	sld [smem:$0x3FFB];
	_ =	sdelay $0x3  }
0x95: {  	_ =	strace s6  }
0x96: {  	s6 =	sld [smem:$0x3FFC];
	_ =	sdelay $0x3  }
0x97: {  	_ =	strace s6  }
0x98: {  	s6 =	sld [smem:$0x3FFD];
	_ =	sdelay $0x3  }
0x99: {  	_ =	strace s6  }
0x9a: {  	_ =	strace $0x8FFFFFFF  }
0x9b: {  	s19 =	sld [smem:$0x3FDB];
	_ =	sdelay $0x1  }
0x9c: {  	s7 =	simm.s32 $_scs_section_size  }
0x9d: {  	s8 =	simm.s32 $_size__tile_overlayer_lowered;
	s9 =	simm.s32 $_tile_overlayer_lowered  }
0x9e: {  	s22 =	simm.s32 $0x1BFF;
	s21 =	sshll.u32 s9, $0x1;
	s6 =	sadd.s32 s7, s19  }
0x9f: {  	s10 =	simm.s32 $0x0;
	s20 =	sshll.u32 s8, $0x1;
	s8 =	sadd.s32 s21, s6  }
0xa0: {  	[timem:s10], [sflag:s22] =	dma.local [hbm:s8], s20  }
0xa1: {  	_ =	swait.ge [sflag:s22], s20  }
0xa2: {  	s7 =	ssub.s32 $0x0, s20;
	[sflag:s22] =	ssyncset.done $0x0  }
0xa3: {  	[sflag:s22] =	ssyncadd.s32 s7;
	_ =	sdelay $0x1  }
0xa4: {  	s23 =	simm.s32 $0x1B8B  }
0xa5: {  	_ =	swait.ge [sflag:s23], $0x1  }
0xa6: {  	[sflag:s23] =	ssyncset.done $0x0  }
0xa7: {  	s25 =	simm.s32 $0x1B8E;
	s24 =	sld [smem:$0x3FFE];
	[sflag:s23] =	ssyncadd.s32 $0xFFFFFFFF  }
0xa8: {  	s26 =	simm.s32 $execute0_lowered;
	[smem:$0x3FD2] =	sst s25  }
0xa9: {  	s8 =	sshll.u32 s26, $0x1;
	_ =	strace $0x80000046;
	[dreg:$0x1] =	wrdreg $0xFFFFFFFF  }
0xaa: {  	s28 =	simm.s32 $_size_execute0_lowered;
	s6 =	sadd.s32 s6, s8;
	[dreg:$0x0] =	wrdreg $0x0  }
0xab: {  	s8 =	sshll.u32 s28, $0x1;
	[dreg:$0x2] =	wrdreg s6  }
0xac: {  	[dreg:$0x3] =	wrdreg s8  }
0xad: {  	[dreg:$0x4] =	wrdreg $0xC0  }
0xae: {  	_ =	task [dreg:s10], $0x5FFFF  }
0xaf: {  	[dreg:$0x1] =	wrdreg $0xFFFFFFFF  }
0xb0: {  	[dreg:$0x0] =	wrdreg $0x60  }
0xb1: {  	[dreg:$0x2] =	wrdreg s2  }
0xb2: {  	[dreg:$0x3] =	wrdreg s18  }
0xb3: {  	[dreg:$0x4] =	wrdreg s4  }
0xb4: {  	[dreg:$0x5] =	wrdreg s5  }
0xb5: {  	[dreg:$0x6] =	wrdreg s24  }
0xb6: {  	[dreg:$0x7] =	wrdreg $0x9  }
0xb7: {  	_ =	task.clear_ibuf [dreg:s10], $0x8FFFF;
	_ =	strace $0x90000046  }
0xb8: {  	s29 =	simm.s32 $0x9;
	_ =	strace $0x80000048  }
0xb9: {  	_ =	swait.ge [sflag:s29], $0x1  }
0xba: {  	[sflag:s29] =	ssyncadd.s32 $0xFFFFFFFF  }
0xbb: {  	_ =	strace $0x90000048  }
0xbc: {  	_ =	sfence  }
0xbd: {  	s30 =	sld [smem:$0x0];
	_ =	sdelay $0x2  }
0xbe: {  	s31 =	sshll.u32 s1, $0xD;
	s1 =	sshrl.u32 s1, $0x2  }
0xbf: {  	s3 =	sand.u32 $0x4000, s31;
	s1 =	sadd.s32 s1, s30  }
0xc0: {  	s0 =	sor.u32 s3, s0;
	s1 =	sshll.u32 s1, $0x11  }
0xc1: {  	s0 =	sor.u32 s1, s0  }
0xc2: {  	s0 =	sadd.s32 $0x8F2B, s0  }
0xc3: {  	[sflag:s0] =	ssyncadd.remote.s32 $0x1  }
0xc4: {  	_ =	sfence.sel $0xFFFF  }
0xc5: {  	[dreg:$0x0] =	wrdreg $0xFFFFFFFF;
	(pc) =	sbr.abs _section_cstart, $3  }
0xc6: {  	[dreg:$0x1] =	wrdreg $0xFFFFFFFF  }
0xc7: {  	_ =	task.clear_ibuf [dreg:s10], $0x2FFFF;
	_ =	strace $0x9FFFFFFF  }
0xc8: {  	(tm) =	ssettm $0x7FFFFFFF  }
0xc9: {  	_ =	shalt  }
tec
execute0_lowered:
.L_overlay_start_1:
0x0: {  	(tag) =	ssettag $0x1  }
0x1: {  	v2 =	vlaneseq.u32;
	v3 =	vimm.s32 $0x0  }
0x2: {  	v4 =	vimm.s32 $0x1;
	v5 =	vimm.s32 $0x1780;
	vm14 =	vcmask $0x300  }
0x3: {  	v6 =	vimm.s32 $0x2380;
	vm13 =	vcmask $0x704;
	vm12 =	vcmask $0xB08  }
0x4: {  	vm11 =	vcmask $0xF0C;
	vm10 =	vcmask $0x1310;
	vm9 =	vcmask $0x1714  }
0x5: {  	vm8 =	vcmask $0x1B18;
	vm7 =	vcmask $0x1F1C;
	vm6 =	vcmask $0x2320  }
0x6: {  	vm5 =	vcmask $0x2724;
	vm4 =	vcmask $0x2B28;
	vm3 =	vcmask $0x2F2C  }
0x7: {  	vm2 =	vcmask $0x3330;
	vm1 =	vcmask $0x3734;
	vm0 =	vcmask $0x3B38  }
0x8: {  	v7 =	vimm.s32 $0x3F80;
	v8 =	vimm.s32 $0x6380;
	v9 =	vimm.s32 $0x6780  }
0x9: {  	v11 =	vimm.s32 $0xA380;
	v12 =	vimm.s32 $0x8F80;
	v13 =	vimm.s32 $0xE380  }
0xa: {  	v5 =	vsel vm14, $0x0, v5;
	v6 =	vsel vm14, $0x0, v6;
	v7 =	vsel vm14, $0x2800, v7  }
0xb: {  	v8 =	vsel vm14, $0x4000, v8;
	v9 =	vsel vm14, $0x5000, v9;
	v11 =	vsel vm14, $0x8000, v11  }
0xc: {  	v12 =	vsel vm14, $0x7800, v12;
	v13 =	vsel vm14, $0xC000, v13;
	v5 =	vsel vm13, $0x80, v5  }
0xd: {  	v6 =	vsel vm13, $0x80, v6;
	v7 =	vsel vm13, $0x2880, v7;
	v8 =	vsel vm13, $0x4080, v8  }
0xe: {  	v9 =	vsel vm13, $0x5080, v9;
	v11 =	vsel vm13, $0x8080, v11;
	v12 =	vsel vm13, $0x7880, v12  }
0xf: {  	v13 =	vsel vm13, $0xC080, v13;
	v5 =	vsel vm12, $0x100, v5;
	v6 =	vsel vm12, $0x100, v6  }
0x10: {  	v7 =	vsel vm12, $0x2900, v7;
	v8 =	vsel vm12, $0x4100, v8;
	v9 =	vsel vm12, $0x5100, v9  }
0x11: {  	s0 =	srdreg.scid;
	s1 =	stileid.u32;
	v11 =	vsel vm12, $0x8100, v11;
	v12 =	vsel vm12, $0x7900, v12;
	v13 =	vsel vm12, $0xC100, v13  }
0x12: {  	s5 =	sand.u32 $0x1, s0;
	s24 =	sshll.u32 s1, $0x1;
	v5 =	vsel vm11, $0x180, v5;
	v6 =	vsel vm11, $0x180, v6;
	v7 =	vsel vm11, $0x2980, v7  }
0x13: {  	s7 =	rddreg [dreg:$0x0];
	s0 =	sor.u32 s5, s24;
	v8 =	vsel vm11, $0x4180, v8;
	v9 =	vsel vm11, $0x5180, v9;
	v11 =	vsel vm11, $0x8180, v11  }
0x14: {  	s3 =	simm.s32 $0x7B;
	s10 =	rddreg [dreg:$0x1];
	s25 =	smul.u32 $0x7A, s0;
	v12 =	vsel vm11, $0x7980, v12;
	v13 =	vsel vm11, $0xC180, v13;
	v5 =	vsel vm10, $0x200, v5  }
0x15: {  	s6 =	rddreg [dreg:$0x4];
	p0 =	slt.u32 s0, $0x3;
	s2 =	smin.u32 s0, $0x3;
	v6 =	vsel vm10, $0x200, v6;
	v7 =	vsel vm10, $0x2A00, v7;
	v8 =	vsel vm10, $0x4200, v8  }
0x16: {  	s8 =	simm.s32 $0x0;
	s3 =	simm.s32 @!p0 $0x7A;
	s1 =	sadd.s32 s2, s25;
	v9 =	vsel vm10, $0x5200, v9;
	v11 =	vsel vm10, $0x8200, v11;
	v12 =	vsel vm10, $0x7A00, v12  }
0x17: {  	[smem:$0x7FF] =	sst s8;
	v13 =	vsel vm10, $0xC200, v13;
	s4 =	sadd.s32 s3, s1;
	v5 =	vsel vm9, $0x280, v5;
	v6 =	vsel vm9, $0x280, v6  }
0x18: {  	s26 =	sadd.s32 $0x400, s6;
	s8 =	simm.s32 $0x1;
	v7 =	vsel vm9, $0x2A80, v7;
	v8 =	vsel vm9, $0x4280, v8;
	v9 =	vsel vm9, $0x5280, v9;
	s4 =	sshll.u32 s4, $0x8  }
0x19: {  	s11 =	sadd.s32 $0x100, s7;
	s2 =	sshll.u32 s1, $0x8;
	v11 =	vsel vm9, $0x8280, v11;
	v12 =	vsel vm9, $0x7A80, v12;
	v1 =	vmov s4;
	s4 =	rddreg [dreg:$0x2]  }
0x1a: {  	s29 =	sadd.s32 $0x100, s10;
	v13 =	vsel vm9, $0xC280, v13;
	v0 =	vmov s2;
	v5 =	vsel vm8, $0x300, v5;
	_ =	strace $0x80000047;
	[dreg:$0x8] =	wrdreg s26  }
0x1b: {  	s30 =	sadd.s32 $0x200, s7;
	s31 =	sadd.s32 $0x200, s10;
	v6 =	vsel vm8, $0x300, v6;
	v7 =	vsel vm8, $0x2B00, v7;
	v8 =	vsel vm8, $0x4300, v8;
	[dreg:$0x9] =	wrdreg s11  }
0x1c: {  	s12 =	sadd.s32 $0x300, s10;
	p0 =	seq.s32 s0, $0x1F;
	v9 =	vsel vm8, $0x5300, v9;
	v11 =	vsel vm8, $0x8300, v11;
	v12 =	vsel vm8, $0x7B00, v12;
	[dreg:$0xa] =	wrdreg s29  }
0x1d: {  	s5 =	ssub.s32 $0x2, s5;
	s8 =	simm.s32 @!p0 $0x0;
	v13 =	vsel vm8, $0xC300, v13;
	v5 =	vsel vm7, $0x380, v5;
	v6 =	vsel vm7, $0x380, v6;
	[dreg:$0xb] =	wrdreg s30  }
0x1e: {  	s28 =	sshrl.u32 s5, $0x1;
	s14 =	ssub.s32 s3, s8;
	v7 =	vsel vm7, $0x2B80, v7;
	v8 =	vsel vm7, $0x4380, v8;
	v9 =	vsel vm7, $0x5380, v9;
	[dreg:$0xc] =	wrdreg s31  }
0x1f: {  	s5 =	ssub.s32 s5, s28;
	s13 =	sshll.u32 s14, $0x8;
	[dreg:$0xe] =	wrdreg s12;
	v11 =	vsel vm7, $0x8380, v11;
	v12 =	vsel vm7, $0x7B80, v12;
	v13 =	vsel vm7, $0xC380, v13  }
0x20: {  	s15 =	smax.u32 s5, $0x1;
	[dreg:$0x7] =	wrdreg s13;
	v5 =	vsel vm6, $0x1400, v5;
	v6 =	vsel vm6, $0x2000, v6;
	v7 =	vsel vm6, $0x3C00, v7  }
0x21: {  	s16 =	sadd.s32 $0x480, s6;
	[dreg:$0x10] =	wrdreg s15;
	v8 =	vsel vm6, $0x6000, v8;
	v9 =	vsel vm6, $0x6400, v9;
	v11 =	vsel vm6, $0xA000, v11  }
0x22: {  	s17 =	sadd.s32 $0x500, s6;
	[dreg:$0x11] =	wrdreg s16;
	v12 =	vsel vm6, $0x8C00, v12;
	v13 =	vsel vm6, $0xE000, v13;
	v5 =	vsel vm5, $0x1480, v5  }
0x23: {  	s18 =	sadd.s32 $0x580, s6;
	[dreg:$0x12] =	wrdreg s17;
	v6 =	vsel vm5, $0x2080, v6;
	v7 =	vsel vm5, $0x3C80, v7;
	v8 =	vsel vm5, $0x6080, v8  }
0x24: {  	s19 =	sadd.s32 $0x600, s6;
	[dreg:$0x13] =	wrdreg s18;
	v9 =	vsel vm5, $0x6480, v9;
	v11 =	vsel vm5, $0xA080, v11;
	v12 =	vsel vm5, $0x8C80, v12  }
0x25: {  	s20 =	sadd.s32 $0x680, s6;
	[dreg:$0x14] =	wrdreg s19;
	v13 =	vsel vm5, $0xE080, v13;
	v5 =	vsel vm4, $0x1500, v5;
	v6 =	vsel vm4, $0x2100, v6  }
0x26: {  	s9 =	sadd.s32 $0x800, s6;
	s21 =	sadd.s32 $0x700, s6;
	[dreg:$0x15] =	wrdreg s20;
	v7 =	vsel vm4, $0x3D00, v7;
	v8 =	vsel vm4, $0x6100, v8;
	v9 =	vsel vm4, $0x6500, v9  }
0x27: {  	s22 =	sadd.s32 $0x780, s6;
	s23 =	sadd.s32 $0x400, s7;
	[dreg:$0x16] =	wrdreg s21;
	v11 =	vsel vm4, $0xA100, v11;
	v12 =	vsel vm4, $0x8D00, v12;
	v13 =	vsel vm4, $0xE100, v13  }
0x28: {  	s24 =	sadd.s32 $0x400, s10;
	s28 =	sadd.s32 $0x600, s7;
	[dreg:$0x17] =	wrdreg s22;
	v5 =	vsel vm3, $0x1580, v5;
	v6 =	vsel vm3, $0x2180, v6;
	v7 =	vsel vm3, $0x3D80, v7  }
0x29: {  	p0 =	sne.s32 s0, $0x1F;
	s25 =	sadd.s32 $0x500, s7;
	[dreg:$0x18] =	wrdreg s23;
	v8 =	vsel vm3, $0x6180, v8;
	v9 =	vsel vm3, $0x6580, v9;
	v11 =	vsel vm3, $0xA180, v11  }
0x2a: {  	s3 =	simm.s32 $0xC480;
	s8 =	simm.s32 $0x3;
	[dreg:$0x19] =	wrdreg s24;
	v12 =	vsel vm3, $0x8D80, v12;
	v13 =	vsel vm3, $0xE180, v13;
	v5 =	vsel vm2, $0x1600, v5  }
0x2b: {  	s11 =	sadd.s32 $0x300, s7;
	[dreg:$0x1a] =	wrdreg s25;
	s26 =	sadd.s32 $0x500, s10;
	v6 =	vsel vm2, $0x2200, v6;
	v7 =	vsel vm2, $0x3E00, v7;
	v8 =	vsel vm2, $0x6200, v8  }
0x2c: {  	[dreg:$0x1c] =	wrdreg s28;
	s29 =	sadd.s32 $0x600, s10;
	s30 =	sadd.s32 $0x700, s7;
	v9 =	vsel vm2, $0x6600, v9;
	v11 =	vsel vm2, $0xA200, v11;
	v12 =	vsel vm2, $0x8E00, v12  }
0x2d: {  	s31 =	sadd.s32 $0x700, s10;
	s10 =	simm.s32 $0x2200;
	[dreg:$0xd] =	wrdreg s11;
	v13 =	vsel vm2, $0xE200, v13;
	v5 =	vsel vm1, $0x1680, v5;
	v6 =	vsel vm1, $0x2280, v6  }
.Ltmp0:
0x2e: {  	s12 =	simm.s32 $0x1900;
	[dreg:$0x1b] =	wrdreg s26;
	v7 =	vsel vm1, $0x3E80, v7;
	v8 =	vsel vm1, $0x6280, v8;
	v10 =	vsel vm1, $0x6680, v9;
	(pc) =	sbr.rel .LBB2_1-.Ltmp0, $4  }
0x2f: {  	s13 =	simm.s32 $0x1D80;
	s15 =	simm.s32 $0x2480;
	[dreg:$0x1d] =	wrdreg s29;
	v9 =	vor.u32 $0x10, v2;
	v11 =	vsel vm1, $0xA280, v11;
	v12 =	vsel vm1, $0x8E80, v12  }
0x30: {  	s16 =	simm.s32 $0x1C480;
	s18 =	simm.s32 $0x1D480;
	[dreg:$0x1e] =	wrdreg s30;
	v13 =	vsel vm1, $0xE280, v13;
	v5 =	vsel vm0, $0x1700, v5;
	v6 =	vsel vm0, $0x2300, v6  }
0x31: {  	s17 =	simm.s32 $0x0;
	s2 =	sadd.s32 s4, s2;
	[dreg:$0x1f] =	wrdreg s31;
	v7 =	vsel vm0, $0x3F00, v7;
	v8 =	vsel vm0, $0x6300, v8;
	v10 =	vsel vm0, $0x6700, v10  }
0x32: {  	s11 =	simm.s32 $0x2380;
	[dreg:$0xf] =	wrdreg s2;
	s2 =	simm.s32 $0x1;
	v11 =	vsel vm0, $0xA300, v11;
	v12 =	vsel vm0, $0x8F00, v12;
	v13 =	vsel vm0, $0xE300, v13  }
.LBB2_45:
0x33: {  	_ = 	snop  }
.LBB2_50:
0x34: {  	_ =	sdelay $0x3  }
0x35: {  	s0 =	sadd.s32 s0, s6;
	[tilespmem:v24+s16+$0x0] =	vst.idx.msk @p1 $0xffff, v23  }
0x36: {  	s0 =	sshll.u32 s0, $0x7;
	[tilespmem:v22+s18+$0x0] =	vst.idx.msk $0x1, v16  }
0x37: {  	v62 =	vor.u32 s0, v2;
	v16 =	vld.idx.msk [tilespmem:v19+s16+$0x0], $0xffff;
	_ =	sdelay $0x4  }
0x38: {  	[tilespmem:v62+s16+$0x0] =	vst.idx.msk $0xffff, v16  }
0x39: {  	v63 =	vor.u32 s0, v9;
	v16 =	vld.idx.msk [tilespmem:v17+s16+$0x0], $0xffff;
	_ =	sdelay $0x4  }
0x3a: {  	[tilespmem:v63+s16+$0x0] =	vst.idx.msk $0xffff, v16  }
0x3b: {  	v15 =	vor.u32 s0, v15;
	v16 =	vld.idx.msk [tilespmem:v20+s16+$0x0], $0xffff;
	_ =	sdelay $0x4  }
0x3c: {  	[tilespmem:v15+s16+$0x0] =	vst.idx.msk $0xffff, v16  }
0x3d: {  	v14 =	vor.u32 s0, v14;
	v15 =	vld.idx.msk [tilespmem:v18+s16+$0x0], $0xffff;
	_ =	sdelay $0x4  }
0x3e: {  	[tilespmem:v14+s16+$0x0] =	vst.idx.msk $0xffff, v15  }
.LBB2_51:
0x3f: {  	s0 =	sshll.u32 s20, $0xB;
	s5 =	sshll.u32 s20, $0x7  }
0x40: {  	s6 =	simm.s32 $0x10;
	s0 =	sor.u32 $0x1C480, s0;
	s5 =	sadd.s32 $0x1D480, s5  }
0x41: {  	[hbm4b:s9+s6] =	stream.indirect.scatter [tilespmem:s0], [sflag:$0x3], $0x80, s5, s6, $0xb8;
	[tilespmem:$0x1D580] =	vst v63  }
0x42: {  	_ =	swait.ge [sflag:s8], $0x800  }
0x43: {  	[sflag:s8] =	ssyncset.done $0x0  }
0x44: {  	[sflag:s8] =	ssyncadd.s32 $0xFFFFF800  }
.LBB2_52:
0x45: {  	s17 =	sadd.s32 $0x1, s17;
	s0 =	rddreg [dreg:$0x10]  }
0x46: {  	p1 =	sne.s32 s17, s0  }
.Ltmp1:
0x47: {  	_ = 	snop;
	(pc) =	sbr.rel @!p1 .LBB2_53-.Ltmp1, $1  }
0x48: {  	_ =	sdelay $0x3  }
.LBB2_1:
0x49: {  	s0 =	rddreg [dreg:$0x3];
	s6 =	simm.s32 $0x0  }
0x4a: {  	[tilespmem:s3], [sflag:$0x3] =	stream.linear.gather [hbm4b:s0+s6], $0x10000, $0x38;
	[tilespmem:$0x1D580] =	vst v63  }
0x4b: {  	_ =	swait.ge [sflag:s8], $0x10000  }
0x4c: {  	[sflag:s8] =	ssyncset.done $0x0  }
0x4d: {  	s5 =	simm.s32 $0x3480;
	s26 =	rddreg [dreg:$0x8];
	[sflag:s8] =	ssyncadd.s32 $0xFFFF0000  }
0x4e: {  	[tilespmem:s5], [sflag:$0x3] =	stream.linear.gather [hbm4b:s26+s6], $0x400, $0x38;
	[tilespmem:$0x1D580] =	vst v63  }
0x4f: {  	s29 =	simm.s32 $0x4880;
	s28 =	rddreg [dreg:$0x11]  }
0x50: {  	[tilespmem:s29], [sflag:$0x3] =	stream.linear.gather [hbm4b:s28+s6], $0x400, $0x38;
	[tilespmem:$0x1D580] =	vst v63  }
0x51: {  	s31 =	simm.s32 $0x5C80;
	s30 =	rddreg [dreg:$0x12]  }
0x52: {  	[tilespmem:s31], [sflag:$0x3] =	stream.linear.gather [hbm4b:s30+s6], $0x400, $0x38;
	[tilespmem:$0x1D580] =	vst v63  }
0x53: {  	s19 =	simm.s32 $0x7080;
	s7 =	rddreg [dreg:$0x13]  }
0x54: {  	[tilespmem:s19], [sflag:$0x3] =	stream.linear.gather [hbm4b:s7+s6], $0x400, $0x38;
	[tilespmem:$0x1D580] =	vst v63  }
0x55: {  	s21 =	simm.s32 $0x8480;
	s20 =	rddreg [dreg:$0x14]  }
0x56: {  	[tilespmem:s21], [sflag:$0x3] =	stream.linear.gather [hbm4b:s20+s6], $0x400, $0x38;
	[tilespmem:$0x1D580] =	vst v63  }
0x57: {  	s23 =	simm.s32 $0x9880;
	s22 =	rddreg [dreg:$0x15]  }
0x58: {  	[tilespmem:s23], [sflag:$0x3] =	stream.linear.gather [hbm4b:s22+s6], $0x400, $0x38;
	[tilespmem:$0x1D580] =	vst v63  }
0x59: {  	s25 =	simm.s32 $0xAC80;
	s24 =	rddreg [dreg:$0x16]  }
0x5a: {  	[tilespmem:s25], [sflag:$0x3] =	stream.linear.gather [hbm4b:s24+s6], $0x400, $0x38;
	[tilespmem:$0x1D580] =	vst v63  }
0x5b: {  	s26 =	rddreg [dreg:$0x17];
	s28 =	simm.s32 $0xC080  }
0x5c: {  	[tilespmem:s28], [sflag:$0x3] =	stream.linear.gather [hbm4b:s26+s6], $0x400, $0x38;
	[tilespmem:$0x1D580] =	vst v63  }
0x5d: {  	_ =	swait.ge [sflag:s8], $0x2000  }
0x5e: {  	[sflag:s8] =	ssyncset.done $0x0  }
0x5f: {  	[sflag:s8] =	ssyncadd.s32 $0xFFFFE000  }
0x60: {  	s29 =	rddreg [dreg:$0x0]  }
0x61: {  	[tilespmem:s6], [sflag:$0x3] =	stream.linear.gather [hbm4b:s29+s6], $0x800, $0x38;
	[tilespmem:$0x1D580] =	vst v63  }
0x62: {  	_ =	swait.ge [sflag:s8], $0x800  }
0x63: {  	[sflag:s8] =	ssyncset.done $0x0  }
0x64: {  	[sflag:s8] =	ssyncadd.s32 $0xFFFFF800  }
0x65: {  	s30 =	simm.s32 $0x800;
	s31 =	rddreg [dreg:$0x1]  }
0x66: {  	[tilespmem:s30], [sflag:$0x3] =	stream.linear.gather [hbm4b:s31+s6], $0x800, $0x38;
	[tilespmem:$0x1D580] =	vst v63  }
0x67: {  	_ =	swait.ge [sflag:s8], $0x800  }
0x68: {  	[sflag:s8] =	ssyncset.done $0x0  }
0x69: {  	[sflag:s8] =	ssyncadd.s32 $0xFFFFF800  }
0x6a: {  	v14 =	vld [tilespmem:s6+$0x0];
	_ =	sdelay $0x4  }
0x6b: {  	vm0 =	vge.s32 v14, v0;
	vm1 =	vlt.s32 v14, v1  }
0x6c: {  	vm0 =	vmand vm0, vm1  }
0x6d: {  	v15 =	vsel vm0, $0x1, v3  }
0x6e: {  	(xrf0) =	vadd.scan.msk.s32 $0xffff, v15;
	_ =	sdelay $0x5  }
0x6f: {  	v15, _, _ =	vpop (xrf0)  }
0x70: {  	v14 =	vsub.s32 v14, v0;
	(v2sf) =	vpush v15, $0xF;
	v15 =	vld [tilespmem:s30+$0x0]  }
0x71: {  	v14 =	vshll.u32 v14, $0xE  }
0x72: {  	v14 =	vadd.s32 s6, v14  }
0x73: {  	v14 =	vadd.s32 v2, v14  }
0x74: {  	[tilespmem:s6+$0x1000] =	vst.msk vm0, v14  }
0x75: {  	s0 =	simm.s32 $0x10;
	[tilespmem:s6+$0x1480] =	vst.msk vm0, v15  }
0x76: {  	v14 =	vld [tilespmem:s0+$0x0];
	_ =	sdelay $0x4  }
0x77: {  	vm0 =	vge.s32 v14, v0;
	vm1 =	vlt.s32 v14, v1  }
0x78: {  	vm0 =	vmand vm0, vm1  }
0x79: {  	v15 =	vsel vm0, $0x1, v3  }
0x7a: {  	(xrf0) =	vadd.scan.msk.s32 $0xffff, v15  }
0x7b: {  	v14 =	vsub.s32 v14, v0  }
0x7c: {  	s5 =	simm.s32 $0x810;
	v14 =	vshll.u32 v14, $0xE  }
0x7d: {  	v14 =	vadd.s32 s0, v14;
	v15 =	vld [tilespmem:s5+$0x0]  }
0x7e: {  	s20 =	simm.s32 $0x0;
	s6 =	simm.s32 $0x20;
	v14 =	vadd.s32 v2, v14;
	s19 =	spop (v2sf)  }
.LBB2_2:
0x7f: {  	p1 =	sne.s32 s6, $0x7F0  }
0x80: {  	v16, _, _ =	vpop (xrf0);
	s20 =	sadd.s32 s20, s19;
	s19 =	smov.u32 s6;
	s6 =	sadd.s32 $0x10, s6  }
0x81: {  	[tilespmem:s20+$0x1000] =	vst.msk vm0, v14;
	(v2sf) =	vpush v16, $0xF  }
0x82: {  	s0 =	sadd.s32 $0x10, s0;
	[tilespmem:s20+$0x1480] =	vst.msk vm0, v15  }
0x83: {  	v14 =	vld [tilespmem:s0+$0x0];
	_ =	sdelay $0x4  }
0x84: {  	vm0 =	vge.s32 v14, v0;
	vm1 =	vlt.s32 v14, v1;
	v14 =	vsub.s32 v14, v0  }
0x85: {  	vm0 =	vmand vm0, vm1;
	v14 =	vshll.u32 v14, $0xE  }
0x86: {  	v14 =	vadd.s32 s19, v14;
	v15 =	vsel vm0, $0x1, v3  }
0x87: {  	v14 =	vadd.s32 v2, v14;
	(xrf0) =	vadd.scan.msk.s32 $0xffff, v15  }
.Ltmp2:
0x88: {  	(pc) =	sbr.rel @p1 .LBB2_2-.Ltmp2, $3  }
0x89: {  	s5 =	sadd.s32 $0x10, s5  }
0x8a: {  	v15 =	vld [tilespmem:s5+$0x0];
	_ =	sdelay $0x1  }
0x8b: {  	s19 =	spop (v2sf)  }
0x8c: {  	v16, _, _ =	vpop (xrf0)  }
0x8d: {  	(v2sf) =	vpush v16, $0xF;
	_ =	sdelay $0xa  }
0x8e: {  	s0 =	sadd.s32 s20, s19  }
0x8f: {  	[tilespmem:s0+$0x1000] =	vst.msk vm0, v14  }
0x90: {  	s6 =	simm.s32 $0x0;
	s7 =	rddreg [dreg:$0x9];
	[tilespmem:s0+$0x1480] =	vst.msk vm0, v15  }
0x91: {  	[tilespmem:s6], [sflag:$0x3] =	stream.linear.gather [hbm4b:s7+s6], $0x800, $0x38;
	[tilespmem:$0x1D580] =	vst v63  }
0x92: {  	s5 =	spop (v2sf)  }
0x93: {  	_ =	swait.ge [sflag:s8], $0x800  }
0x94: {  	[sflag:s8] =	ssyncset.done $0x0  }
0x95: {  	s30 =	simm.s32 $0x800;
	s31 =	rddreg [dreg:$0xa];
	[sflag:s8] =	ssyncadd.s32 $0xFFFFF800  }
0x96: {  	[tilespmem:s30], [sflag:$0x3] =	stream.linear.gather [hbm4b:s31+s6], $0x800, $0x38;
	[tilespmem:$0x1D580] =	vst v63  }
0x97: {  	_ =	swait.ge [sflag:s8], $0x800  }
0x98: {  	[sflag:s8] =	ssyncset.done $0x0  }
0x99: {  	[sflag:s8] =	ssyncadd.s32 $0xFFFFF800  }
0x9a: {  	v14 =	vld [tilespmem:s6+$0x0];
	_ =	sdelay $0x4  }
0x9b: {  	vm0 =	vge.s32 v14, v0;
	vm1 =	vlt.s32 v14, v1  }
0x9c: {  	vm0 =	vmand vm0, vm1  }
0x9d: {  	v15 =	vsel vm0, $0x1, v3  }
0x9e: {  	(xrf0) =	vadd.scan.msk.s32 $0xffff, v15;
	_ =	sdelay $0x5  }
0x9f: {  	v15, _, _ =	vpop (xrf0)  }
0xa0: {  	v14 =	vsub.s32 v14, v0;
	(v2sf) =	vpush v15, $0xF;
	v15 =	vld [tilespmem:s30+$0x0]  }
0xa1: {  	v14 =	vshll.u32 v14, $0xE  }
0xa2: {  	v14 =	vadd.s32 s30, v14  }
0xa3: {  	s0 =	sadd.s32 s0, s5;
	v14 =	vadd.s32 v2, v14  }
0xa4: {  	[tilespmem:s0+$0x1000] =	vst.msk vm0, v14  }
0xa5: {  	s5 =	simm.s32 $0x10;
	[tilespmem:s0+$0x1480] =	vst.msk vm0, v15  }
0xa6: {  	v14 =	vld [tilespmem:s5+$0x0];
	_ =	sdelay $0x4  }
0xa7: {  	vm0 =	vge.s32 v14, v0;
	vm1 =	vlt.s32 v14, v1  }
0xa8: {  	vm0 =	vmand vm0, vm1  }
0xa9: {  	v15 =	vsel vm0, $0x1, v3  }
0xaa: {  	(xrf0) =	vadd.scan.msk.s32 $0xffff, v15  }
0xab: {  	v14 =	vsub.s32 v14, v0  }
0xac: {  	s6 =	simm.s32 $0x810;
	v14 =	vshll.u32 v14, $0xE  }
0xad: {  	v14 =	vadd.s32 s6, v14;
	v15 =	vld [tilespmem:s6+$0x0]  }
0xae: {  	s20 =	simm.s32 $0x820;
	v14 =	vadd.s32 v2, v14;
	s19 =	spop (v2sf)  }
.LBB2_4:
0xaf: {  	p1 =	sne.s32 s20, $0xFF0  }
0xb0: {  	v16, _, _ =	vpop (xrf0);
	s0 =	sadd.s32 s0, s19;
	s19 =	smov.u32 s20;
	s20 =	sadd.s32 $0x10, s20  }
0xb1: {  	[tilespmem:s0+$0x1000] =	vst.msk vm0, v14;
	(v2sf) =	vpush v16, $0xF  }
0xb2: {  	s5 =	sadd.s32 $0x10, s5;
	[tilespmem:s0+$0x1480] =	vst.msk vm0, v15  }
0xb3: {  	v14 =	vld [tilespmem:s5+$0x0];
	_ =	sdelay $0x4  }
0xb4: {  	vm0 =	vge.s32 v14, v0;
	vm1 =	vlt.s32 v14, v1;
	v14 =	vsub.s32 v14, v0  }
0xb5: {  	vm0 =	vmand vm0, vm1;
	v14 =	vshll.u32 v14, $0xE  }
0xb6: {  	v14 =	vadd.s32 s19, v14;
	v15 =	vsel vm0, $0x1, v3  }
0xb7: {  	v14 =	vadd.s32 v2, v14;
	(xrf0) =	vadd.scan.msk.s32 $0xffff, v15  }
.Ltmp3:
0xb8: {  	(pc) =	sbr.rel @p1 .LBB2_4-.Ltmp3, $3  }
0xb9: {  	s6 =	sadd.s32 $0x10, s6  }
0xba: {  	v15 =	vld [tilespmem:s6+$0x0];
	_ =	sdelay $0x1  }
0xbb: {  	s19 =	spop (v2sf)  }
0xbc: {  	v16, _, _ =	vpop (xrf0)  }
0xbd: {  	(v2sf) =	vpush v16, $0xF;
	_ =	sdelay $0xa  }
0xbe: {  	s0 =	sadd.s32 s0, s19  }
0xbf: {  	[tilespmem:s0+$0x1000] =	vst.msk vm0, v14  }
0xc0: {  	s6 =	simm.s32 $0x0;
	s7 =	rddreg [dreg:$0xb];
	[tilespmem:s0+$0x1480] =	vst.msk vm0, v15  }
0xc1: {  	[tilespmem:s6], [sflag:$0x3] =	stream.linear.gather [hbm4b:s7+s6], $0x800, $0x38;
	[tilespmem:$0x1D580] =	vst v63  }
0xc2: {  	s5 =	spop (v2sf)  }
0xc3: {  	_ =	swait.ge [sflag:s8], $0x800  }
0xc4: {  	[sflag:s8] =	ssyncset.done $0x0  }
0xc5: {  	s28 =	simm.s32 $0x800;
	s29 =	rddreg [dreg:$0xc];
	[sflag:s8] =	ssyncadd.s32 $0xFFFFF800  }
0xc6: {  	[tilespmem:s28], [sflag:$0x3] =	stream.linear.gather [hbm4b:s29+s6], $0x800, $0x38;
	[tilespmem:$0x1D580] =	vst v63  }
0xc7: {  	_ =	swait.ge [sflag:s8], $0x800  }
0xc8: {  	[sflag:s8] =	ssyncset.done $0x0  }
0xc9: {  	[sflag:s8] =	ssyncadd.s32 $0xFFFFF800  }
0xca: {  	v14 =	vld [tilespmem:s6+$0x0];
	_ =	sdelay $0x4  }
0xcb: {  	vm0 =	vge.s32 v14, v0;
	vm1 =	vlt.s32 v14, v1  }
0xcc: {  	vm0 =	vmand vm0, vm1  }
0xcd: {  	v15 =	vsel vm0, $0x1, v3  }
0xce: {  	(xrf0) =	vadd.scan.msk.s32 $0xffff, v15;
	_ =	sdelay $0x5  }
0xcf: {  	v15, _, _ =	vpop (xrf0)  }
0xd0: {  	v14 =	vsub.s32 v14, v0;
	(v2sf) =	vpush v15, $0xF;
	v15 =	vld [tilespmem:s28+$0x0]  }
0xd1: {  	s30 =	simm.s32 $0x1000;
	v14 =	vshll.u32 v14, $0xE  }
0xd2: {  	v14 =	vadd.s32 s30, v14  }
0xd3: {  	s0 =	sadd.s32 s0, s5;
	v14 =	vadd.s32 v2, v14  }
0xd4: {  	[tilespmem:s0+$0x1000] =	vst.msk vm0, v14  }
0xd5: {  	s5 =	simm.s32 $0x10;
	[tilespmem:s0+$0x1480] =	vst.msk vm0, v15  }
0xd6: {  	v14 =	vld [tilespmem:s5+$0x0];
	_ =	sdelay $0x4  }
0xd7: {  	vm0 =	vge.s32 v14, v0;
	vm1 =	vlt.s32 v14, v1  }
0xd8: {  	vm0 =	vmand vm0, vm1  }
0xd9: {  	v15 =	vsel vm0, $0x1, v3  }
0xda: {  	(xrf0) =	vadd.scan.msk.s32 $0xffff, v15  }
0xdb: {  	v14 =	vsub.s32 v14, v0  }
0xdc: {  	s31 =	simm.s32 $0x1010;
	s6 =	simm.s32 $0x810;
	v14 =	vshll.u32 v14, $0xE  }
0xdd: {  	v14 =	vadd.s32 s31, v14;
	v15 =	vld [tilespmem:s6+$0x0]  }
0xde: {  	s20 =	simm.s32 $0x1020;
	v14 =	vadd.s32 v2, v14;
	s19 =	spop (v2sf)  }
.LBB2_6:
0xdf: {  	p1 =	sne.s32 s20, $0x17F0  }
0xe0: {  	v16, _, _ =	vpop (xrf0);
	s0 =	sadd.s32 s0, s19;
	s19 =	smov.u32 s20;
	s20 =	sadd.s32 $0x10, s20  }
0xe1: {  	[tilespmem:s0+$0x1000] =	vst.msk vm0, v14;
	(v2sf) =	vpush v16, $0xF  }
0xe2: {  	s5 =	sadd.s32 $0x10, s5;
	[tilespmem:s0+$0x1480] =	vst.msk vm0, v15  }
0xe3: {  	v14 =	vld [tilespmem:s5+$0x0];
	_ =	sdelay $0x4  }
0xe4: {  	vm0 =	vge.s32 v14, v0;
	vm1 =	vlt.s32 v14, v1;
	v14 =	vsub.s32 v14, v0  }
0xe5: {  	vm0 =	vmand vm0, vm1;
	v14 =	vshll.u32 v14, $0xE  }
0xe6: {  	v14 =	vadd.s32 s19, v14;
	v15 =	vsel vm0, $0x1, v3  }
0xe7: {  	v14 =	vadd.s32 v2, v14;
	(xrf0) =	vadd.scan.msk.s32 $0xffff, v15  }
.Ltmp4:
0xe8: {  	(pc) =	sbr.rel @p1 .LBB2_6-.Ltmp4, $3  }
0xe9: {  	s6 =	sadd.s32 $0x10, s6  }
0xea: {  	v15 =	vld [tilespmem:s6+$0x0];
	_ =	sdelay $0x1  }
0xeb: {  	s19 =	spop (v2sf)  }
0xec: {  	v16, _, _ =	vpop (xrf0)  }
0xed: {  	(v2sf) =	vpush v16, $0xF;
	_ =	sdelay $0xa  }
0xee: {  	s0 =	sadd.s32 s0, s19  }
0xef: {  	[tilespmem:s0+$0x1000] =	vst.msk vm0, v14  }
0xf0: {  	s6 =	simm.s32 $0x0;
	s7 =	rddreg [dreg:$0xd];
	[tilespmem:s0+$0x1480] =	vst.msk vm0, v15  }
0xf1: {  	[tilespmem:s6], [sflag:$0x3] =	stream.linear.gather [hbm4b:s7+s6], $0x800, $0x38;
	[tilespmem:$0x1D580] =	vst v63  }
0xf2: {  	s5 =	spop (v2sf)  }
0xf3: {  	_ =	swait.ge [sflag:s8], $0x800  }
0xf4: {  	[sflag:s8] =	ssyncset.done $0x0  }
0xf5: {  	s28 =	simm.s32 $0x800;
	s29 =	rddreg [dreg:$0xe];
	[sflag:s8] =	ssyncadd.s32 $0xFFFFF800  }
0xf6: {  	[tilespmem:s28], [sflag:$0x3] =	stream.linear.gather [hbm4b:s29+s6], $0x800, $0x38;
	[tilespmem:$0x1D580] =	vst v63  }
0xf7: {  	_ =	swait.ge [sflag:s8], $0x800  }
0xf8: {  	[sflag:s8] =	ssyncset.done $0x0  }
0xf9: {  	[sflag:s8] =	ssyncadd.s32 $0xFFFFF800  }
0xfa: {  	v14 =	vld [tilespmem:s6+$0x0];
	_ =	sdelay $0x4  }
0xfb: {  	vm0 =	vge.s32 v14, v0;
	vm1 =	vlt.s32 v14, v1  }
0xfc: {  	vm0 =	vmand vm0, vm1  }
0xfd: {  	v15 =	vsel vm0, $0x1, v3  }
0xfe: {  	(xrf0) =	vadd.scan.msk.s32 $0xffff, v15;
	_ =	sdelay $0x5  }
0xff: {  	v15, _, _ =	vpop (xrf0)  }
0x100: {  	v14 =	vsub.s32 v14, v0;
	(v2sf) =	vpush v15, $0xF;
	v15 =	vld [tilespmem:s28+$0x0]  }
0x101: {  	s30 =	simm.s32 $0x1800;
	v14 =	vshll.u32 v14, $0xE  }
0x102: {  	v14 =	vadd.s32 s30, v14  }
0x103: {  	s0 =	sadd.s32 s0, s5;
	v14 =	vadd.s32 v2, v14  }
0x104: {  	[tilespmem:s0+$0x1000] =	vst.msk vm0, v14  }
0x105: {  	s5 =	simm.s32 $0x10;
	[tilespmem:s0+$0x1480] =	vst.msk vm0, v15  }
0x106: {  	v14 =	vld [tilespmem:s5+$0x0];
	_ =	sdelay $0x4  }
0x107: {  	vm0 =	vge.s32 v14, v0;
	vm1 =	vlt.s32 v14, v1  }
0x108: {  	vm0 =	vmand vm0, vm1  }
0x109: {  	v15 =	vsel vm0, $0x1, v3  }
0x10a: {  	(xrf0) =	vadd.scan.msk.s32 $0xffff, v15  }
0x10b: {  	v14 =	vsub.s32 v14, v0  }
0x10c: {  	s31 =	simm.s32 $0x1810;
	s6 =	simm.s32 $0x810;
	v14 =	vshll.u32 v14, $0xE  }
0x10d: {  	v14 =	vadd.s32 s31, v14;
	v15 =	vld [tilespmem:s6+$0x0]  }
0x10e: {  	s20 =	simm.s32 $0x1820;
	v14 =	vadd.s32 v2, v14;
	s19 =	spop (v2sf)  }
.LBB2_8:
0x10f: {  	p1 =	sne.s32 s20, $0x1FF0  }
0x110: {  	v16, _, _ =	vpop (xrf0);
	s0 =	sadd.s32 s0, s19;
	s19 =	smov.u32 s20;
	s20 =	sadd.s32 $0x10, s20  }
0x111: {  	[tilespmem:s0+$0x1000] =	vst.msk vm0, v14;
	(v2sf) =	vpush v16, $0xF  }
0x112: {  	s5 =	sadd.s32 $0x10, s5;
	[tilespmem:s0+$0x1480] =	vst.msk vm0, v15  }
0x113: {  	v14 =	vld [tilespmem:s5+$0x0];
	_ =	sdelay $0x4  }
0x114: {  	vm0 =	vge.s32 v14, v0;
	vm1 =	vlt.s32 v14, v1;
	v14 =	vsub.s32 v14, v0  }
0x115: {  	vm0 =	vmand vm0, vm1;
	v14 =	vshll.u32 v14, $0xE  }
0x116: {  	v14 =	vadd.s32 s19, v14;
	v15 =	vsel vm0, $0x1, v3  }
0x117: {  	v14 =	vadd.s32 v2, v14;
	(xrf0) =	vadd.scan.msk.s32 $0xffff, v15  }
.Ltmp5:
0x118: {  	(pc) =	sbr.rel @p1 .LBB2_8-.Ltmp5, $3  }
0x119: {  	s6 =	sadd.s32 $0x10, s6  }
0x11a: {  	v15 =	vld [tilespmem:s6+$0x0];
	_ =	sdelay $0x1  }
0x11b: {  	s19 =	spop (v2sf)  }
0x11c: {  	v16, _, _ =	vpop (xrf0)  }
0x11d: {  	(v2sf) =	vpush v16, $0xF;
	_ =	sdelay $0xa  }
0x11e: {  	s0 =	sadd.s32 s0, s19  }
0x11f: {  	[tilespmem:s0+$0x1000] =	vst.msk vm0, v14  }
0x120: {  	s6 =	simm.s32 $0x0;
	s7 =	rddreg [dreg:$0x18];
	[tilespmem:s0+$0x1480] =	vst.msk vm0, v15  }
0x121: {  	[tilespmem:s6], [sflag:$0x3] =	stream.linear.gather [hbm4b:s7+s6], $0x800, $0x38;
	[tilespmem:$0x1D580] =	vst v63  }
0x122: {  	s5 =	spop (v2sf)  }
0x123: {  	_ =	swait.ge [sflag:s8], $0x800  }
0x124: {  	[sflag:s8] =	ssyncset.done $0x0  }
0x125: {  	s28 =	simm.s32 $0x800;
	s29 =	rddreg [dreg:$0x19];
	[sflag:s8] =	ssyncadd.s32 $0xFFFFF800  }
0x126: {  	[tilespmem:s28], [sflag:$0x3] =	stream.linear.gather [hbm4b:s29+s6], $0x800, $0x38;
	[tilespmem:$0x1D580] =	vst v63  }
0x127: {  	_ =	swait.ge [sflag:s8], $0x800  }
0x128: {  	[sflag:s8] =	ssyncset.done $0x0  }
0x129: {  	[sflag:s8] =	ssyncadd.s32 $0xFFFFF800  }
0x12a: {  	v14 =	vld [tilespmem:s6+$0x0];
	_ =	sdelay $0x4  }
0x12b: {  	vm0 =	vge.s32 v14, v0;
	vm1 =	vlt.s32 v14, v1  }
0x12c: {  	vm0 =	vmand vm0, vm1  }
0x12d: {  	v15 =	vsel vm0, $0x1, v3  }
0x12e: {  	(xrf0) =	vadd.scan.msk.s32 $0xffff, v15;
	_ =	sdelay $0x5  }
0x12f: {  	v15, _, _ =	vpop (xrf0)  }
0x130: {  	v14 =	vsub.s32 v14, v0;
	(v2sf) =	vpush v15, $0xF;
	v15 =	vld [tilespmem:s28+$0x0]  }
0x131: {  	s30 =	simm.s32 $0x2000;
	v14 =	vshll.u32 v14, $0xE  }
0x132: {  	v14 =	vadd.s32 s30, v14  }
0x133: {  	s0 =	sadd.s32 s0, s5;
	v14 =	vadd.s32 v2, v14  }
0x134: {  	[tilespmem:s0+$0x1000] =	vst.msk vm0, v14  }
0x135: {  	s5 =	simm.s32 $0x10;
	[tilespmem:s0+$0x1480] =	vst.msk vm0, v15  }
0x136: {  	v14 =	vld [tilespmem:s5+$0x0];
	_ =	sdelay $0x4  }
0x137: {  	vm0 =	vge.s32 v14, v0;
	vm1 =	vlt.s32 v14, v1  }
0x138: {  	vm0 =	vmand vm0, vm1  }
0x139: {  	v15 =	vsel vm0, $0x1, v3  }
0x13a: {  	(xrf0) =	vadd.scan.msk.s32 $0xffff, v15  }
0x13b: {  	v14 =	vsub.s32 v14, v0  }
0x13c: {  	s31 =	simm.s32 $0x2010;
	s6 =	simm.s32 $0x810;
	v14 =	vshll.u32 v14, $0xE  }
0x13d: {  	v14 =	vadd.s32 s31, v14;
	v15 =	vld [tilespmem:s6+$0x0]  }
0x13e: {  	s20 =	simm.s32 $0x2020;
	v14 =	vadd.s32 v2, v14;
	s19 =	spop (v2sf)  }
.LBB2_10:
0x13f: {  	p1 =	sne.s32 s20, $0x27F0  }
0x140: {  	v16, _, _ =	vpop (xrf0);
	s0 =	sadd.s32 s0, s19;
	s19 =	smov.u32 s20;
	s20 =	sadd.s32 $0x10, s20  }
0x141: {  	[tilespmem:s0+$0x1000] =	vst.msk vm0, v14;
	(v2sf) =	vpush v16, $0xF  }
0x142: {  	s5 =	sadd.s32 $0x10, s5;
	[tilespmem:s0+$0x1480] =	vst.msk vm0, v15  }
0x143: {  	v14 =	vld [tilespmem:s5+$0x0];
	_ =	sdelay $0x4  }
0x144: {  	vm0 =	vge.s32 v14, v0;
	vm1 =	vlt.s32 v14, v1;
	v14 =	vsub.s32 v14, v0  }
0x145: {  	vm0 =	vmand vm0, vm1;
	v14 =	vshll.u32 v14, $0xE  }
0x146: {  	v14 =	vadd.s32 s19, v14;
	v15 =	vsel vm0, $0x1, v3  }
0x147: {  	v14 =	vadd.s32 v2, v14;
	(xrf0) =	vadd.scan.msk.s32 $0xffff, v15  }
.Ltmp6:
0x148: {  	(pc) =	sbr.rel @p1 .LBB2_10-.Ltmp6, $3  }
0x149: {  	s6 =	sadd.s32 $0x10, s6  }
0x14a: {  	v15 =	vld [tilespmem:s6+$0x0];
	_ =	sdelay $0x1  }
0x14b: {  	s19 =	spop (v2sf)  }
0x14c: {  	v16, _, _ =	vpop (xrf0)  }
0x14d: {  	(v2sf) =	vpush v16, $0xF;
	_ =	sdelay $0xa  }
0x14e: {  	s0 =	sadd.s32 s0, s19  }
0x14f: {  	[tilespmem:s0+$0x1000] =	vst.msk vm0, v14  }
0x150: {  	s6 =	simm.s32 $0x0;
	s7 =	rddreg [dreg:$0x1a];
	[tilespmem:s0+$0x1480] =	vst.msk vm0, v15  }
0x151: {  	[tilespmem:s6], [sflag:$0x3] =	stream.linear.gather [hbm4b:s7+s6], $0x800, $0x38;
	[tilespmem:$0x1D580] =	vst v63  }
0x152: {  	s5 =	spop (v2sf)  }
0x153: {  	_ =	swait.ge [sflag:s8], $0x800  }
0x154: {  	[sflag:s8] =	ssyncset.done $0x0  }
0x155: {  	s28 =	simm.s32 $0x800;
	s29 =	rddreg [dreg:$0x1b];
	[sflag:s8] =	ssyncadd.s32 $0xFFFFF800  }
0x156: {  	[tilespmem:s28], [sflag:$0x3] =	stream.linear.gather [hbm4b:s29+s6], $0x800, $0x38;
	[tilespmem:$0x1D580] =	vst v63  }
0x157: {  	_ =	swait.ge [sflag:s8], $0x800  }
0x158: {  	[sflag:s8] =	ssyncset.done $0x0  }
0x159: {  	[sflag:s8] =	ssyncadd.s32 $0xFFFFF800  }
0x15a: {  	v14 =	vld [tilespmem:s6+$0x0];
	_ =	sdelay $0x4  }
0x15b: {  	vm0 =	vge.s32 v14, v0;
	vm1 =	vlt.s32 v14, v1  }
0x15c: {  	vm0 =	vmand vm0, vm1  }
0x15d: {  	v15 =	vsel vm0, $0x1, v3  }
0x15e: {  	(xrf0) =	vadd.scan.msk.s32 $0xffff, v15;
	_ =	sdelay $0x5  }
0x15f: {  	v15, _, _ =	vpop (xrf0)  }
0x160: {  	v14 =	vsub.s32 v14, v0;
	(v2sf) =	vpush v15, $0xF;
	v15 =	vld [tilespmem:s28+$0x0]  }
0x161: {  	s30 =	simm.s32 $0x2800;
	v14 =	vshll.u32 v14, $0xE  }
0x162: {  	v14 =	vadd.s32 s30, v14  }
0x163: {  	s0 =	sadd.s32 s0, s5;
	v14 =	vadd.s32 v2, v14  }
0x164: {  	[tilespmem:s0+$0x1000] =	vst.msk vm0, v14  }
0x165: {  	s5 =	simm.s32 $0x10;
	[tilespmem:s0+$0x1480] =	vst.msk vm0, v15  }
0x166: {  	v14 =	vld [tilespmem:s5+$0x0];
	_ =	sdelay $0x4  }
0x167: {  	vm0 =	vge.s32 v14, v0;
	vm1 =	vlt.s32 v14, v1  }
0x168: {  	vm0 =	vmand vm0, vm1  }
0x169: {  	v15 =	vsel vm0, $0x1, v3  }
0x16a: {  	(xrf0) =	vadd.scan.msk.s32 $0xffff, v15  }
0x16b: {  	v14 =	vsub.s32 v14, v0  }
0x16c: {  	s31 =	simm.s32 $0x2810;
	s6 =	simm.s32 $0x810;
	v14 =	vshll.u32 v14, $0xE  }
0x16d: {  	v14 =	vadd.s32 s31, v14;
	v15 =	vld [tilespmem:s6+$0x0]  }
0x16e: {  	s20 =	simm.s32 $0x2820;
	v14 =	vadd.s32 v2, v14;
	s19 =	spop (v2sf)  }
.LBB2_12:
0x16f: {  	p1 =	sne.s32 s20, $0x2FF0  }
0x170: {  	v16, _, _ =	vpop (xrf0);
	s0 =	sadd.s32 s0, s19;
	s19 =	smov.u32 s20;
	s20 =	sadd.s32 $0x10, s20  }
0x171: {  	[tilespmem:s0+$0x1000] =	vst.msk vm0, v14;
	(v2sf) =	vpush v16, $0xF  }
0x172: {  	s5 =	sadd.s32 $0x10, s5;
	[tilespmem:s0+$0x1480] =	vst.msk vm0, v15  }
0x173: {  	v14 =	vld [tilespmem:s5+$0x0];
	_ =	sdelay $0x4  }
0x174: {  	vm0 =	vge.s32 v14, v0;
	vm1 =	vlt.s32 v14, v1;
	v14 =	vsub.s32 v14, v0  }
0x175: {  	vm0 =	vmand vm0, vm1;
	v14 =	vshll.u32 v14, $0xE  }
0x176: {  	v14 =	vadd.s32 s19, v14;
	v15 =	vsel vm0, $0x1, v3  }
0x177: {  	v14 =	vadd.s32 v2, v14;
	(xrf0) =	vadd.scan.msk.s32 $0xffff, v15  }
.Ltmp7:
0x178: {  	(pc) =	sbr.rel @p1 .LBB2_12-.Ltmp7, $3  }
0x179: {  	s6 =	sadd.s32 $0x10, s6  }
0x17a: {  	v15 =	vld [tilespmem:s6+$0x0];
	_ =	sdelay $0x1  }
0x17b: {  	s19 =	spop (v2sf)  }
0x17c: {  	v16, _, _ =	vpop (xrf0)  }
0x17d: {  	(v2sf) =	vpush v16, $0xF;
	_ =	sdelay $0xa  }
0x17e: {  	s0 =	sadd.s32 s0, s19  }
0x17f: {  	[tilespmem:s0+$0x1000] =	vst.msk vm0, v14  }
0x180: {  	s6 =	simm.s32 $0x0;
	s7 =	rddreg [dreg:$0x1c];
	[tilespmem:s0+$0x1480] =	vst.msk vm0, v15  }
0x181: {  	[tilespmem:s6], [sflag:$0x3] =	stream.linear.gather [hbm4b:s7+s6], $0x800, $0x38;
	[tilespmem:$0x1D580] =	vst v63  }
0x182: {  	s5 =	spop (v2sf)  }
0x183: {  	_ =	swait.ge [sflag:s8], $0x800  }
0x184: {  	[sflag:s8] =	ssyncset.done $0x0  }
0x185: {  	s28 =	simm.s32 $0x800;
	s29 =	rddreg [dreg:$0x1d];
	[sflag:s8] =	ssyncadd.s32 $0xFFFFF800  }
0x186: {  	[tilespmem:s28], [sflag:$0x3] =	stream.linear.gather [hbm4b:s29+s6], $0x800, $0x38;
	[tilespmem:$0x1D580] =	vst v63  }
0x187: {  	_ =	swait.ge [sflag:s8], $0x800  }
0x188: {  	[sflag:s8] =	ssyncset.done $0x0  }
0x189: {  	[sflag:s8] =	ssyncadd.s32 $0xFFFFF800  }
0x18a: {  	v14 =	vld [tilespmem:s6+$0x0];
	_ =	sdelay $0x4  }
0x18b: {  	vm0 =	vge.s32 v14, v0;
	vm1 =	vlt.s32 v14, v1  }
0x18c: {  	vm0 =	vmand vm0, vm1  }
0x18d: {  	v15 =	vsel vm0, $0x1, v3  }
0x18e: {  	(xrf0) =	vadd.scan.msk.s32 $0xffff, v15;
	_ =	sdelay $0x5  }
0x18f: {  	v15, _, _ =	vpop (xrf0)  }
0x190: {  	v14 =	vsub.s32 v14, v0;
	(v2sf) =	vpush v15, $0xF;
	v15 =	vld [tilespmem:s28+$0x0]  }
0x191: {  	s30 =	simm.s32 $0x3000;
	v14 =	vshll.u32 v14, $0xE  }
0x192: {  	v14 =	vadd.s32 s30, v14  }
0x193: {  	s0 =	sadd.s32 s0, s5;
	v14 =	vadd.s32 v2, v14  }
0x194: {  	[tilespmem:s0+$0x1000] =	vst.msk vm0, v14  }
0x195: {  	s5 =	simm.s32 $0x10;
	[tilespmem:s0+$0x1480] =	vst.msk vm0, v15  }
0x196: {  	v14 =	vld [tilespmem:s5+$0x0];
	_ =	sdelay $0x4  }
0x197: {  	vm0 =	vge.s32 v14, v0;
	vm1 =	vlt.s32 v14, v1  }
0x198: {  	vm0 =	vmand vm0, vm1  }
0x199: {  	v15 =	vsel vm0, $0x1, v3  }
0x19a: {  	(xrf0) =	vadd.scan.msk.s32 $0xffff, v15  }
0x19b: {  	v14 =	vsub.s32 v14, v0  }
0x19c: {  	s31 =	simm.s32 $0x3010;
	s6 =	simm.s32 $0x810;
	v14 =	vshll.u32 v14, $0xE  }
0x19d: {  	v14 =	vadd.s32 s31, v14;
	v15 =	vld [tilespmem:s6+$0x0]  }
0x19e: {  	s20 =	simm.s32 $0x3020;
	v14 =	vadd.s32 v2, v14;
	s19 =	spop (v2sf)  }
.LBB2_14:
0x19f: {  	p1 =	sne.s32 s20, $0x37F0  }
0x1a0: {  	v16, _, _ =	vpop (xrf0);
	s0 =	sadd.s32 s0, s19;
	s19 =	smov.u32 s20;
	s20 =	sadd.s32 $0x10, s20  }
0x1a1: {  	[tilespmem:s0+$0x1000] =	vst.msk vm0, v14;
	(v2sf) =	vpush v16, $0xF  }
0x1a2: {  	s5 =	sadd.s32 $0x10, s5;
	[tilespmem:s0+$0x1480] =	vst.msk vm0, v15  }
0x1a3: {  	v14 =	vld [tilespmem:s5+$0x0];
	_ =	sdelay $0x4  }
0x1a4: {  	vm0 =	vge.s32 v14, v0;
	vm1 =	vlt.s32 v14, v1;
	v14 =	vsub.s32 v14, v0  }
0x1a5: {  	vm0 =	vmand vm0, vm1;
	v14 =	vshll.u32 v14, $0xE  }
0x1a6: {  	v14 =	vadd.s32 s19, v14;
	v15 =	vsel vm0, $0x1, v3  }
0x1a7: {  	v14 =	vadd.s32 v2, v14;
	(xrf0) =	vadd.scan.msk.s32 $0xffff, v15  }
.Ltmp8:
0x1a8: {  	(pc) =	sbr.rel @p1 .LBB2_14-.Ltmp8, $3  }
0x1a9: {  	s6 =	sadd.s32 $0x10, s6  }
0x1aa: {  	v15 =	vld [tilespmem:s6+$0x0];
	_ =	sdelay $0x1  }
0x1ab: {  	s19 =	spop (v2sf)  }
0x1ac: {  	v16, _, _ =	vpop (xrf0)  }
0x1ad: {  	(v2sf) =	vpush v16, $0xF;
	_ =	sdelay $0xa  }
0x1ae: {  	s0 =	sadd.s32 s0, s19  }
0x1af: {  	[tilespmem:s0+$0x1000] =	vst.msk vm0, v14  }
0x1b0: {  	s6 =	simm.s32 $0x0;
	s7 =	rddreg [dreg:$0x1e];
	[tilespmem:s0+$0x1480] =	vst.msk vm0, v15  }
0x1b1: {  	[tilespmem:s6], [sflag:$0x3] =	stream.linear.gather [hbm4b:s7+s6], $0x800, $0x38;
	[tilespmem:$0x1D580] =	vst v63  }
0x1b2: {  	s5 =	spop (v2sf)  }
0x1b3: {  	_ =	swait.ge [sflag:s8], $0x800  }
0x1b4: {  	[sflag:s8] =	ssyncset.done $0x0  }
0x1b5: {  	s28 =	simm.s32 $0x800;
	s29 =	rddreg [dreg:$0x1f];
	[sflag:s8] =	ssyncadd.s32 $0xFFFFF800  }
0x1b6: {  	[tilespmem:s28], [sflag:$0x3] =	stream.linear.gather [hbm4b:s29+s6], $0x800, $0x38;
	[tilespmem:$0x1D580] =	vst v63  }
0x1b7: {  	_ =	swait.ge [sflag:s8], $0x800  }
0x1b8: {  	[sflag:s8] =	ssyncset.done $0x0  }
0x1b9: {  	[sflag:s8] =	ssyncadd.s32 $0xFFFFF800  }
0x1ba: {  	v14 =	vld [tilespmem:s6+$0x0];
	_ =	sdelay $0x4  }
0x1bb: {  	vm0 =	vge.s32 v14, v0;
	vm1 =	vlt.s32 v14, v1  }
0x1bc: {  	vm0 =	vmand vm0, vm1  }
0x1bd: {  	v15 =	vsel vm0, $0x1, v3  }
0x1be: {  	(xrf0) =	vadd.scan.msk.s32 $0xffff, v15;
	_ =	sdelay $0x5  }
0x1bf: {  	v15, _, _ =	vpop (xrf0)  }
0x1c0: {  	v14 =	vsub.s32 v14, v0;
	(v2sf) =	vpush v15, $0xF;
	v15 =	vld [tilespmem:s28+$0x0]  }
0x1c1: {  	s30 =	simm.s32 $0x3800;
	v14 =	vshll.u32 v14, $0xE  }
0x1c2: {  	v14 =	vadd.s32 s30, v14  }
0x1c3: {  	s0 =	sadd.s32 s0, s5;
	v14 =	vadd.s32 v2, v14  }
0x1c4: {  	[tilespmem:s0+$0x1000] =	vst.msk vm0, v14  }
0x1c5: {  	s5 =	simm.s32 $0x10;
	[tilespmem:s0+$0x1480] =	vst.msk vm0, v15  }
0x1c6: {  	v14 =	vld [tilespmem:s5+$0x0];
	_ =	sdelay $0x4  }
0x1c7: {  	vm0 =	vge.s32 v14, v0;
	vm1 =	vlt.s32 v14, v1  }
0x1c8: {  	vm0 =	vmand vm0, vm1  }
0x1c9: {  	v15 =	vsel vm0, $0x1, v3  }
0x1ca: {  	(xrf0) =	vadd.scan.msk.s32 $0xffff, v15  }
0x1cb: {  	v14 =	vsub.s32 v14, v0  }
0x1cc: {  	s31 =	simm.s32 $0x3810;
	s6 =	simm.s32 $0x810;
	v14 =	vshll.u32 v14, $0xE  }
0x1cd: {  	v14 =	vadd.s32 s31, v14;
	v15 =	vld [tilespmem:s6+$0x0]  }
0x1ce: {  	s20 =	simm.s32 $0x3820;
	v14 =	vadd.s32 v2, v14;
	s19 =	spop (v2sf)  }
.LBB2_16:
0x1cf: {  	p1 =	sne.s32 s20, $0x3FF0  }
0x1d0: {  	v16, _, _ =	vpop (xrf0);
	s0 =	sadd.s32 s0, s19;
	s19 =	smov.u32 s20;
	s20 =	sadd.s32 $0x10, s20  }
0x1d1: {  	[tilespmem:s0+$0x1000] =	vst.msk vm0, v14;
	(v2sf) =	vpush v16, $0xF  }
0x1d2: {  	s5 =	sadd.s32 $0x10, s5;
	[tilespmem:s0+$0x1480] =	vst.msk vm0, v15  }
0x1d3: {  	v14 =	vld [tilespmem:s5+$0x0];
	_ =	sdelay $0x4  }
0x1d4: {  	vm0 =	vge.s32 v14, v0;
	vm1 =	vlt.s32 v14, v1;
	v14 =	vsub.s32 v14, v0  }
0x1d5: {  	vm0 =	vmand vm0, vm1;
	v14 =	vshll.u32 v14, $0xE  }
0x1d6: {  	v14 =	vadd.s32 s19, v14;
	v15 =	vsel vm0, $0x1, v3  }
0x1d7: {  	v14 =	vadd.s32 v2, v14;
	(xrf0) =	vadd.scan.msk.s32 $0xffff, v15  }
.Ltmp9:
0x1d8: {  	(pc) =	sbr.rel @p1 .LBB2_16-.Ltmp9, $3  }
0x1d9: {  	s6 =	sadd.s32 $0x10, s6  }
0x1da: {  	v15 =	vld [tilespmem:s6+$0x0];
	_ =	sdelay $0x1  }
0x1db: {  	s19 =	spop (v2sf)  }
0x1dc: {  	v16, _, _ =	vpop (xrf0)  }
0x1dd: {  	(v2sf) =	vpush v16, $0xF;
	_ =	sdelay $0x5  }
0x1de: {  	s20 =	sadd.s32 s0, s19  }
0x1df: {  	[tilespmem:s20+$0x1000] =	vst.msk vm0, v14  }
0x1e0: {  	[tilespmem:s20+$0x1480] =	vst.msk vm0, v15  }
0x1e1: {  	[tilespmem:$0x2200] =	vst v3  }
0x1e2: {  	[tilespmem:$0x2210] =	vst v3  }
0x1e3: {  	[tilespmem:$0x2220] =	vst v3  }
0x1e4: {  	[tilespmem:$0x2230] =	vst v3  }
0x1e5: {  	[tilespmem:$0x2240] =	vst v3  }
0x1e6: {  	[tilespmem:$0x2250] =	vst v3  }
0x1e7: {  	[tilespmem:$0x2260] =	vst v3;
	s21 =	spop (v2sf)  }
0x1e8: {  	s0 =	simm.s32 $0x1000;
	[tilespmem:$0x2270] =	vst v3;
	s23 =	sadd.s32 s20, s21  }
0x1e9: {  	s5 =	simm.s32 $0x0;
	s6 =	simm.s32 $0x10;
	v15 =	vld [tilespmem:s0+$0x0];
	v14 =	vmov s23  }
.LBB2_18:
0x1ea: {  	p1 =	sne.s32 s6, $0x3F0;
	_ =	sdelay $0x1  }
0x1eb: {  	v16 =	vor.u32 s5, v2;
	s5 =	smov.u32 s6  }
0x1ec: {  	vm0 =	vlt.s32 v16, v14  }
0x1ed: {  	v15 =	vshrl.u32 v15, $0x16;
	_ =	sdelay $0x1  }
.Ltmp10:
0x1ee: {  	(pc) =	sbr.rel @p1 .LBB2_18-.Ltmp10, $3  }
0x1ef: {  	_ =	sdelay $0x1  }
0x1f0: {  	s0 =	sadd.s32 $0x10, s0;
	[tilespmem:v15+s10+$0x0] =	vst.idx.add.s32.msk vm0, v4  }
0x1f1: {  	s6 =	sadd.s32 $0x10, s6;
	v15 =	vld [tilespmem:s0+$0x0]  }
0x1f2: {  	_ =	sdelay $0x1  }
0x1f3: {  	v16 =	vor.u32 s5, v2  }
0x1f4: {  	vm0 =	vlt.s32 v16, v14  }
0x1f5: {  	v14 =	vshrl.u32 v15, $0x16;
	_ =	sdelay $0x4  }
0x1f6: {  	[tilespmem:v14+s10+$0x0] =	vst.idx.add.s32.msk vm0, v4  }
0x1f7: {  	v14 =	vld [tilespmem:$0x2200]  }
0x1f8: {  	v15 =	vld [tilespmem:$0x2210];
	_ =	sdelay $0x1  }
0x1f9: {  	v62 =	vld [tilespmem:$0x2220];
	_ =	sdelay $0x1  }
0x1fa: {  	v17 =	vld [tilespmem:$0x2230];
	(xrf0) =	vadd.scan.msk.s32 $0xffff, v14  }
0x1fb: {  	(xrf0) =	vadd.scan.msk.s32 $0xffff, v15  }
0x1fc: {  	v18 =	vld [tilespmem:$0x2240]  }
0x1fd: {  	(xrf0) =	vadd.scan.msk.s32 $0xffff, v62;
	_ =	sdelay $0x1  }
0x1fe: {  	v19 =	vld [tilespmem:$0x2250];
	(xrf0) =	vadd.scan.msk.s32 $0xffff, v17  }
0x1ff: {  	v20, _, _ =	vpop (xrf0)  }
0x200: {  	v21 =	vld [tilespmem:$0x2260];
	(xrf0) =	vadd.scan.msk.s32 $0xffff, v18;
	(v2sf) =	vpush v20, $0xF;
	v22, _, _ =	vpop (xrf0)  }
0x201: {  	(v2sf) =	vpush v22, $0xF  }
0x202: {  	v23, _, _ =	vpop (xrf0)  }
0x203: {  	(xrf0) =	vadd.scan.msk.s32 $0xffff, v19;
	(v2sf) =	vpush v23, $0xF  }
0x204: {  	v24, _, _ =	vpop (xrf0)  }
0x205: {  	(xrf0) =	vadd.scan.msk.s32 $0xffff, v21;
	(v2sf) =	vpush v24, $0xF  }
0x206: {  	v25, _, _ =	vpop (xrf0)  }
0x207: {  	(v2sf) =	vpush v25, $0xF;
	_ =	sdelay $0x1  }
0x208: {  	v26, _, _ =	vpop (xrf0)  }
0x209: {  	(v2sf) =	vpush v26, $0xF  }
0x20a: {  	v27, _, _ =	vpop (xrf0)  }
0x20b: {  	(v2sf) =	vpush v27, $0xF;
	_ =	sdelay $0x1  }
0x20c: {  	v14 =	vsub.s32 v20, v14;
	v20 =	vbroadcast v20, $0xF  }
0x20d: {  	[tilespmem:$0x2280] =	vst v14;
	v15 =	vsub.s32 v22, v15;
	s0 =	spop (v2sf)  }
0x20e: {  	v63 =	vld [tilespmem:$0x2270];
	[tilespmem:$0x2380] =	vst v14;
	v14 =	vadd.s32 v20, v15;
	s25 =	spop (v2sf)  }
0x20f: {  	v15 =	vsub.s32 v23, v62;
	[tilespmem:$0x2290] =	vst v14;
	s0 =	sadd.s32 s0, s25  }
0x210: {  	[tilespmem:$0x2390] =	vst v14;
	s26 =	spop (v2sf);
	v14 =	vadd.s32 s0, v15  }
0x211: {  	v15 =	vsub.s32 v24, v17;
	s0 =	sadd.s32 s0, s26;
	[tilespmem:$0x22A0] =	vst v14  }
0x212: {  	s28 =	spop (v2sf);
	[tilespmem:$0x23A0] =	vst v14;
	v14 =	vadd.s32 s0, v15  }
0x213: {  	(xrf0) =	vadd.scan.msk.s32 $0xffff, v63;
	v15 =	vsub.s32 v25, v18;
	s0 =	sadd.s32 s0, s28;
	[tilespmem:$0x22B0] =	vst v14  }
0x214: {  	[tilespmem:$0x23B0] =	vst v14;
	v14 =	vadd.s32 s0, v15;
	s29 =	spop (v2sf)  }
0x215: {  	v15 =	vsub.s32 v26, v19;
	[tilespmem:$0x22C0] =	vst v14;
	s0 =	sadd.s32 s0, s29  }
0x216: {  	[tilespmem:$0x23C0] =	vst v14;
	v14 =	vadd.s32 s0, v15;
	v15 =	vsub.s32 v27, v21  }
0x217: {  	s30 =	spop (v2sf)  }
0x218: {  	p1 =	slt.s32 s23, $0x1;
	s0 =	sadd.s32 s0, s30;
	[tilespmem:$0x22D0] =	vst v14  }
.Ltmp11:
0x219: {  	s31 =	spop (v2sf);
	[tilespmem:$0x23D0] =	vst v14;
	v14 =	vadd.s32 s0, v15;
	v15, _, _ =	vpop (xrf0);
	(pc) =	sbr.rel @p1 .LBB2_23-.Ltmp11, $4  }
0x21a: {  	s0 =	sadd.s32 s0, s31;
	[tilespmem:$0x22E0] =	vst v14;
	v15 =	vsub.s32 v15, v63  }
0x21b: {  	[tilespmem:$0x23E0] =	vst v14;
	v14 =	vadd.s32 s0, v15  }
0x21c: {  	[tilespmem:$0x22F0] =	vst v14  }
0x21d: {  	[smem:$0x7FD] =	sst s17;
	[tilespmem:$0x23F0] =	vst v14  }
0x21e: {  	s0 =	sadd.s32 s20, s21  }
0x21f: {  	p1 =	sne.s32 s0, $0x1  }
.Ltmp12:
0x220: {  	_ = 	snop;
	(pc) =	sbr.rel @!p1 .LBB2_22-.Ltmp12, $4  }
0x221: {  	s6 =	simm.s32 $0x1000  }
0x222: {  	v15 =	vld [tilespmem:s6+$0x0]  }
0x223: {  	s22 =	simm.s32 $0x1480  }
0x224: {  	v14 =	vld.msk [tilespmem:s22+$0x0 ss:$0x0], $0xffff;
	s0 =	sadd.s32 $0xFFFFFFFF, s0  }
.LBB2_21:
0x225: {  	p1 =	sne.s32 s0, $0x1;
	_ =	sdelay $0x1  }
0x226: {  	v16 =	vbroadcast v15, $0x0;
	(v2sf) =	vpush v15, $0x0;
	_ =	sdelay $0xe  }
0x227: {  	s5 =	spop (v2sf)  }
0x228: {  	s5 =	sshrl.u32 s5, $0x16  }
0x229: {  	v15 =	vld [tilespmem:s5+$0x2380];
	_ =	sdelay $0x4  }
0x22a: {  	v17 =	vbroadcast v15, $0x0;
	(v2sf) =	vpush v15, $0x0;
	_ =	sdelay $0xa  }
0x22b: {  	v15 =	vmov s5  }
0x22c: {  	v15 =	vbroadcast v15, $0x0;
	_ =	sdelay $0x2  }
0x22d: {  	s5 =	spop (v2sf)  }
0x22e: {  	s5 =	sadd.s32 $0x1, s5  }
0x22f: {  	v18 =	vmov s5  }
0x230: {  	[tilespmem:v15+s11+$0x0] =	vst.idx.msk $0x1, v18  }
.Ltmp13:
0x231: {  	[tilespmem:v17+s12+$0x0] =	vst.idx.msk $0x1, v16;
	(pc) =	sbr.rel @p1 .LBB2_21-.Ltmp13, $4  }
0x232: {  	s6 =	sadd.s32 $0x1, s6;
	[tilespmem:v17+s13+$0x0] =	vst.idx.msk $0x1, v14  }
0x233: {  	s22 =	sadd.s32 $0x1, s22;
	v15 =	vld [tilespmem:s6+$0x0]  }
0x234: {  	v14 =	vld.msk [tilespmem:s22+$0x0 ss:$0x0], $0xffff  }
0x235: {  	s0 =	sadd.s32 $0xFFFFFFFF, s0  }
.LBB2_22:
0x236: {  	_ =	sdelay $0x1  }
0x237: {  	(v2sf) =	vpush v15, $0x0;
	_ =	sdelay $0xe  }
0x238: {  	s0 =	spop (v2sf)  }
0x239: {  	s0 =	sshrl.u32 s0, $0x16  }
0x23a: {  	v16 =	vld [tilespmem:s0+$0x2380];
	_ =	sdelay $0x4  }
0x23b: {  	(v2sf) =	vpush v16, $0x0;
	_ =	sdelay $0xa  }
0x23c: {  	v17 =	vmov s0  }
0x23d: {  	v17 =	vbroadcast v17, $0x0  }
0x23e: {  	v16 =	vbroadcast v16, $0x0;
	_ =	sdelay $0x1  }
0x23f: {  	s31 =	spop (v2sf)  }
0x240: {  	s0 =	sadd.s32 $0x1, s31  }
0x241: {  	v15 =	vbroadcast v15, $0x0;
	v18 =	vmov s0  }
0x242: {  	[tilespmem:v17+s11+$0x0] =	vst.idx.msk $0x1, v18  }
0x243: {  	[tilespmem:v16+s12+$0x0] =	vst.idx.msk $0x1, v15  }
0x244: {  	[tilespmem:v16+s13+$0x0] =	vst.idx.msk $0x1, v14  }
.LBB2_23:
0x245: {  	v14 =	vld [tilespmem:$0x2281]  }
0x246: {  	v15 =	vld [tilespmem:$0x2280];
	_ =	sdelay $0x3  }
0x247: {  	(v2sf) =	vpush v14, $0x0  }
0x248: {  	(v2sf) =	vpush v15, $0x0;
	_ =	sdelay $0xd  }
0x249: {  	s0 =	spop (v2sf)  }
0x24a: {  	s5 =	spop (v2sf)  }
0x24b: {  	p1 =	sle.s32 s0, s5  }
0x24c: {  	s7 =	rddreg [dreg:$0xf];
	s0 =	simm.s32 @!p1 $0x0;
	s5 =	simm.s32 @!p1 $0x2480  }
0x24d: {  	[tilespmem:s5], [sflag:$0x1] =	stream.linear.gather @!p1 [hbm4b:s7+s0], $0x800, $0x38;
	[tilespmem:$0x1D580] =	vst v63  }
0x24e: {  	s6 =	simm.s32 @!p1 $0x3880;
	s5 =	sadd.s32 @!p1 $0xF4280, s7  }
0x24f: {  	[tilespmem:s6], [sflag:$0x1] =	stream.linear.gather @!p1 [hbm4b:s5+s0], $0x800, $0x38;
	[tilespmem:$0x1D580] =	vst v63  }
0x250: {  	s5 =	sadd.s32 @!p1 $0x1E8500, s7;
	s6 =	simm.s32 @!p1 $0x4C80  }
0x251: {  	[tilespmem:s6], [sflag:$0x1] =	stream.linear.gather @!p1 [hbm4b:s5+s0], $0x800, $0x38;
	[tilespmem:$0x1D580] =	vst v63  }
0x252: {  	s5 =	sadd.s32 @!p1 $0x2DC780, s7;
	s6 =	simm.s32 @!p1 $0x6080  }
0x253: {  	[tilespmem:s6], [sflag:$0x1] =	stream.linear.gather @!p1 [hbm4b:s5+s0], $0x800, $0x38;
	[tilespmem:$0x1D580] =	vst v63  }
0x254: {  	s5 =	sadd.s32 @!p1 $0x3D0A00, s7;
	s6 =	simm.s32 @!p1 $0x7480  }
0x255: {  	[tilespmem:s6], [sflag:$0x1] =	stream.linear.gather @!p1 [hbm4b:s5+s0], $0x800, $0x38;
	[tilespmem:$0x1D580] =	vst v63  }
0x256: {  	s5 =	sadd.s32 @!p1 $0x4C4C80, s7;
	s6 =	simm.s32 @!p1 $0x8880  }
0x257: {  	[tilespmem:s6], [sflag:$0x1] =	stream.linear.gather @!p1 [hbm4b:s5+s0], $0x800, $0x38;
	[tilespmem:$0x1D580] =	vst v63  }
.Ltmp14:
0x258: {  	s24 =	simm.s32 $0x0;
	s31 =	simm.s32 $0x0;
	(pc) =	sbr.rel .LBB2_25-.Ltmp14, $4  }
0x259: {  	s22 =	simm.s32 $0x0;
	s5 =	sadd.s32 @!p1 $0x5B8F00, s7;
	s6 =	simm.s32 @!p1 $0x9C80  }
0x25a: {  	[tilespmem:s6], [sflag:$0x1] =	stream.linear.gather @!p1 [hbm4b:s5+s0], $0x800, $0x38;
	[tilespmem:$0x1D580] =	vst v63  }
0x25b: {  	s25 =	simm.s32 $0x0;
	s5 =	sadd.s32 @!p1 $0x6AD180, s7;
	s6 =	simm.s32 @!p1 $0xB080  }
0x25c: {  	[tilespmem:s6], [sflag:$0x1] =	stream.linear.gather @!p1 [hbm4b:s5+s0], $0x800, $0x38;
	[tilespmem:$0x1D580] =	vst v63  }
.LBB2_28:
0x25d: {  	_ =	sdelay $0x3  }
0x25e: {  	[tilespmem:v16+s18+$0x0] =	vst.idx.msk $0x1, v17  }
0x25f: {  	_ =	swait.ge @!p3 [sflag:s19], $0x800  }
0x260: {  	s5 =	sor.u32 @!p2 $0x1C480, s5;
	s6 =	simm.s32 @!p2 $0x10;
	[sflag:s19] =	ssyncset.done @!p3 $0x0  }
0x261: {  	s22 =	smov.u32 s29;
	s31 =	smov.u32 s26;
	[sflag:s19] =	ssyncadd.s32 @!p3 $0xFFFFF800  }
0x262: {  	[hbm4b:s9+s6] =	stream.indirect.scatter @!p2 [tilespmem:s5], [sflag:$0x2], $0x80, s0, s6, $0xb8;
	[tilespmem:$0x1D580] =	vst v63  }
.LBB2_24:
0x263: {  	p1 =	seq.s32 s25, s14  }
.Ltmp15:
0x264: {  	_ = 	snop;
	(pc) =	sbr.rel @p1 .LBB2_29-.Ltmp15, $1  }
0x265: {  	_ =	sdelay $0x3  }
.LBB2_25:
0x266: {  	v14 =	vld [tilespmem:s25+$0x2282]  }
0x267: {  	v15 =	vld [tilespmem:s25+$0x2281];
	_ =	sdelay $0x3  }
0x268: {  	(v2sf) =	vpush v14, $0x0  }
0x269: {  	(v2sf) =	vpush v15, $0x0;
	_ =	sdelay $0xd  }
0x26a: {  	s26 =	smov.u32 s25;
	s25 =	sadd.s32 $0x1, s25;
	s0 =	spop (v2sf)  }
0x26b: {  	p1 =	sge.u32 s25, s14;
	s5 =	spop (v2sf)  }
0x26c: {  	p2 =	sle.s32 @!p1 s0, s5  }
0x26d: {  	p1 =	por p2, p1  }
0x26e: {  	s0 =	sadd.s32 @!p1 s1, s25  }
0x26f: {  	s5 =	sshll.u32 @!p1 s25, $0xB;
	s0 =	sshll.u32 @!p1 s0, $0x8  }
0x270: {  	s5 =	sand.u32 @!p1 $0x800, s5;
	s0 =	sand.u32 @!p1 $0x1FFFFF00, s0  }
0x271: {  	s19 =	simm.s32 @!p1 $0x0;
	s6 =	sor.u32 @!p1 $0x2480, s5;
	s0 =	sadd.s32 @!p1 s4, s0  }
0x272: {  	[tilespmem:s6], [sflag:$0x1] =	stream.linear.gather @!p1 [hbm4b:s0+s19], $0x800, $0x38;
	[tilespmem:$0x1D580] =	vst v63  }
0x273: {  	s28 =	sadd.s32 @!p1 $0x3880, s5;
	s6 =	sadd.s32 @!p1 $0xF4280, s0  }
0x274: {  	[tilespmem:s28], [sflag:$0x1] =	stream.linear.gather @!p1 [hbm4b:s6+s19], $0x800, $0x38;
	[tilespmem:$0x1D580] =	vst v63  }
0x275: {  	s6 =	sadd.s32 @!p1 $0x1E8500, s0;
	s28 =	sadd.s32 @!p1 $0x4C80, s5  }
0x276: {  	[tilespmem:s28], [sflag:$0x1] =	stream.linear.gather @!p1 [hbm4b:s6+s19], $0x800, $0x38;
	[tilespmem:$0x1D580] =	vst v63  }
0x277: {  	s6 =	sadd.s32 @!p1 $0x2DC780, s0;
	s28 =	sor.u32 @!p1 $0x6080, s5  }
0x278: {  	[tilespmem:s28], [sflag:$0x1] =	stream.linear.gather @!p1 [hbm4b:s6+s19], $0x800, $0x38;
	[tilespmem:$0x1D580] =	vst v63  }
0x279: {  	s6 =	sadd.s32 @!p1 $0x3D0A00, s0;
	s28 =	sor.u32 @!p1 $0x7480, s5  }
0x27a: {  	[tilespmem:s28], [sflag:$0x1] =	stream.linear.gather @!p1 [hbm4b:s6+s19], $0x800, $0x38;
	[tilespmem:$0x1D580] =	vst v63  }
0x27b: {  	s6 =	sadd.s32 @!p1 $0x4C4C80, s0;
	s28 =	sadd.s32 @!p1 $0x8880, s5  }
0x27c: {  	[tilespmem:s28], [sflag:$0x1] =	stream.linear.gather @!p1 [hbm4b:s6+s19], $0x800, $0x38;
	[tilespmem:$0x1D580] =	vst v63  }
0x27d: {  	s6 =	sadd.s32 @!p1 $0x5B8F00, s0;
	s28 =	sadd.s32 @!p1 $0x9C80, s5  }
0x27e: {  	[tilespmem:s28], [sflag:$0x1] =	stream.linear.gather @!p1 [hbm4b:s6+s19], $0x800, $0x38;
	[tilespmem:$0x1D580] =	vst v63  }
0x27f: {  	s0 =	sadd.s32 @!p1 $0x6AD180, s0;
	s5 =	sor.u32 @!p1 $0xB080, s5  }
0x280: {  	[tilespmem:s5], [sflag:$0x1] =	stream.linear.gather @!p1 [hbm4b:s0+s19], $0x800, $0x38;
	[tilespmem:$0x1D580] =	vst v63  }
0x281: {  	v14 =	vld [tilespmem:s25+$0x2280]  }
0x282: {  	v15 =	vld [tilespmem:s26+$0x2280];
	_ =	sdelay $0x3  }
0x283: {  	(v2sf) =	vpush v14, $0x0  }
0x284: {  	(v2sf) =	vpush v15, $0x0;
	_ =	sdelay $0xd  }
0x285: {  	s5 =	spop (v2sf)  }
0x286: {  	s0 =	spop (v2sf)  }
0x287: {  	p1 =	sle.s32 s5, s0  }
.Ltmp16:
0x288: {  	_ = 	snop;
	(pc) =	sbr.rel @p1 .LBB2_24-.Ltmp16, $1  }
0x289: {  	_ =	sdelay $0x3  }
0x28a: {  	_ =	swait.ge [sflag:s2], $0x4000;
	s6 =	sshll.u32 s0, $0x2  }
0x28b: {  	[sflag:s2] =	ssyncset.done $0x0;
	s19 =	sshra.s32 s6, $0x2  }
0x28c: {  	[sflag:s2] =	ssyncadd.s32 $0xFFFFC000;
	s6 =	sadd.s32 $0x1900, s19  }
0x28d: {  	v14 =	vld [tilespmem:s6+$0x0];
	_ =	sdelay $0x4  }
0x28e: {  	(v2sf) =	vpush v14, $0x0;
	_ =	sdelay $0xb  }
0x28f: {  	s28 =	sadd.s32 $0x1D80, s19  }
0x290: {  	s24 =	sshll.u32 s26, $0x8;
	v14 =	vld.msk [tilespmem:s28+$0x0 ss:$0x0], $0xffff  }
0x291: {  	s24 =	sand.u32 $0xFFFFFE00, s24  }
0x292: {  	[dreg:$0x6] =	wrdreg s24;
	s24 =	spop (v2sf)  }
0x293: {  	s26 =	rddreg [dreg:$0x6];
	s7 =	sshrl.u32 s24, $0xE  }
0x294: {  	s19 =	ssub.s32 s7, s26  }
0x295: {  	v16 =	vshll.u32 v14, $0x3;
	v15 =	vmov s19  }
0x296: {  	v14 =	vand.u32 $0x7F, v14;
	v16 =	vand.u32 $0xFFFFFC00, v16;
	v17 =	vshll.u32 v15, $0x3  }
0x297: {  	v16 =	vor.u32 v14, v16;
	v15 =	vand.u32 $0x7F, v15;
	v17 =	vand.u32 $0xFFFFFC00, v17  }
0x298: {  	v14 =	vadd.s32 v6, v16;
	v15 =	vor.u32 v15, v17  }
0x299: {  	v17 =	vadd.s32 v5, v15;
	_ =	sdelay $0x3  }
0x29a: {  	v14 =	vld.idx.msk [tilespmem:v14+s3+$0x0], $0xffff;
	s26 =	sand.u32 $0xF, s22;
	s19 =	sand.u32 $0x1, s31  }
0x29b: {  	s29 =	sshll.u32 s26, $0x7;
	s30 =	sshll.u32 s19, $0xB;
	v17 =	vld.idx.msk [tilespmem:v17+s15+$0x0], $0xffff  }
0x29c: {  	s7 =	sor.u32 s29, s30  }
0x29d: {  	v18 =	vor.u32 s7, v2  }
0x29e: {  	v19 =	vadd.s32 v7, v15  }
0x29f: {  	v20 =	vadd.s32 v8, v16  }
0x2a0: {  	v14 =	vadd.f32 v14, v17;
	_ =	sdelay $0x1  }
0x2a1: {  	[tilespmem:v18+s16+$0x0] =	vst.idx.msk $0xffff, v14  }
0x2a2: {  	v14 =	vld.idx.msk [tilespmem:v19+s15+$0x0], $0xffff  }
0x2a3: {  	v17 =	vld.idx.msk [tilespmem:v20+s3+$0x0], $0xffff;
	_ =	sdelay $0x1  }
0x2a4: {  	v18 =	vor.u32 s7, v9  }
0x2a5: {  	v19 =	vadd.s32 v10, v15  }
0x2a6: {  	v63 =	vadd.s32 v11, v16  }
0x2a7: {  	v14 =	vadd.f32 v17, v14;
	_ =	sdelay $0x1  }
0x2a8: {  	[tilespmem:v18+s16+$0x0] =	vst.idx.msk $0xffff, v14  }
0x2a9: {  	v17 =	vld.idx.msk [tilespmem:v19+s15+$0x0], $0xffff  }
0x2aa: {  	v18 =	vld.idx.msk [tilespmem:v63+s3+$0x0], $0xffff  }
0x2ab: {  	v14 =	vor.u32 $0x20, v2  }
0x2ac: {  	v19 =	vor.u32 s7, v14  }
0x2ad: {  	v15 =	vadd.s32 v12, v15  }
0x2ae: {  	v16 =	vadd.s32 v13, v16  }
0x2af: {  	v17 =	vadd.f32 v18, v17;
	_ =	sdelay $0x1  }
0x2b0: {  	[tilespmem:v19+s16+$0x0] =	vst.idx.msk $0xffff, v17  }
0x2b1: {  	v17 =	vld.idx.msk [tilespmem:v15+s15+$0x0], $0xffff  }
0x2b2: {  	v16 =	vld.idx.msk [tilespmem:v16+s3+$0x0], $0xffff;
	_ =	sdelay $0x1  }
0x2b3: {  	s29 =	ssub.s32 s5, s0;
	v15 =	vor.u32 $0x30, v2  }
0x2b4: {  	s17 =	sadd.s32 s22, s5;
	s30 =	sadd.s32 $0xFFFFFFFF, s29;
	v18 =	vor.u32 s7, v15;
	s7 =	sshll.u32 s19, $0x7  }
0x2b5: {  	s29 =	ssub.s32 s17, s0;
	p1 =	seq.s32 s30, $0x0;
	s17 =	sor.u32 s26, s7  }
.Ltmp17:
0x2b6: {  	p2 =	seq.s32 s26, $0xF;
	s0 =	simm.s32 $0x1;
	v19 =	vadd.f32 v16, v17;
	v16 =	vmov s17;
	(pc) =	sbr.rel @p1 .LBB2_28-.Ltmp17, $4  }
0x2b7: {  	s0 =	simm.s32 @!p2 $0x0;
	p2 =	sne.s32 s26, $0xF  }
0x2b8: {  	s24 =	sand.u32 $0x3FFF, s24;
	p3 =	slt.s32 @!p2 s31, $0x1;
	s5 =	sshll.u32 @!p2 s19, $0xB  }
0x2b9: {  	p3 =	por p3, p2;
	s26 =	sadd.s32 s0, s31;
	s0 =	sshll.u32 @!p2 s19, $0x7  }
0x2ba: {  	s19 =	simm.s32 @!p3 $0x2;
	s31 =	sadd.s32 $0x1, s6;
	s0 =	sadd.s32 @!p2 $0x1D480, s0;
	v17 =	vmov s24;
	[tilespmem:v18+s16+$0x0] =	vst.idx.msk $0xffff, v19  }
.LBB2_27:
0x2bb: {  	[tilespmem:v16+s18+$0x0] =	vst.idx.msk $0x1, v17  }
0x2bc: {  	_ =	swait.ge @!p3 [sflag:s19], $0x800  }
0x2bd: {  	[sflag:s19] =	ssyncset.done @!p3 $0x0  }
0x2be: {  	s5 =	sor.u32 @!p2 $0x1C480, s5;
	s7 =	simm.s32 @!p2 $0x10;
	[sflag:s19] =	ssyncadd.s32 @!p3 $0xFFFFF800  }
0x2bf: {  	[hbm4b:s9+s7] =	stream.indirect.scatter @!p2 [tilespmem:s5], [sflag:$0x2], $0x80, s0, s7, $0xb8;
	[tilespmem:$0x1D580] =	vst v63  }
0x2c0: {  	v16 =	vld [tilespmem:s31+$0x0];
	_ =	sdelay $0x4  }
0x2c1: {  	(v2sf) =	vpush v16, $0x0;
	_ =	sdelay $0xb  }
0x2c2: {  	s28 =	sadd.s32 $0x1, s28  }
0x2c3: {  	v16 =	vld.msk [tilespmem:s28+$0x0 ss:$0x0], $0xffff;
	_ =	sdelay $0x1  }
0x2c4: {  	s17 =	spop (v2sf)  }
0x2c5: {  	s7 =	rddreg [dreg:$0x6];
	s19 =	sshrl.u32 s17, $0xE  }
0x2c6: {  	s0 =	ssub.s32 s19, s7  }
0x2c7: {  	v18 =	vand.u32 $0x7F, v16;
	v16 =	vshll.u32 v16, $0x3;
	v17 =	vmov s0  }
0x2c8: {  	v16 =	vand.u32 $0xFFFFFC00, v16;
	v19 =	vand.u32 $0x7F, v17;
	v17 =	vshll.u32 v17, $0x3  }
0x2c9: {  	v16 =	vor.u32 v18, v16;
	v17 =	vand.u32 $0xFFFFFC00, v17  }
0x2ca: {  	v18 =	vadd.s32 v6, v16;
	v17 =	vor.u32 v19, v17  }
0x2cb: {  	v19 =	vadd.s32 v5, v17;
	_ =	sdelay $0x2  }
0x2cc: {  	s22 =	sadd.s32 $0x1, s22  }
0x2cd: {  	s5 =	sand.u32 $0xF, s22;
	v18 =	vld.idx.msk [tilespmem:v18+s3+$0x0], $0xffff;
	s0 =	sand.u32 $0x1, s26  }
0x2ce: {  	s24 =	sand.u32 $0x3FFF, s17;
	s19 =	sshll.u32 s5, $0x7;
	s17 =	sshll.u32 s0, $0xB;
	v19 =	vld.idx.msk [tilespmem:v19+s15+$0x0], $0xffff  }
0x2cf: {  	s17 =	sor.u32 s19, s17  }
0x2d0: {  	v20 =	vor.u32 s17, v2  }
0x2d1: {  	v21 =	vadd.s32 v7, v17  }
0x2d2: {  	v22 =	vadd.s32 v8, v16  }
0x2d3: {  	v18 =	vadd.f32 v18, v19;
	_ =	sdelay $0x1  }
0x2d4: {  	[tilespmem:v20+s16+$0x0] =	vst.idx.msk $0xffff, v18  }
0x2d5: {  	v18 =	vld.idx.msk [tilespmem:v21+s15+$0x0], $0xffff  }
0x2d6: {  	v19 =	vld.idx.msk [tilespmem:v22+s3+$0x0], $0xffff;
	_ =	sdelay $0x1  }
0x2d7: {  	v60 =	vor.u32 s17, v9  }
0x2d8: {  	v61 =	vadd.s32 v10, v17  }
0x2d9: {  	v62 =	vadd.s32 v11, v16  }
0x2da: {  	v18 =	vadd.f32 v19, v18;
	_ =	sdelay $0x1  }
0x2db: {  	[tilespmem:v60+s16+$0x0] =	vst.idx.msk $0xffff, v18  }
0x2dc: {  	v18 =	vld.idx.msk [tilespmem:v61+s15+$0x0], $0xffff  }
0x2dd: {  	v19 =	vld.idx.msk [tilespmem:v62+s3+$0x0], $0xffff;
	_ =	sdelay $0x1  }
0x2de: {  	v63 =	vor.u32 s17, v14  }
0x2df: {  	v17 =	vadd.s32 v12, v17  }
0x2e0: {  	v16 =	vadd.s32 v13, v16  }
0x2e1: {  	v18 =	vadd.f32 v19, v18;
	_ =	sdelay $0x1  }
0x2e2: {  	[tilespmem:v63+s16+$0x0] =	vst.idx.msk $0xffff, v18  }
0x2e3: {  	v17 =	vld.idx.msk [tilespmem:v17+s15+$0x0], $0xffff  }
0x2e4: {  	v18 =	vld.idx.msk [tilespmem:v16+s3+$0x0], $0xffff  }
0x2e5: {  	s30 =	sadd.s32 $0xFFFFFFFF, s30  }
0x2e6: {  	s6 =	smov.u32 s26;
	p1 =	seq.s32 s30, $0x0;
	v19 =	vor.u32 s17, v15  }
.Ltmp18:
0x2e7: {  	p2 =	seq.s32 s5, $0xF;
	s19 =	simm.s32 $0x1;
	(pc) =	sbr.rel @!p1 .LBB2_27-.Ltmp18, $4  }
0x2e8: {  	s7 =	sshll.u32 s0, $0x7;
	s19 =	simm.s32 @!p2 $0x0;
	p2 =	sne.s32 s5, $0xF  }
0x2e9: {  	s31 =	sadd.s32 $0x1, s31;
	s7 =	sor.u32 s5, s7;
	p3 =	slt.s32 @!p2 s6, $0x1;
	v18 =	vadd.f32 v18, v17  }
0x2ea: {  	s5 =	sshll.u32 @!p2 s0, $0xB;
	s0 =	sshll.u32 @!p2 s0, $0x7;
	p3 =	por p3, p2  }
0x2eb: {  	s26 =	sadd.s32 s19, s26;
	s0 =	sadd.s32 @!p2 $0x1D480, s0;
	s19 =	simm.s32 @!p3 $0x2;
	v16 =	vmov s7;
	v17 =	vmov s24;
	[tilespmem:v19+s16+$0x0] =	vst.idx.msk $0xffff, v18  }
.Ltmp19:
0x2ec: {  	_ = 	snop;
	(pc) =	sbr.rel .LBB2_28-.Ltmp19, $1  }
0x2ed: {  	_ =	sdelay $0x3  }
.LBB2_29:
.Ltmp20:
0x2ee: {  	(pc) =	sbr.rel @p0 .LBB2_43-.Ltmp20, $1  }
0x2ef: {  	_ =	sdelay $0x3  }
0x2f0: {  	v14 =	vld [tilespmem:s14+$0x2280];
	_ =	sdelay $0x4  }
0x2f1: {  	(v2sf) =	vpush v14, $0x0;
	_ =	sdelay $0xe  }
0x2f2: {  	s5 =	spop (v2sf)  }
0x2f3: {  	p1 =	sge.s32 s5, s23  }
.Ltmp21:
0x2f4: {  	_ = 	snop;
	(pc) =	sbr.rel @p1 .LBB2_31-.Ltmp21, $1  }
0x2f5: {  	_ =	sdelay $0x3  }
0x2f6: {  	s0 =	sshll.u32 s5, $0x2  }
0x2f7: {  	s6 =	sshra.s32 s0, $0x2  }
0x2f8: {  	s0 =	sadd.s32 $0x1900, s6  }
0x2f9: {  	v14 =	vld [tilespmem:s0+$0x0];
	_ =	sdelay $0x4  }
0x2fa: {  	(v2sf) =	vpush v14, $0x0;
	_ =	sdelay $0xc  }
0x2fb: {  	s23 =	sadd.s32 $0x1D80, s6  }
0x2fc: {  	v14 =	vld.msk [tilespmem:s23+$0x0 ss:$0x0], $0xffff  }
0x2fd: {  	s7 =	spop (v2sf)  }
0x2fe: {  	s26 =	rddreg [dreg:$0x7];
	s17 =	sshrl.u32 s7, $0xE  }
0x2ff: {  	s6 =	ssub.s32 s17, s26  }
0x300: {  	s6 =	sadd.s32 $0x200, s6  }
0x301: {  	v16 =	vshll.u32 v14, $0x3;
	v15 =	vmov s6  }
0x302: {  	v14 =	vand.u32 $0x7F, v14;
	v16 =	vand.u32 $0xFFFFFC00, v16;
	v17 =	vshll.u32 v15, $0x3  }
0x303: {  	v16 =	vor.u32 v14, v16;
	v15 =	vand.u32 $0x7F, v15;
	v17 =	vand.u32 $0xFFFFFC00, v17  }
0x304: {  	v14 =	vadd.s32 v6, v16;
	v15 =	vor.u32 v15, v17  }
0x305: {  	v17 =	vadd.s32 v5, v15;
	_ =	sdelay $0x3  }
0x306: {  	s28 =	sand.u32 $0xF, s22;
	v14 =	vld.idx.msk [tilespmem:v14+s3+$0x0], $0xffff;
	s6 =	sand.u32 $0x1, s31  }
0x307: {  	s19 =	sshll.u32 s28, $0x7;
	s24 =	sshll.u32 s6, $0xB;
	v17 =	vld.idx.msk [tilespmem:v17+s15+$0x0], $0xffff  }
0x308: {  	s19 =	sor.u32 s19, s24  }
0x309: {  	v18 =	vor.u32 s19, v2  }
0x30a: {  	v19 =	vadd.s32 v7, v15  }
0x30b: {  	v20 =	vadd.s32 v8, v16  }
0x30c: {  	v14 =	vadd.f32 v14, v17;
	_ =	sdelay $0x1  }
0x30d: {  	[tilespmem:v18+s16+$0x0] =	vst.idx.msk $0xffff, v14  }
0x30e: {  	v14 =	vld.idx.msk [tilespmem:v19+s15+$0x0], $0xffff  }
0x30f: {  	v17 =	vld.idx.msk [tilespmem:v20+s3+$0x0], $0xffff;
	_ =	sdelay $0x1  }
0x310: {  	v18 =	vor.u32 s19, v9  }
0x311: {  	v19 =	vadd.s32 v10, v15  }
0x312: {  	v63 =	vadd.s32 v11, v16  }
0x313: {  	v14 =	vadd.f32 v17, v14;
	_ =	sdelay $0x1  }
0x314: {  	[tilespmem:v18+s16+$0x0] =	vst.idx.msk $0xffff, v14  }
0x315: {  	v17 =	vld.idx.msk [tilespmem:v19+s15+$0x0], $0xffff  }
0x316: {  	v18 =	vld.idx.msk [tilespmem:v63+s3+$0x0], $0xffff  }
0x317: {  	v14 =	vor.u32 $0x20, v2  }
0x318: {  	v19 =	vor.u32 s19, v14  }
0x319: {  	v15 =	vadd.s32 v12, v15  }
0x31a: {  	v16 =	vadd.s32 v13, v16  }
0x31b: {  	v17 =	vadd.f32 v18, v17;
	_ =	sdelay $0x1  }
0x31c: {  	[tilespmem:v19+s16+$0x0] =	vst.idx.msk $0xffff, v17  }
0x31d: {  	s29 =	ssub.s32 s21, s5;
	v17 =	vld.idx.msk [tilespmem:v15+s15+$0x0], $0xffff  }
0x31e: {  	s5 =	sadd.s32 s20, s29;
	v16 =	vld.idx.msk [tilespmem:v16+s3+$0x0], $0xffff  }
0x31f: {  	s20 =	sadd.s32 $0xFFFFFFFF, s5;
	v15 =	vor.u32 $0x30, v2  }
0x320: {  	p2 =	seq.s32 s28, $0xF;
	s5 =	simm.s32 $0x1;
	p1 =	sne.s32 s20, $0x0;
	v18 =	vor.u32 s19, v15  }
.Ltmp22:
0x321: {  	s5 =	simm.s32 @!p2 $0x0;
	p2 =	sne.s32 s28, $0xF;
	(pc) =	sbr.rel @!p1 .LBB2_34-.Ltmp22, $4  }
0x322: {  	s21 =	sadd.s32 s5, s31;
	p3 =	slt.s32 @!p2 s31, $0x1  }
0x323: {  	p3 =	por p3, p2;
	s30 =	sshll.u32 s6, $0x7;
	s5 =	sshll.u32 @!p2 s6, $0xB;
	v19 =	vadd.f32 v16, v17  }
0x324: {  	s6 =	sshll.u32 @!p2 s6, $0x7;
	s24 =	sand.u32 $0x3FFF, s7;
	s7 =	sor.u32 s28, s30  }
0x325: {  	s25 =	sadd.s32 $0x1, s0;
	s6 =	sadd.s32 @!p2 $0x1D480, s6;
	s19 =	simm.s32 @!p3 $0x2;
	v16 =	vmov s7;
	v17 =	vmov s24;
	[tilespmem:v18+s16+$0x0] =	vst.idx.msk $0xffff, v19  }
.LBB2_33:
0x326: {  	_ =	sdelay $0x3  }
0x327: {  	[tilespmem:v16+s18+$0x0] =	vst.idx.msk $0x1, v17  }
0x328: {  	_ =	swait.ge @!p3 [sflag:s19], $0x800  }
0x329: {  	[sflag:s19] =	ssyncset.done @!p3 $0x0  }
0x32a: {  	s0 =	sor.u32 @!p2 $0x1C480, s5;
	s5 =	simm.s32 @!p2 $0x10;
	[sflag:s19] =	ssyncadd.s32 @!p3 $0xFFFFF800  }
0x32b: {  	[hbm4b:s9+s5] =	stream.indirect.scatter @!p2 [tilespmem:s0], [sflag:$0x2], $0x80, s6, s5, $0xb8;
	[tilespmem:$0x1D580] =	vst v63  }
0x32c: {  	v16 =	vld [tilespmem:s25+$0x0];
	_ =	sdelay $0x4  }
0x32d: {  	(v2sf) =	vpush v16, $0x0;
	_ =	sdelay $0xc  }
0x32e: {  	s23 =	sadd.s32 $0x1, s23  }
0x32f: {  	v16 =	vld.msk [tilespmem:s23+$0x0 ss:$0x0], $0xffff  }
0x330: {  	s28 =	spop (v2sf)  }
0x331: {  	s19 =	rddreg [dreg:$0x7];
	s29 =	sshrl.u32 s28, $0xE  }
0x332: {  	s0 =	ssub.s32 s29, s19  }
0x333: {  	s0 =	sadd.s32 $0x200, s0  }
0x334: {  	v18 =	vand.u32 $0x7F, v16;
	v16 =	vshll.u32 v16, $0x3;
	v17 =	vmov s0  }
0x335: {  	v16 =	vand.u32 $0xFFFFFC00, v16;
	v19 =	vand.u32 $0x7F, v17;
	v17 =	vshll.u32 v17, $0x3  }
0x336: {  	v16 =	vor.u32 v18, v16;
	v17 =	vand.u32 $0xFFFFFC00, v17  }
0x337: {  	v18 =	vadd.s32 v6, v16;
	v17 =	vor.u32 v19, v17  }
0x338: {  	v19 =	vadd.s32 v5, v17;
	_ =	sdelay $0x2  }
0x339: {  	s22 =	sadd.s32 $0x1, s22  }
0x33a: {  	s30 =	sand.u32 $0xF, s22;
	v18 =	vld.idx.msk [tilespmem:v18+s3+$0x0], $0xffff;
	s0 =	sand.u32 $0x1, s21  }
0x33b: {  	s7 =	sshll.u32 s30, $0x7;
	s17 =	sshll.u32 s0, $0xB;
	v19 =	vld.idx.msk [tilespmem:v19+s15+$0x0], $0xffff  }
0x33c: {  	s7 =	sor.u32 s7, s17  }
0x33d: {  	v20 =	vor.u32 s7, v2  }
0x33e: {  	v21 =	vadd.s32 v7, v17  }
0x33f: {  	v22 =	vadd.s32 v8, v16  }
0x340: {  	v18 =	vadd.f32 v18, v19;
	_ =	sdelay $0x1  }
0x341: {  	[tilespmem:v20+s16+$0x0] =	vst.idx.msk $0xffff, v18  }
0x342: {  	v18 =	vld.idx.msk [tilespmem:v21+s15+$0x0], $0xffff  }
0x343: {  	v19 =	vld.idx.msk [tilespmem:v22+s3+$0x0], $0xffff;
	_ =	sdelay $0x1  }
0x344: {  	v60 =	vor.u32 s7, v9  }
0x345: {  	v61 =	vadd.s32 v10, v17  }
0x346: {  	v62 =	vadd.s32 v11, v16  }
0x347: {  	v18 =	vadd.f32 v19, v18;
	_ =	sdelay $0x1  }
0x348: {  	[tilespmem:v60+s16+$0x0] =	vst.idx.msk $0xffff, v18  }
0x349: {  	v18 =	vld.idx.msk [tilespmem:v61+s15+$0x0], $0xffff  }
0x34a: {  	v19 =	vld.idx.msk [tilespmem:v62+s3+$0x0], $0xffff;
	_ =	sdelay $0x1  }
0x34b: {  	v63 =	vor.u32 s7, v14  }
0x34c: {  	v17 =	vadd.s32 v12, v17  }
0x34d: {  	v16 =	vadd.s32 v13, v16  }
0x34e: {  	v18 =	vadd.f32 v19, v18;
	_ =	sdelay $0x1  }
0x34f: {  	[tilespmem:v63+s16+$0x0] =	vst.idx.msk $0xffff, v18  }
0x350: {  	v17 =	vld.idx.msk [tilespmem:v17+s15+$0x0], $0xffff  }
0x351: {  	v18 =	vld.idx.msk [tilespmem:v16+s3+$0x0], $0xffff  }
0x352: {  	s20 =	sadd.s32 $0xFFFFFFFF, s20  }
0x353: {  	s26 =	smov.u32 s21;
	p1 =	sne.s32 s20, $0x0;
	p2 =	seq.s32 s30, $0xF;
	v19 =	vor.u32 s7, v15  }
.Ltmp23:
0x354: {  	s25 =	sadd.s32 $0x1, s25;
	s17 =	simm.s32 $0x1;
	(pc) =	sbr.rel @p1 .LBB2_33-.Ltmp23, $4  }
0x355: {  	s31 =	sshll.u32 s0, $0x7;
	s17 =	simm.s32 @!p2 $0x0;
	p2 =	sne.s32 s30, $0xF  }
0x356: {  	s24 =	sand.u32 $0x3FFF, s28;
	s6 =	sor.u32 s30, s31;
	p3 =	slt.s32 @!p2 s26, $0x1;
	v18 =	vadd.f32 v18, v17  }
0x357: {  	s5 =	sshll.u32 @!p2 s0, $0xB;
	s0 =	sshll.u32 @!p2 s0, $0x7;
	p3 =	por p3, p2  }
0x358: {  	s21 =	sadd.s32 s17, s21;
	s19 =	simm.s32 @!p3 $0x2;
	v16 =	vmov s6;
	s6 =	sadd.s32 @!p2 $0x1D480, s0;
	v17 =	vmov s24;
	[tilespmem:v19+s16+$0x0] =	vst.idx.msk $0xffff, v18  }
.LBB2_34:
0x359: {  	_ =	sdelay $0x3  }
.Ltmp24:
0x35a: {  	[tilespmem:v16+s18+$0x0] =	vst.idx.msk $0x1, v17;
	(pc) =	sbr.rel .LBB2_35-.Ltmp24, $4  }
0x35b: {  	s0 =	sor.u32 @!p2 $0x1C480, s5;
	_ =	swait.ge @!p3 [sflag:s19], $0x800  }
0x35c: {  	s5 =	simm.s32 @!p2 $0x10;
	s22 =	sadd.s32 $0x1, s22;
	[sflag:s19] =	ssyncset.done @!p3 $0x0  }
0x35d: {  	s31 =	smov.u32 s21;
	s17 =	sld [smem:$0x7FD];
	[sflag:s19] =	ssyncadd.s32 @!p3 $0xFFFFF800  }
0x35e: {  	[hbm4b:s9+s5] =	stream.indirect.scatter @!p2 [tilespmem:s0], [sflag:$0x2], $0x80, s6, s5, $0xb8;
	[tilespmem:$0x1D580] =	vst v63  }
.LBB2_43:
0x35f: {  	s0 =	sand.u32 $0xF, s22  }
0x360: {  	p1 =	slt.s32 s31, $0x1;
	p2 =	seq.s32 s0, $0x0  }
.Ltmp25:
0x361: {  	s5 =	simm.s32 @!p1 $0x2;
	(pc) =	sbr.rel @p2 .LBB2_52-.Ltmp25, $4  }
0x362: {  	_ =	swait.ge @!p1 [sflag:s5], $0x800  }
0x363: {  	s17 =	sld [smem:$0x7FD]  }
0x364: {  	[sflag:s5] =	ssyncset.done @!p1 $0x0  }
0x365: {  	[sflag:s5] =	ssyncadd.s32 @!p1 $0xFFFFF800  }
0x366: {  	s20 =	sand.u32 $0x1, s31  }
0x367: {  	p2 =	sne.s32 s0, $0xF;
	s6 =	sshll.u32 s20, $0x4  }
.Ltmp26:
0x368: {  	v14 =	vmov s0;
	s7 =	sshll.u32 s20, $0x7;
	s5 =	sor.u32 s6, s0;
	(pc) =	sbr.rel @!p2 .LBB2_45-.Ltmp26, $4  }
0x369: {  	v18 =	vand.u32 $0x7F, v14;
	v21 =	vmov s7;
	s5 =	sshll.u32 s5, $0x7  }
0x36a: {  	v16 =	vmov s24;
	v15 =	vor.u32 $0x20, v2;
	v22 =	vadd.s32 v21, v18;
	s5 =	sadd.s32 $0xFFFFFF80, s5  }
0x36b: {  	v14 =	vor.u32 $0x30, v2;
	v22 =	vbroadcast v22, $0x0;
	v19 =	vor.u32 s5, v2  }
0x36c: {  	s21 =	sadd.s32 $0x1, s0;
	p1 =	por $0x0, $0x0;
	v17 =	vor.u32 s5, v9;
	v20 =	vor.u32 s5, v15;
	v18 =	vor.u32 s5, v14  }
0x36d: {  	_ =	sdelay $0x2  }
0x36e: {  	s0 =	sadd.s32 s0, s6  }
0x36f: {  	[tilespmem:v22+s18+$0x0] =	vst.idx.msk $0x1, v16;
	s5 =	sshll.u32 s0, $0x7  }
0x370: {  	v22 =	vld.idx.msk [tilespmem:v19+s16+$0x0], $0xffff;
	v23 =	vor.u32 s5, v2;
	_ =	sdelay $0x4  }
0x371: {  	[tilespmem:v23+s16+$0x0] =	vst.idx.msk $0xffff, v22  }
0x372: {  	v23 =	vor.u32 s5, v9;
	v22 =	vld.idx.msk [tilespmem:v17+s16+$0x0], $0xffff;
	_ =	sdelay $0x4  }
0x373: {  	[tilespmem:v23+s16+$0x0] =	vst.idx.msk $0xffff, v22  }
0x374: {  	v23 =	vor.u32 s5, v15;
	v22 =	vld.idx.msk [tilespmem:v20+s16+$0x0], $0xffff  }
0x375: {  	p2 =	sne.s32 s21, $0xF  }
.Ltmp27:
0x376: {  	_ = 	snop;
	(pc) =	sbr.rel @!p2 .LBB2_47-.Ltmp27, $4  }
0x377: {  	v24 =	vmov s21  }
0x378: {  	v24 =	vand.u32 $0x7F, v24  }
0x379: {  	[tilespmem:v23+s16+$0x0] =	vst.idx.msk $0xffff, v22;
	v22 =	vadd.s32 v21, v24  }
0x37a: {  	p1 =	por $0x1, $0x1;
	s0 =	sadd.s32 $0x1, s21;
	v24 =	vor.u32 s5, v14;
	v23 =	vld.idx.msk [tilespmem:v18+s16+$0x0], $0xffff;
	v22 =	vbroadcast v22, $0x0  }
.LBB2_48:
0x37b: {  	_ =	sdelay $0x3  }
0x37c: {  	p2 =	sne.s32 s0, $0xF;
	s5 =	smov.u32 s0;
	s0 =	sadd.s32 $0x1, s0;
	[tilespmem:v24+s16+$0x0] =	vst.idx.msk $0xffff, v23  }
0x37d: {  	s7 =	sadd.s32 s21, s6;
	s21 =	smov.u32 s5;
	[tilespmem:v22+s18+$0x0] =	vst.idx.msk $0x1, v16  }
0x37e: {  	s5 =	sshll.u32 s7, $0x7;
	v22 =	vld.idx.msk [tilespmem:v19+s16+$0x0], $0xffff  }
0x37f: {  	v23 =	vor.u32 s5, v2;
	_ =	sdelay $0x4  }
0x380: {  	[tilespmem:v23+s16+$0x0] =	vst.idx.msk $0xffff, v22  }
0x381: {  	v22 =	vld.idx.msk [tilespmem:v17+s16+$0x0], $0xffff  }
0x382: {  	v23 =	vor.u32 s5, v9;
	_ =	sdelay $0x4  }
0x383: {  	[tilespmem:v23+s16+$0x0] =	vst.idx.msk $0xffff, v22  }
0x384: {  	v22 =	vld.idx.msk [tilespmem:v20+s16+$0x0], $0xffff  }
0x385: {  	v23 =	vor.u32 s5, v15;
	_ =	sdelay $0x2  }
.Ltmp28:
0x386: {  	(pc) =	sbr.rel @p2 .LBB2_48-.Ltmp28, $4  }
0x387: {  	v24 =	vmov s21  }
0x388: {  	v24 =	vand.u32 $0x7F, v24;
	[tilespmem:v23+s16+$0x0] =	vst.idx.msk $0xffff, v22  }
0x389: {  	v22 =	vadd.s32 v21, v24;
	v23 =	vld.idx.msk [tilespmem:v18+s16+$0x0], $0xffff  }
0x38a: {  	v24 =	vor.u32 s5, v14;
	v22 =	vbroadcast v22, $0x0  }
.Ltmp29:
0x38b: {  	(pc) =	sbr.rel .LBB2_50-.Ltmp29, $2  }
0x38c: {  	_ =	sdelay $0x2  }
0x38d: {  	s0 =	smov.u32 s21  }
.LBB2_31:
0x38e: {  	s17 =	sld [smem:$0x7FD]  }
.LBB2_35:
0x38f: {  	s0 =	sand.u32 $0xF, s22  }
0x390: {  	p2 =	seq.s32 s0, $0x0  }
.Ltmp30:
0x391: {  	p1 =	slt.s32 s31, $0x1;
	(pc) =	sbr.rel @p2 .LBB2_52-.Ltmp30, $4  }
0x392: {  	s5 =	simm.s32 @!p1 $0x2  }
0x393: {  	_ =	swait.ge @!p1 [sflag:s5], $0x800  }
0x394: {  	[sflag:s5] =	ssyncset.done @!p1 $0x0  }
0x395: {  	[sflag:s5] =	ssyncadd.s32 @!p1 $0xFFFFF800  }
0x396: {  	s20 =	sand.u32 $0x1, s31  }
0x397: {  	p2 =	seq.s32 s0, $0xF;
	s6 =	sshll.u32 s20, $0x4  }
.Ltmp31:
0x398: {  	v14 =	vmov s0;
	s7 =	sshll.u32 s20, $0x7;
	s5 =	sor.u32 s6, s0;
	(pc) =	sbr.rel @p2 .LBB2_37-.Ltmp31, $4  }
0x399: {  	v18 =	vand.u32 $0x7F, v14;
	v21 =	vmov s7;
	s5 =	sshll.u32 s5, $0x7  }
0x39a: {  	v16 =	vmov s24;
	v15 =	vor.u32 $0x20, v2;
	v22 =	vadd.s32 v21, v18;
	s5 =	sadd.s32 $0xFFFFFF80, s5  }
0x39b: {  	v14 =	vor.u32 $0x30, v2;
	v22 =	vbroadcast v22, $0x0;
	v19 =	vor.u32 s5, v2  }
0x39c: {  	s21 =	sadd.s32 $0x1, s0;
	p1 =	por $0x0, $0x0;
	v17 =	vor.u32 s5, v9;
	v20 =	vor.u32 s5, v15;
	v18 =	vor.u32 s5, v14  }
0x39d: {  	_ =	sdelay $0x2  }
0x39e: {  	s0 =	sadd.s32 s0, s6  }
0x39f: {  	[tilespmem:v22+s18+$0x0] =	vst.idx.msk $0x1, v16;
	s5 =	sshll.u32 s0, $0x7  }
0x3a0: {  	v22 =	vld.idx.msk [tilespmem:v19+s16+$0x0], $0xffff;
	v23 =	vor.u32 s5, v2;
	_ =	sdelay $0x4  }
0x3a1: {  	[tilespmem:v23+s16+$0x0] =	vst.idx.msk $0xffff, v22  }
0x3a2: {  	v23 =	vor.u32 s5, v9;
	v22 =	vld.idx.msk [tilespmem:v17+s16+$0x0], $0xffff;
	_ =	sdelay $0x4  }
0x3a3: {  	[tilespmem:v23+s16+$0x0] =	vst.idx.msk $0xffff, v22  }
0x3a4: {  	v23 =	vor.u32 s5, v15;
	v22 =	vld.idx.msk [tilespmem:v20+s16+$0x0], $0xffff  }
0x3a5: {  	p2 =	seq.s32 s21, $0xF  }
.Ltmp32:
0x3a6: {  	_ = 	snop;
	(pc) =	sbr.rel @p2 .LBB2_39-.Ltmp32, $4  }
0x3a7: {  	v24 =	vmov s21  }
0x3a8: {  	v24 =	vand.u32 $0x7F, v24  }
0x3a9: {  	[tilespmem:v23+s16+$0x0] =	vst.idx.msk $0xffff, v22;
	v22 =	vadd.s32 v21, v24  }
0x3aa: {  	p1 =	por $0x1, $0x1;
	s0 =	sadd.s32 $0x1, s21;
	v24 =	vor.u32 s5, v14;
	v23 =	vld.idx.msk [tilespmem:v18+s16+$0x0], $0xffff;
	v22 =	vbroadcast v22, $0x0  }
.LBB2_40:
0x3ab: {  	_ =	sdelay $0x3  }
0x3ac: {  	p2 =	seq.s32 s0, $0xF;
	s5 =	smov.u32 s0;
	s0 =	sadd.s32 $0x1, s0;
	[tilespmem:v24+s16+$0x0] =	vst.idx.msk $0xffff, v23  }
0x3ad: {  	s7 =	sadd.s32 s21, s6;
	s21 =	smov.u32 s5;
	[tilespmem:v22+s18+$0x0] =	vst.idx.msk $0x1, v16  }
0x3ae: {  	s5 =	sshll.u32 s7, $0x7;
	v22 =	vld.idx.msk [tilespmem:v19+s16+$0x0], $0xffff  }
0x3af: {  	v23 =	vor.u32 s5, v2;
	_ =	sdelay $0x4  }
0x3b0: {  	[tilespmem:v23+s16+$0x0] =	vst.idx.msk $0xffff, v22  }
0x3b1: {  	v22 =	vld.idx.msk [tilespmem:v17+s16+$0x0], $0xffff  }
0x3b2: {  	v23 =	vor.u32 s5, v9;
	_ =	sdelay $0x4  }
0x3b3: {  	[tilespmem:v23+s16+$0x0] =	vst.idx.msk $0xffff, v22  }
0x3b4: {  	v22 =	vld.idx.msk [tilespmem:v20+s16+$0x0], $0xffff  }
0x3b5: {  	v23 =	vor.u32 s5, v15;
	_ =	sdelay $0x2  }
.Ltmp33:
0x3b6: {  	(pc) =	sbr.rel @!p2 .LBB2_40-.Ltmp33, $4  }
0x3b7: {  	v24 =	vmov s21  }
0x3b8: {  	v24 =	vand.u32 $0x7F, v24;
	[tilespmem:v23+s16+$0x0] =	vst.idx.msk $0xffff, v22  }
0x3b9: {  	v22 =	vadd.s32 v21, v24;
	v23 =	vld.idx.msk [tilespmem:v18+s16+$0x0], $0xffff  }
0x3ba: {  	v24 =	vor.u32 s5, v14;
	v22 =	vbroadcast v22, $0x0  }
0x3bb: {  	s0 =	smov.u32 s21  }
.LBB2_42:
0x3bc: {  	_ =	sdelay $0x3  }
0x3bd: {  	s0 =	sadd.s32 s0, s6;
	[tilespmem:v24+s16+$0x0] =	vst.idx.msk @p1 $0xffff, v23  }
0x3be: {  	s0 =	sshll.u32 s0, $0x7;
	[tilespmem:v22+s18+$0x0] =	vst.idx.msk $0x1, v16  }
0x3bf: {  	v62 =	vor.u32 s0, v2;
	v16 =	vld.idx.msk [tilespmem:v19+s16+$0x0], $0xffff;
	_ =	sdelay $0x4  }
0x3c0: {  	[tilespmem:v62+s16+$0x0] =	vst.idx.msk $0xffff, v16  }
0x3c1: {  	v63 =	vor.u32 s0, v9;
	v16 =	vld.idx.msk [tilespmem:v17+s16+$0x0], $0xffff;
	_ =	sdelay $0x4  }
0x3c2: {  	[tilespmem:v63+s16+$0x0] =	vst.idx.msk $0xffff, v16  }
0x3c3: {  	v15 =	vor.u32 s0, v15;
	v16 =	vld.idx.msk [tilespmem:v20+s16+$0x0], $0xffff;
	_ =	sdelay $0x4  }
0x3c4: {  	[tilespmem:v15+s16+$0x0] =	vst.idx.msk $0xffff, v16  }
0x3c5: {  	v14 =	vor.u32 s0, v14;
	v15 =	vld.idx.msk [tilespmem:v18+s16+$0x0], $0xffff  }
.Ltmp34:
0x3c6: {  	_ = 	snop;
	(pc) =	sbr.rel .LBB2_51-.Ltmp34, $2  }
0x3c7: {  	_ =	sdelay $0x2  }
0x3c8: {  	[tilespmem:v14+s16+$0x0] =	vst.idx.msk $0xffff, v15  }
.LBB2_37:
.Ltmp35:
0x3c9: {  	(pc) =	sbr.rel .LBB2_42-.Ltmp35, $2  }
0x3ca: {  	_ =	sdelay $0x2  }
0x3cb: {  	_ = 	snop  }
.LBB2_47:
.Ltmp36:
0x3cc: {  	(pc) =	sbr.rel .LBB2_50-.Ltmp36, $2  }
0x3cd: {  	_ =	sdelay $0x2  }
0x3ce: {  	s0 =	smov.u32 s21  }
.LBB2_39:
.Ltmp37:
0x3cf: {  	(pc) =	sbr.rel .LBB2_42-.Ltmp37, $2  }
0x3d0: {  	_ =	sdelay $0x2  }
0x3d1: {  	s0 =	smov.u32 s21  }
.LBB2_53:
0x3d2: {  	_ =	sfence.sel $0x180000  }
0x3d3: {  	[bflag:$0x0] =	sbarrier.arrive $0xFFFF  }
0x3d4: {  	_ =	strace $0x90000047  }
0x3d5: {  	s0 =	stileid.u32;
	[bflag:$0x2] =	sbarrier.arrive $0xFFFF  }
0x3d6: {  	p0 =	sne.s32 s0, $0x0;
	s0 =	rddreg [dreg:$0x5]  }
0x3d7: {  	s0 =	sadd.s32 @!p0 $0x100000, s0  }
0x3d8: {  	[sflag:s0] =	ssyncadd.tile.s32 @!p0 $0x1;
	_ =	shalt  }
.Lfunc_end2:
_tile_overlayer_lowered:
.L_overlay_start_2:
0x3d9: {  	(tag) =	ssettag $0x2  }
0x3da: {  	s0 =	rddreg [dreg:$0x0];
	s2 =	stileid.u32  }
0x3db: {  	s1 =	rddreg [dreg:$0x1];
	p0 =	sne.s32 s2, $0x0  }
0x3dc: {  	s3 =	rddreg [dreg:$0x2];
	[bflag:$0x3] =	sbarrier.arrive $0xFFFF;
	s2 =	simm.s32 @!p0 $0x1C03  }
0x3dd: {  	[timem:s3], [sflag:s2] =	dma.local @!p0 [hbm:s0], s1  }
0x3de: {  	s0 =	simm.s32 @!p0 $0x3  }
0x3df: {  	_ =	swait.ge @!p0 [sflag:s0], s1  }
0x3e0: {  	s1 =	ssub.s32 @!p0 $0x0, s1;
	[sflag:s0] =	ssyncset.done @!p0 $0x0  }
0x3e1: {  	[sflag:s0] =	ssyncadd.s32 @!p0 s1  }
0x3e2: {  	[bflag:$0x3] =	sbarrier.arrive $0xFFFF  }
0x3e3: {  	_ =	shalt  }

</sc_bundles>
